<compile_context>
chip_gen: v7x
topology: tpu7x:2x2x1
jax: 0.10.2.dev20260603
libtpu: 0.0.44.dev20260713+nightly
codegen_flags: <defaults>
</compile_context>

<pallas_src>
import jax
import jax.numpy as jnp
from jax import lax
from jax.experimental import pallas as pl
from jax.experimental.pallas import tpu as pltpu
from jax.experimental.pallas import tpu_sc as plsc

N = 10000
E = 320000
D = 128
NCLS = 40

NC = 2
NS = 16
NW = NC * NS
CH = 128
EPAD = NW * CH * 80
ROWS2D = EPAD // CH
NCHUNK = ROWS2D // NW
NPAD = 10240
RZ = NPAD // NS
DBLK = 16

_mesh = plsc.VectorSubcoreMesh(
    core_axis_name="c", subcore_axis_name="s", num_cores=NC, num_subcores=NS
)


def _seg_sum_body(table, src2d, dst2d, out, sidx, didx0, didx1, rows_a,
                  rows_b, acc, sem_a, sem_b, sem_i, sem_d):
    c = lax.axis_index("c")
    s = lax.axis_index("s")
    wid = s * NC + c

    pltpu.async_copy(src2d.at[pl.ds(wid * NCHUNK, NCHUNK)], sidx, sem_i)
    pltpu.async_copy(dst2d.at[pl.ds(wid * NCHUNK, DBLK)], didx0, sem_d)

    def _zrow(i, carry):
        def _zcol(j, carry2):
            rows_a[i, pl.ds(j * 16, 16)] = jnp.zeros((16,), jnp.float32)
            return carry2
        return lax.fori_loop(0, D // 16, _zcol, carry)
    lax.fori_loop(0, CH, _zrow, 0)

    def _zslice(k, carry):
        pltpu.sync_copy(rows_a, acc.at[pl.ds(s * RZ + k * CH, CH)])
        return carry
    lax.fori_loop(0, RZ // CH, _zslice, 0)

    def _wait(buf, s_):
        pltpu.make_async_copy(table.at[sidx.at[0]], buf, s_).wait()

    def _wait_didx(buf):
        pltpu.make_async_copy(dst2d.at[pl.ds(0, DBLK)], buf, sem_d).wait()

    def _gather(j, buf, s_):
        pltpu.async_copy(table.at[sidx.at[j]], buf, s_)

    pltpu.make_async_copy(src2d.at[pl.ds(0, NCHUNK)], sidx, sem_i).wait()
    _gather(0, rows_a, sem_a)
    plsc.subcore_barrier()

    dbufs = (didx0, didx1)
    for b in range(NCHUNK // DBLK):
        didx = dbufs[b % 2]
        _wait_didx(didx)
        if b + 1 < NCHUNK // DBLK:
            pltpu.async_copy(
                dst2d.at[pl.ds(wid * NCHUNK + (b + 1) * DBLK, DBLK)],
                dbufs[(b + 1) % 2], sem_d)

        def _chunk(jj, carry2, b=b, didx=didx):
            j = b * DBLK + 2 * jj
            jl = 2 * jj
            _gather(j + 1, rows_b, sem_b)
            _wait(rows_a, sem_a)
            pltpu.sync_copy(rows_a, acc.at[didx.at[jl]], add=True)
            jn = (j + 2) % NCHUNK if b + 1 == NCHUNK // DBLK else j + 2
            _gather(jn, rows_a, sem_a)
            _wait(rows_b, sem_b)
            pltpu.sync_copy(rows_b, acc.at[didx.at[jl + 1]], add=True)
            return carry2
        lax.fori_loop(0, DBLK // 2, _chunk, 0)
    _wait(rows_a, sem_a)
    plsc.subcore_barrier()

    pltpu.sync_copy(acc.at[pl.ds(s * RZ, RZ)], out.at[c, pl.ds(s * RZ, RZ)])


_seg_sum = pl.kernel(
    _seg_sum_body,
    out_type=jax.ShapeDtypeStruct((NC, NPAD, D), jnp.float32),
    mesh=_mesh,
    scratch_types=[
        pltpu.VMEM((NCHUNK, CH), jnp.int32),
        pltpu.VMEM((DBLK, CH), jnp.int32),
        pltpu.VMEM((DBLK, CH), jnp.int32),
        pltpu.VMEM((CH, D), jnp.float32),
        pltpu.VMEM((CH, D), jnp.float32),
        pltpu.VMEM_SHARED((NPAD, D), jnp.float32),
        pltpu.SemaphoreType.DMA,
        pltpu.SemaphoreType.DMA,
        pltpu.SemaphoreType.DMA,
        pltpu.SemaphoreType.DMA,
    ],
)

BLK1 = 1024
BLK2 = 1000


def _lin_relu_body(p, w, b, out):
    a = p[0] + p[1]
    h = jnp.dot(a, w[...], preferred_element_type=jnp.float32) + b[...]
    out[...] = jnp.maximum(h, 0.0)


def _lin_relu(p, w, b):
    return pl.pallas_call(
        _lin_relu_body,
        grid=(NPAD // BLK1,),
        in_specs=[
            pl.BlockSpec((NC, BLK1, D), lambda i: (0, i, 0)),
            pl.BlockSpec((D, D), lambda i: (0, 0)),
            pl.BlockSpec((1, D), lambda i: (0, 0)),
        ],
        out_specs=pl.BlockSpec((BLK1, D), lambda i: (i, 0)),
        out_shape=jax.ShapeDtypeStruct((NPAD, D), jnp.float32),
    )(p, w, b)


def _final_body(q, w, b, wp, bp, out, acc):
    i = pl.program_id(0)
    a = q[0] + q[1]
    h = jnp.maximum(jnp.dot(a, w[...], preferred_element_type=jnp.float32) + b[...], 0.0)
    colsum = jnp.sum(h, axis=0, keepdims=True)

    @pl.when(i == 0)
    def _():
        acc[...] = colsum

    @pl.when(i > 0)
    def _():
        acc[...] = acc[...] + colsum

    @pl.when(i == N // BLK2 - 1)
    def _():
        g = acc[...] * (1.0 / N)
        out[...] = jnp.dot(g, wp[...], preferred_element_type=jnp.float32) + bp[...]


def _final(q, w, b, wp, bp):
    return pl.pallas_call(
        _final_body,
        grid=(N // BLK2,),
        in_specs=[
            pl.BlockSpec((NC, BLK2, D), lambda i: (0, i, 0)),
            pl.BlockSpec((D, D), lambda i: (0, 0)),
            pl.BlockSpec((1, D), lambda i: (0, 0)),
            pl.BlockSpec((D, D), lambda i: (0, 0)),
            pl.BlockSpec((1, D), lambda i: (0, 0)),
        ],
        out_specs=pl.BlockSpec((1, D), lambda i: (0, 0)),
        out_shape=jax.ShapeDtypeStruct((1, D), jnp.float32),
        scratch_shapes=[pltpu.VMEM((1, D), jnp.float32)],
    )(q, w, b, wp, bp)


def kernel(feature, edge_index, W1, b1, W2, b2, Wp, bp):
    npad = EPAD - E
    pad_src = jnp.arange(npad, dtype=jnp.int32) % N
    src2d = jnp.concatenate([edge_index[0], pad_src]).reshape(ROWS2D, CH)
    pad_dst = N + jnp.arange(npad, dtype=jnp.int32) % (NPAD - N)
    dst2d = jnp.concatenate([edge_index[1], pad_dst]).reshape(ROWS2D, CH)

    p = _seg_sum(feature, src2d, dst2d)
    h1 = _lin_relu(p, W1, b1.reshape(1, D))
    q = _seg_sum(h1, src2d, dst2d)

    wp_pad = jnp.zeros((D, D), jnp.float32).at[:, :NCLS].set(Wp)
    bp_pad = jnp.zeros((1, D), jnp.float32).at[:, :NCLS].set(bp)
    out = _final(q, W2, b2.reshape(1, D), wp_pad, bp_pad)
    return out[:, :NCLS]

# --- scband reference (transcript-rebuilt; emitter-appended) ---
"""Pipeline reference for scband-custom-gcn-only-nfeat-sum-msg-16492674417025 (READ-ONLY COPY).

The authoritative reference and input builder live on the scoring server;
editing this copy changes nothing except your own understanding.
"""

import jax, jax.numpy as jnp
import numpy as np

N_NODES = 10000
N_EDGES = 320000
D_IN = 128
D_H = 128
N_CLASSES = 40


def setup_inputs(seed: int = 0) -> dict:
    key = jax.random.key(seed)
    ks = jax.random.split(key, 9)
    x = jax.random.normal(ks[0], (N_NODES, D_IN), dtype=jnp.float32)
    edge_index = jax.random.randint(ks[1], (2, N_EDGES), 0, N_NODES, dtype=jnp.int32)
    s1 = 1.0 / np.sqrt(D_IN)
    s2 = 1.0 / np.sqrt(D_H)
    W1 = jax.random.uniform(ks[2], (D_IN, D_H), dtype=jnp.float32, minval=-s1, maxval=s1)
    b1 = jax.random.uniform(ks[3], (D_H,), dtype=jnp.float32, minval=-s1, maxval=s1)
    W2 = jax.random.uniform(ks[4], (D_H, D_H), dtype=jnp.float32, minval=-s2, maxval=s2)
    b2 = jax.random.uniform(ks[5], (D_H,), dtype=jnp.float32, minval=-s2, maxval=s2)
    Wp = jax.random.uniform(ks[6], (D_H, N_CLASSES), dtype=jnp.float32, minval=-s2, maxval=s2)
    bp = jax.random.uniform(ks[7], (N_CLASSES,), dtype=jnp.float32, minval=-s2, maxval=s2)
    return {"feature": x, "edge_index": edge_index, "W1": W1, "b1": b1, "W2": W2, "b2": b2, "Wp": Wp, "bp": bp}


def reference(feature, edge_index, W1, b1, W2, b2, Wp, bp):
    src = edge_index[0]
    dst = edge_index[1]
    # layer 1: copy_u -> sum reduce at dst, then linear, relu
    m1 = jnp.take(feature, src, axis=0)
    agg1 = jax.ops.segment_sum(m1, dst, num_segments=N_NODES)
    h = jax.nn.relu(agg1 @ W1 + b1)
    # layer 2 (num_messagepasses=2 -> one extra layer); dropout=0 is identity
    m2 = jnp.take(h, src, axis=0)
    agg2 = jax.ops.segment_sum(m2, dst, num_segments=N_NODES)
    h = jax.nn.relu(agg2 @ W2 + b2)
    # dgl.mean_nodes over a single (non-batched) graph -> [1, D_H]
    g = jnp.mean(h, axis=0, keepdims=True)
    return g @ Wp + bp

if __name__ == "__main__":
    import jax
    _d = setup_inputs()
    print(jax.jit(kernel)(*tuple(_d.values())))

</pallas_src>

<mosaic_0001>
#map = affine_map<(d0, d1) -> (0, 0)>
#map1 = affine_map<(d0, d1) -> (0, 0, 0)>
module attributes {stable_mosaic.version = 14 : i64} {
  func.func @_seg_sum_body(%arg0: i32, %arg1: i32, %arg2: memref<10000x128xf32, #tpu.memory_space<hbm>>, %arg3: memref<2560x128xi32, #tpu.memory_space<hbm>>, %arg4: memref<2560x128xi32, #tpu.memory_space<hbm>>, %arg5: memref<2x10240x128xf32, #tpu.memory_space<hbm>>, %arg6: memref<80x128xi32, #tpu.memory_space<vmem>>, %arg7: memref<16x128xi32, #tpu.memory_space<vmem>>, %arg8: memref<16x128xi32, #tpu.memory_space<vmem>>, %arg9: memref<128x128xf32, #tpu.memory_space<vmem>>, %arg10: memref<128x128xf32, #tpu.memory_space<vmem>>, %arg11: memref<10240x128xf32, #tpu.memory_space<vmem_shared>>, %arg12: memref<!tpu.dma_semaphore, #tpu.memory_space<semaphore_mem>>, %arg13: memref<!tpu.dma_semaphore, #tpu.memory_space<semaphore_mem>>, %arg14: memref<!tpu.dma_semaphore, #tpu.memory_space<semaphore_mem>>, %arg15: memref<!tpu.dma_semaphore, #tpu.memory_space<semaphore_mem>>) attributes {dimension_semantics = [#tpu.dimension_semantics<core_parallel>, #tpu.dimension_semantics<subcore_parallel>], iteration_bounds = array<i64: 2, 16>, scalar_prefetch = 0 : i64, scratch_operands = 10 : i64, tpu.core_type = #tpu.core_type<sc_vector_subcore>, window_params = [{transform_indices = #map}, {transform_indices = #map}, {transform_indices = #map}, {transform_indices = #map1}]} {
    %mul3A = arith.constant 2 : i32
    %mul3A_0 = arith.muli %arg1, %mul3A : i32
    %add3A = arith.addi %mul3A_0, %arg0 : i32
    %mul3A_1 = arith.constant 80 : i32
    %mul3A_2 = arith.muli %add3A, %mul3A_1 : i32
    %dma_start3A = arith.constant 0 : i32
    %dma_start3A_3 = tpu.memref_slice %arg3[%mul3A_2, %dma_start3A] : memref<2560x128xi32, #tpu.memory_space<hbm>> -> memref<80x128xi32, #tpu.memory_space<hbm>>
    %dma_start3A_4 = arith.constant 0 : i32
    %dma_start3A_5 = tpu.memref_slice %arg3[%mul3A_2, %dma_start3A_4] : memref<2560x128xi32, #tpu.memory_space<hbm>> -> memref<80x128xi32, #tpu.memory_space<hbm>>
    tpu.enqueue_dma source(%dma_start3A_5 : memref<80x128xi32, #tpu.memory_space<hbm>>) target(%arg6 : memref<80x128xi32, #tpu.memory_space<vmem>>) target_semaphore(%arg14 : memref<!tpu.dma_semaphore, #tpu.memory_space<semaphore_mem>>)
    %mul3A_6 = arith.constant 80 : i32
    %mul3A_7 = arith.muli %add3A, %mul3A_6 : i32
    %dma_start3A_8 = arith.constant 0 : i32
    %dma_start3A_9 = tpu.memref_slice %arg4[%mul3A_7, %dma_start3A_8] : memref<2560x128xi32, #tpu.memory_space<hbm>> -> memref<16x128xi32, #tpu.memory_space<hbm>>
    %dma_start3A_10 = arith.constant 0 : i32
    %dma_start3A_11 = tpu.memref_slice %arg4[%mul3A_7, %dma_start3A_10] : memref<2560x128xi32, #tpu.memory_space<hbm>> -> memref<16x128xi32, #tpu.memory_space<hbm>>
    tpu.enqueue_dma source(%dma_start3A_11 : memref<16x128xi32, #tpu.memory_space<hbm>>) target(%arg7 : memref<16x128xi32, #tpu.memory_space<vmem>>) target_semaphore(%arg15 : memref<!tpu.dma_semaphore, #tpu.memory_space<semaphore_mem>>)
    %scan3A = arith.constant 0 : i32
    %scan3A_12 = arith.constant 0 : i32
    %scan3A_13 = arith.constant 128 : i32
    %scan3A_14 = arith.addi %scan3A_12, %scan3A_13 : i32
    %scan3A_15 = arith.constant 1 : i32
    scf.for %scan3A_139 = %scan3A_12 to %scan3A_14 step %scan3A_15  : i32 {
      %scan3A_140 = arith.constant 0 : i32
      %scan3A_141 = arith.constant 8 : i32
      %scan3A_142 = arith.addi %scan3A_140, %scan3A_141 : i32
      %scan3A_143 = arith.constant 1 : i32
      scf.for %scan3A_145 = %scan3A_140 to %scan3A_142 step %scan3A_143  : i32 {
        %broadcast_in_dim3A = arith.constant 0.000000e+00 : f32
        %broadcast_in_dim3A_146 = vector.broadcast %broadcast_in_dim3A : f32 to vector<16xf32>
        %mul3A_147 = arith.constant 16 : i32
        %mul3A_148 = arith.muli %scan3A_145, %mul3A_147 : i32
        %swap3A = arith.index_cast %scan3A_139 : i32 to index
        %swap3A_149 = arith.index_cast %mul3A_148 : i32 to index
        %swap3A_150 = tpu.vector_load %arg9[%swap3A, %swap3A_149] {strides = array<i32>} : memref<128x128xf32, #tpu.memory_space<vmem>>, vector<1x16xf32>,
        %swap3A_151 = vector.shape_cast %swap3A_150 : vector<1x16xf32> to vector<16xf32>
        %swap3A_152 = vector.shape_cast %broadcast_in_dim3A_146 : vector<16xf32> to vector<1x16xf32>
        tpu.vector_store %arg9[%swap3A, %swap3A_149], %swap3A_152 {strides = array<i32>} : memref<128x128xf32, #tpu.memory_space<vmem>>, vector<1x16xf32>,
      }
      %scan3A_144 = arith.constant 8 : i32
    }
    %scan3A_16 = arith.constant 128 : i32
    %scan3A_17 = arith.constant 0 : i32
    %scan3A_18 = arith.constant 0 : i32
    %scan3A_19 = arith.constant 5 : i32
    %scan3A_20 = arith.addi %scan3A_18, %scan3A_19 : i32
    %scan3A_21 = arith.constant 1 : i32
    scf.for %scan3A_139 = %scan3A_18 to %scan3A_20 step %scan3A_21  : i32 {
      %mul3A_140 = arith.constant 640 : i32
      %mul3A_141 = arith.muli %arg1, %mul3A_140 : i32
      %mul3A_142 = arith.constant 128 : i32
      %mul3A_143 = arith.muli %scan3A_139, %mul3A_142 : i32
      %add3A_144 = arith.addi %mul3A_141, %mul3A_143 : i32
      "tpu.region"() ({
        %run_scoped3A = tpu.sem_alloc : memref<!tpu.dma_semaphore, #tpu.memory_space<semaphore_mem>>
        %dma_start3A_145 = arith.constant 0 : i32
        %dma_start3A_146 = tpu.memref_slice %arg11[%add3A_144, %dma_start3A_145] : memref<10240x128xf32, #tpu.memory_space<vmem_shared>> -> memref<128x128xf32, #tpu.memory_space<vmem_shared>>
        %dma_start3A_147 = arith.constant 0 : i32
        %dma_start3A_148 = tpu.memref_slice %arg11[%add3A_144, %dma_start3A_147] : memref<10240x128xf32, #tpu.memory_space<vmem_shared>> -> memref<128x128xf32, #tpu.memory_space<vmem_shared>>
        tpu.enqueue_dma source(%arg9 : memref<128x128xf32, #tpu.memory_space<vmem>>) target(%dma_start3A_148 : memref<128x128xf32, #tpu.memory_space<vmem_shared>>) target_semaphore(%run_scoped3A : memref<!tpu.dma_semaphore, #tpu.memory_space<semaphore_mem>>)
        %dma_wait3A_149 = arith.constant 0 : i32
        %dma_wait3A_150 = tpu.memref_slice %arg11[%add3A_144, %dma_wait3A_149] : memref<10240x128xf32, #tpu.memory_space<vmem_shared>> -> memref<128x128xf32, #tpu.memory_space<vmem_shared>>
        %dma_wait3A_151 = arith.constant 0 : i32
        %dma_wait3A_152 = tpu.memref_slice %arg11[%add3A_144, %dma_wait3A_151] : memref<10240x128xf32, #tpu.memory_space<vmem_shared>> -> memref<128x128xf32, #tpu.memory_space<vmem_shared>>
        tpu.wait_dma2 semaphore(%run_scoped3A : memref<!tpu.dma_semaphore, #tpu.memory_space<semaphore_mem>>) src(%arg9 : memref<128x128xf32, #tpu.memory_space<vmem>>) dst(%dma_wait3A_152 : memref<128x128xf32, #tpu.memory_space<vmem_shared>>)
        tpu.yield
      }) : () -> ()
    }
    %scan3A_22 = arith.constant 5 : i32
    %dma_wait3A = arith.constant 0 : i32
    %dma_wait3A_23 = arith.constant 0 : i32
    %dma_wait3A_24 = tpu.memref_slice %arg3[%dma_wait3A, %dma_wait3A_23] : memref<2560x128xi32, #tpu.memory_space<hbm>> -> memref<80x128xi32, #tpu.memory_space<hbm>>
    %dma_wait3A_25 = arith.constant 0 : i32
    %dma_wait3A_26 = arith.constant 0 : i32
    %dma_wait3A_27 = tpu.memref_slice %arg3[%dma_wait3A_25, %dma_wait3A_26] : memref<2560x128xi32, #tpu.memory_space<hbm>> -> memref<80x128xi32, #tpu.memory_space<hbm>>
    tpu.wait_dma2 semaphore(%arg14 : memref<!tpu.dma_semaphore, #tpu.memory_space<semaphore_mem>>) src(%dma_wait3A_27 : memref<80x128xi32, #tpu.memory_space<hbm>>) dst(%arg6 : memref<80x128xi32, #tpu.memory_space<vmem>>)
    %dma_start3A_28 = arith.constant 0 : i32
    %dma_start3A_29 = arith.constant 0 : i32
    %dma_start3A_30 = tpu.memref_slice %arg6[%dma_start3A_28, %dma_start3A_29] : memref<80x128xi32, #tpu.memory_space<vmem>> -> memref<1x128xi32, #tpu.memory_space<vmem>>
    %dma_start3A_31 = tpu.memref_squeeze %dma_start3A_30 : memref<1x128xi32, #tpu.memory_space<vmem>> -> memref<128xi32, #tpu.memory_space<vmem>>
    %dma_start3A_32 = arith.constant 0 : i32
    %dma_start3A_33 = arith.constant 0 : i32
    %dma_start3A_34 = tpu.memref_slice %arg2[%dma_start3A_32, %dma_start3A_33] : memref<10000x128xf32, #tpu.memory_space<hbm>> -> memref<10000x128xf32, #tpu.memory_space<hbm>>
    tpu.enqueue_indirect_dma source(%dma_start3A_34 : memref<10000x128xf32, #tpu.memory_space<hbm>>) target(%arg9 : memref<128x128xf32, #tpu.memory_space<vmem>>) offsets(%dma_start3A_31 : memref<128xi32, #tpu.memory_space<vmem>>) semaphore(%arg12 : memref<!tpu.dma_semaphore, #tpu.memory_space<semaphore_mem>>)
    %barrier3A = arith.constant 0 : index
    tpu.barrier barrier_id(%barrier3A)
    %dma_wait3A_35 = arith.constant 0 : i32
    %dma_wait3A_36 = arith.constant 0 : i32
    %dma_wait3A_37 = tpu.memref_slice %arg4[%dma_wait3A_35, %dma_wait3A_36] : memref<2560x128xi32, #tpu.memory_space<hbm>> -> memref<16x128xi32, #tpu.memory_space<hbm>>
    %dma_wait3A_38 = arith.constant 0 : i32
    %dma_wait3A_39 = arith.constant 0 : i32
    %dma_wait3A_40 = tpu.memref_slice %arg4[%dma_wait3A_38, %dma_wait3A_39] : memref<2560x128xi32, #tpu.memory_space<hbm>> -> memref<16x128xi32, #tpu.memory_space<hbm>>
    tpu.wait_dma2 semaphore(%arg15 : memref<!tpu.dma_semaphore, #tpu.memory_space<semaphore_mem>>) src(%dma_wait3A_40 : memref<16x128xi32, #tpu.memory_space<hbm>>) dst(%arg7 : memref<16x128xi32, #tpu.memory_space<vmem>>)
    %mul3A_41 = arith.constant 80 : i32
    %mul3A_42 = arith.muli %add3A, %mul3A_41 : i32
    %add3A_43 = arith.constant 16 : i32
    %add3A_44 = arith.addi %mul3A_42, %add3A_43 : i32
    %dma_start3A_45 = arith.constant 0 : i32
    %dma_start3A_46 = tpu.memref_slice %arg4[%add3A_44, %dma_start3A_45] : memref<2560x128xi32, #tpu.memory_space<hbm>> -> memref<16x128xi32, #tpu.memory_space<hbm>>
    %dma_start3A_47 = arith.constant 0 : i32
    %dma_start3A_48 = tpu.memref_slice %arg4[%add3A_44, %dma_start3A_47] : memref<2560x128xi32, #tpu.memory_space<hbm>> -> memref<16x128xi32, #tpu.memory_space<hbm>>
    tpu.enqueue_dma source(%dma_start3A_48 : memref<16x128xi32, #tpu.memory_space<hbm>>) target(%arg8 : memref<16x128xi32, #tpu.memory_space<vmem>>) target_semaphore(%arg15 : memref<!tpu.dma_semaphore, #tpu.memory_space<semaphore_mem>>)
    %scan3A_49 = arith.constant 0 : i32
    %scan3A_50 = arith.constant 0 : i32
    %scan3A_51 = arith.constant 8 : i32
    %scan3A_52 = arith.addi %scan3A_50, %scan3A_51 : i32
    %scan3A_53 = arith.constant 1 : i32
    scf.for %scan3A_139 = %scan3A_50 to %scan3A_52 step %scan3A_53  : i32 {
      %mul3A_140 = arith.constant 2 : i32
      %mul3A_141 = arith.muli %mul3A_140, %scan3A_139 : i32
      %add3A_142 = arith.constant 0 : i32
      %add3A_143 = arith.addi %add3A_142, %mul3A_141 : i32
      %mul3A_144 = arith.constant 2 : i32
      %mul3A_145 = arith.muli %mul3A_144, %scan3A_139 : i32
      %add3A_146 = arith.constant 1 : i32
      %add3A_147 = arith.addi %add3A_143, %add3A_146 : i32
      %dma_start3A_148 = arith.constant 0 : i32
      %dma_start3A_149 = tpu.memref_slice %arg6[%add3A_147, %dma_start3A_148] : memref<80x128xi32, #tpu.memory_space<vmem>> -> memref<1x128xi32, #tpu.memory_space<vmem>>
      %dma_start3A_150 = tpu.memref_squeeze %dma_start3A_149 : memref<1x128xi32, #tpu.memory_space<vmem>> -> memref<128xi32, #tpu.memory_space<vmem>>
      %dma_start3A_151 = arith.constant 0 : i32
      %dma_start3A_152 = arith.constant 0 : i32
      %dma_start3A_153 = tpu.memref_slice %arg2[%dma_start3A_151, %dma_start3A_152] : memref<10000x128xf32, #tpu.memory_space<hbm>> -> memref<10000x128xf32, #tpu.memory_space<hbm>>
      tpu.enqueue_indirect_dma source(%dma_start3A_153 : memref<10000x128xf32, #tpu.memory_space<hbm>>) target(%arg10 : memref<128x128xf32, #tpu.memory_space<vmem>>) offsets(%dma_start3A_150 : memref<128xi32, #tpu.memory_space<vmem>>) semaphore(%arg13 : memref<!tpu.dma_semaphore, #tpu.memory_space<semaphore_mem>>)
      %dma_wait3A_154 = arith.constant 0 : i32
      %dma_wait3A_155 = arith.constant 0 : i32
      %dma_wait3A_156 = tpu.memref_slice %arg6[%dma_wait3A_154, %dma_wait3A_155] : memref<80x128xi32, #tpu.memory_space<vmem>> -> memref<1x128xi32, #tpu.memory_space<vmem>>
      %dma_wait3A_157 = tpu.memref_squeeze %dma_wait3A_156 : memref<1x128xi32, #tpu.memory_space<vmem>> -> memref<128xi32, #tpu.memory_space<vmem>>
      %dma_wait3A_158 = arith.constant 0 : i32
      %dma_wait3A_159 = arith.constant 0 : i32
      %dma_wait3A_160 = tpu.memref_slice %arg2[%dma_wait3A_158, %dma_wait3A_159] : memref<10000x128xf32, #tpu.memory_space<hbm>> -> memref<10000x128xf32, #tpu.memory_space<hbm>>
      tpu.wait_indirect_dma semaphore(%arg12 : memref<!tpu.dma_semaphore, #tpu.memory_space<semaphore_mem>>) src(%dma_wait3A_160 : memref<10000x128xf32, #tpu.memory_space<hbm>>) dst(%arg9 : memref<128x128xf32, #tpu.memory_space<vmem>>)
      "tpu.region"() ({
        %run_scoped3A = tpu.sem_alloc : memref<!tpu.dma_semaphore, #tpu.memory_space<semaphore_mem>>
        %dma_start3A_178 = arith.constant 0 : i32
        %dma_start3A_179 = tpu.memref_slice %arg7[%mul3A_145, %dma_start3A_178] : memref<16x128xi32, #tpu.memory_space<vmem>> -> memref<1x128xi32, #tpu.memory_space<vmem>>
        %dma_start3A_180 = tpu.memref_squeeze %dma_start3A_179 : memref<1x128xi32, #tpu.memory_space<vmem>> -> memref<128xi32, #tpu.memory_space<vmem>>
        %dma_start3A_181 = arith.constant 0 : i32
        %dma_start3A_182 = arith.constant 0 : i32
        %dma_start3A_183 = tpu.memref_slice %arg11[%dma_start3A_181, %dma_start3A_182] : memref<10240x128xf32, #tpu.memory_space<vmem_shared>> -> memref<10240x128xf32, #tpu.memory_space<vmem_shared>>
        tpu.enqueue_indirect_dma source(%arg9 : memref<128x128xf32, #tpu.memory_space<vmem>>) target(%dma_start3A_183 : memref<10240x128xf32, #tpu.memory_space<vmem_shared>>) offsets(%dma_start3A_180 : memref<128xi32, #tpu.memory_space<vmem>>) semaphore(%run_scoped3A : memref<!tpu.dma_semaphore, #tpu.memory_space<semaphore_mem>>) {add = true}
        %dma_wait3A_184 = arith.constant 0 : i32
        %dma_wait3A_185 = tpu.memref_slice %arg7[%mul3A_145, %dma_wait3A_184] : memref<16x128xi32, #tpu.memory_space<vmem>> -> memref<1x128xi32, #tpu.memory_space<vmem>>
        %dma_wait3A_186 = tpu.memref_squeeze %dma_wait3A_185 : memref<1x128xi32, #tpu.memory_space<vmem>> -> memref<128xi32, #tpu.memory_space<vmem>>
        %dma_wait3A_187 = arith.constant 0 : i32
        %dma_wait3A_188 = arith.constant 0 : i32
        %dma_wait3A_189 = tpu.memref_slice %arg11[%dma_wait3A_187, %dma_wait3A_188] : memref<10240x128xf32, #tpu.memory_space<vmem_shared>> -> memref<10240x128xf32, #tpu.memory_space<vmem_shared>>
        tpu.wait_indirect_dma semaphore(%run_scoped3A : memref<!tpu.dma_semaphore, #tpu.memory_space<semaphore_mem>>) src(%arg9 : memref<128x128xf32, #tpu.memory_space<vmem>>) dst(%dma_wait3A_189 : memref<10240x128xf32, #tpu.memory_space<vmem_shared>>)
        tpu.yield
      }) : () -> ()
      %add3A_161 = arith.constant 2 : i32
      %add3A_162 = arith.addi %add3A_143, %add3A_161 : i32
      %dma_start3A_163 = arith.constant 0 : i32
      %dma_start3A_164 = tpu.memref_slice %arg6[%add3A_162, %dma_start3A_163] : memref<80x128xi32, #tpu.memory_space<vmem>> -> memref<1x128xi32, #tpu.memory_space<vmem>>
      %dma_start3A_165 = tpu.memref_squeeze %dma_start3A_164 : memref<1x128xi32, #tpu.memory_space<vmem>> -> memref<128xi32, #tpu.memory_space<vmem>>
      %dma_start3A_166 = arith.constant 0 : i32
      %dma_start3A_167 = arith.constant 0 : i32
      %dma_start3A_168 = tpu.memref_slice %arg2[%dma_start3A_166, %dma_start3A_167] : memref<10000x128xf32, #tpu.memory_space<hbm>> -> memref<10000x128xf32, #tpu.memory_space<hbm>>
      tpu.enqueue_indirect_dma source(%dma_start3A_168 : memref<10000x128xf32, #tpu.memory_space<hbm>>) target(%arg9 : memref<128x128xf32, #tpu.memory_space<vmem>>) offsets(%dma_start3A_165 : memref<128xi32, #tpu.memory_space<vmem>>) semaphore(%arg12 : memref<!tpu.dma_semaphore, #tpu.memory_space<semaphore_mem>>)
      %dma_wait3A_169 = arith.constant 0 : i32
      %dma_wait3A_170 = arith.constant 0 : i32
      %dma_wait3A_171 = tpu.memref_slice %arg6[%dma_wait3A_169, %dma_wait3A_170] : memref<80x128xi32, #tpu.memory_space<vmem>> -> memref<1x128xi32, #tpu.memory_space<vmem>>
      %dma_wait3A_172 = tpu.memref_squeeze %dma_wait3A_171 : memref<1x128xi32, #tpu.memory_space<vmem>> -> memref<128xi32, #tpu.memory_space<vmem>>
      %dma_wait3A_173 = arith.constant 0 : i32
      %dma_wait3A_174 = arith.constant 0 : i32
      %dma_wait3A_175 = tpu.memref_slice %arg2[%dma_wait3A_173, %dma_wait3A_174] : memref<10000x128xf32, #tpu.memory_space<hbm>> -> memref<10000x128xf32, #tpu.memory_space<hbm>>
      tpu.wait_indirect_dma semaphore(%arg13 : memref<!tpu.dma_semaphore, #tpu.memory_space<semaphore_mem>>) src(%dma_wait3A_175 : memref<10000x128xf32, #tpu.memory_space<hbm>>) dst(%arg10 : memref<128x128xf32, #tpu.memory_space<vmem>>)
      %add3A_176 = arith.constant 1 : i32
      %add3A_177 = arith.addi %mul3A_145, %add3A_176 : i32
      "tpu.region"() ({
        %run_scoped3A = tpu.sem_alloc : memref<!tpu.dma_semaphore, #tpu.memory_space<semaphore_mem>>
        %dma_start3A_178 = arith.constant 0 : i32
        %dma_start3A_179 = tpu.memref_slice %arg7[%add3A_177, %dma_start3A_178] : memref<16x128xi32, #tpu.memory_space<vmem>> -> memref<1x128xi32, #tpu.memory_space<vmem>>
        %dma_start3A_180 = tpu.memref_squeeze %dma_start3A_179 : memref<1x128xi32, #tpu.memory_space<vmem>> -> memref<128xi32, #tpu.memory_space<vmem>>
        %dma_start3A_181 = arith.constant 0 : i32
        %dma_start3A_182 = arith.constant 0 : i32
        %dma_start3A_183 = tpu.memref_slice %arg11[%dma_start3A_181, %dma_start3A_182] : memref<10240x128xf32, #tpu.memory_space<vmem_shared>> -> memref<10240x128xf32, #tpu.memory_space<vmem_shared>>
        tpu.enqueue_indirect_dma source(%arg10 : memref<128x128xf32, #tpu.memory_space<vmem>>) target(%dma_start3A_183 : memref<10240x128xf32, #tpu.memory_space<vmem_shared>>) offsets(%dma_start3A_180 : memref<128xi32, #tpu.memory_space<vmem>>) semaphore(%run_scoped3A : memref<!tpu.dma_semaphore, #tpu.memory_space<semaphore_mem>>) {add = true}
        %dma_wait3A_184 = arith.constant 0 : i32
        %dma_wait3A_185 = tpu.memref_slice %arg7[%add3A_177, %dma_wait3A_184] : memref<16x128xi32, #tpu.memory_space<vmem>> -> memref<1x128xi32, #tpu.memory_space<vmem>>
        %dma_wait3A_186 = tpu.memref_squeeze %dma_wait3A_185 : memref<1x128xi32, #tpu.memory_space<vmem>> -> memref<128xi32, #tpu.memory_space<vmem>>
        %dma_wait3A_187 = arith.constant 0 : i32
        %dma_wait3A_188 = arith.constant 0 : i32
        %dma_wait3A_189 = tpu.memref_slice %arg11[%dma_wait3A_187, %dma_wait3A_188] : memref<10240x128xf32, #tpu.memory_space<vmem_shared>> -> memref<10240x128xf32, #tpu.memory_space<vmem_shared>>
        tpu.wait_indirect_dma semaphore(%run_scoped3A : memref<!tpu.dma_semaphore, #tpu.memory_space<semaphore_mem>>) src(%arg10 : memref<128x128xf32, #tpu.memory_space<vmem>>) dst(%dma_wait3A_189 : memref<10240x128xf32, #tpu.memory_space<vmem_shared>>)
        tpu.yield
      }) : () -> ()
    }
    %scan3A_54 = arith.constant 8 : i32
    %dma_wait3A_55 = arith.constant 0 : i32
    %dma_wait3A_56 = arith.constant 0 : i32
    %dma_wait3A_57 = tpu.memref_slice %arg4[%dma_wait3A_55, %dma_wait3A_56] : memref<2560x128xi32, #tpu.memory_space<hbm>> -> memref<16x128xi32, #tpu.memory_space<hbm>>
    %dma_wait3A_58 = arith.constant 0 : i32
    %dma_wait3A_59 = arith.constant 0 : i32
    %dma_wait3A_60 = tpu.memref_slice %arg4[%dma_wait3A_58, %dma_wait3A_59] : memref<2560x128xi32, #tpu.memory_space<hbm>> -> memref<16x128xi32, #tpu.memory_space<hbm>>
    tpu.wait_dma2 semaphore(%arg15 : memref<!tpu.dma_semaphore, #tpu.memory_space<semaphore_mem>>) src(%dma_wait3A_60 : memref<16x128xi32, #tpu.memory_space<hbm>>) dst(%arg8 : memref<16x128xi32, #tpu.memory_space<vmem>>)
    %mul3A_61 = arith.constant 80 : i32
    %mul3A_62 = arith.muli %add3A, %mul3A_61 : i32
    %add3A_63 = arith.constant 32 : i32
    %add3A_64 = arith.addi %mul3A_62, %add3A_63 : i32
    %dma_start3A_65 = arith.constant 0 : i32
    %dma_start3A_66 = tpu.memref_slice %arg4[%add3A_64, %dma_start3A_65] : memref<2560x128xi32, #tpu.memory_space<hbm>> -> memref<16x128xi32, #tpu.memory_space<hbm>>
    %dma_start3A_67 = arith.constant 0 : i32
    %dma_start3A_68 = tpu.memref_slice %arg4[%add3A_64, %dma_start3A_67] : memref<2560x128xi32, #tpu.memory_space<hbm>> -> memref<16x128xi32, #tpu.memory_space<hbm>>
    tpu.enqueue_dma source(%dma_start3A_68 : memref<16x128xi32, #tpu.memory_space<hbm>>) target(%arg7 : memref<16x128xi32, #tpu.memory_space<vmem>>) target_semaphore(%arg15 : memref<!tpu.dma_semaphore, #tpu.memory_space<semaphore_mem>>)
    %scan3A_69 = arith.constant 0 : i32
    %scan3A_70 = arith.constant 0 : i32
    %scan3A_71 = arith.constant 8 : i32
    %scan3A_72 = arith.addi %scan3A_70, %scan3A_71 : i32
    %scan3A_73 = arith.constant 1 : i32
    scf.for %scan3A_139 = %scan3A_70 to %scan3A_72 step %scan3A_73  : i32 {
      %mul3A_140 = arith.constant 2 : i32
      %mul3A_141 = arith.muli %mul3A_140, %scan3A_139 : i32
      %add3A_142 = arith.constant 16 : i32
      %add3A_143 = arith.addi %add3A_142, %mul3A_141 : i32
      %mul3A_144 = arith.constant 2 : i32
      %mul3A_145 = arith.muli %mul3A_144, %scan3A_139 : i32
      %add3A_146 = arith.constant 1 : i32
      %add3A_147 = arith.addi %add3A_143, %add3A_146 : i32
      %dma_start3A_148 = arith.constant 0 : i32
      %dma_start3A_149 = tpu.memref_slice %arg6[%add3A_147, %dma_start3A_148] : memref<80x128xi32, #tpu.memory_space<vmem>> -> memref<1x128xi32, #tpu.memory_space<vmem>>
      %dma_start3A_150 = tpu.memref_squeeze %dma_start3A_149 : memref<1x128xi32, #tpu.memory_space<vmem>> -> memref<128xi32, #tpu.memory_space<vmem>>
      %dma_start3A_151 = arith.constant 0 : i32
      %dma_start3A_152 = arith.constant 0 : i32
      %dma_start3A_153 = tpu.memref_slice %arg2[%dma_start3A_151, %dma_start3A_152] : memref<10000x128xf32, #tpu.memory_space<hbm>> -> memref<10000x128xf32, #tpu.memory_space<hbm>>
      tpu.enqueue_indirect_dma source(%dma_start3A_153 : memref<10000x128xf32, #tpu.memory_space<hbm>>) target(%arg10 : memref<128x128xf32, #tpu.memory_space<vmem>>) offsets(%dma_start3A_150 : memref<128xi32, #tpu.memory_space<vmem>>) semaphore(%arg13 : memref<!tpu.dma_semaphore, #tpu.memory_space<semaphore_mem>>)
      %dma_wait3A_154 = arith.constant 0 : i32
      %dma_wait3A_155 = arith.constant 0 : i32
      %dma_wait3A_156 = tpu.memref_slice %arg6[%dma_wait3A_154, %dma_wait3A_155] : memref<80x128xi32, #tpu.memory_space<vmem>> -> memref<1x128xi32, #tpu.memory_space<vmem>>
      %dma_wait3A_157 = tpu.memref_squeeze %dma_wait3A_156 : memref<1x128xi32, #tpu.memory_space<vmem>> -> memref<128xi32, #tpu.memory_space<vmem>>
      %dma_wait3A_158 = arith.constant 0 : i32
      %dma_wait3A_159 = arith.constant 0 : i32
      %dma_wait3A_160 = tpu.memref_slice %arg2[%dma_wait3A_158, %dma_wait3A_159] : memref<10000x128xf32, #tpu.memory_space<hbm>> -> memref<10000x128xf32, #tpu.memory_space<hbm>>
      tpu.wait_indirect_dma semaphore(%arg12 : memref<!tpu.dma_semaphore, #tpu.memory_space<semaphore_mem>>) src(%dma_wait3A_160 : memref<10000x128xf32, #tpu.memory_space<hbm>>) dst(%arg9 : memref<128x128xf32, #tpu.memory_space<vmem>>)
      "tpu.region"() ({
        %run_scoped3A = tpu.sem_alloc : memref<!tpu.dma_semaphore, #tpu.memory_space<semaphore_mem>>
        %dma_start3A_178 = arith.constant 0 : i32
        %dma_start3A_179 = tpu.memref_slice %arg8[%mul3A_145, %dma_start3A_178] : memref<16x128xi32, #tpu.memory_space<vmem>> -> memref<1x128xi32, #tpu.memory_space<vmem>>
        %dma_start3A_180 = tpu.memref_squeeze %dma_start3A_179 : memref<1x128xi32, #tpu.memory_space<vmem>> -> memref<128xi32, #tpu.memory_space<vmem>>
        %dma_start3A_181 = arith.constant 0 : i32
        %dma_start3A_182 = arith.constant 0 : i32
        %dma_start3A_183 = tpu.memref_slice %arg11[%dma_start3A_181, %dma_start3A_182] : memref<10240x128xf32, #tpu.memory_space<vmem_shared>> -> memref<10240x128xf32, #tpu.memory_space<vmem_shared>>
        tpu.enqueue_indirect_dma source(%arg9 : memref<128x128xf32, #tpu.memory_space<vmem>>) target(%dma_start3A_183 : memref<10240x128xf32, #tpu.memory_space<vmem_shared>>) offsets(%dma_start3A_180 : memref<128xi32, #tpu.memory_space<vmem>>) semaphore(%run_scoped3A : memref<!tpu.dma_semaphore, #tpu.memory_space<semaphore_mem>>) {add = true}
        %dma_wait3A_184 = arith.constant 0 : i32
        %dma_wait3A_185 = tpu.memref_slice %arg8[%mul3A_145, %dma_wait3A_184] : memref<16x128xi32, #tpu.memory_space<vmem>> -> memref<1x128xi32, #tpu.memory_space<vmem>>
        %dma_wait3A_186 = tpu.memref_squeeze %dma_wait3A_185 : memref<1x128xi32, #tpu.memory_space<vmem>> -> memref<128xi32, #tpu.memory_space<vmem>>
        %dma_wait3A_187 = arith.constant 0 : i32
        %dma_wait3A_188 = arith.constant 0 : i32
        %dma_wait3A_189 = tpu.memref_slice %arg11[%dma_wait3A_187, %dma_wait3A_188] : memref<10240x128xf32, #tpu.memory_space<vmem_shared>> -> memref<10240x128xf32, #tpu.memory_space<vmem_shared>>
        tpu.wait_indirect_dma semaphore(%run_scoped3A : memref<!tpu.dma_semaphore, #tpu.memory_space<semaphore_mem>>) src(%arg9 : memref<128x128xf32, #tpu.memory_space<vmem>>) dst(%dma_wait3A_189 : memref<10240x128xf32, #tpu.memory_space<vmem_shared>>)
        tpu.yield
      }) : () -> ()
      %add3A_161 = arith.constant 2 : i32
      %add3A_162 = arith.addi %add3A_143, %add3A_161 : i32
      %dma_start3A_163 = arith.constant 0 : i32
      %dma_start3A_164 = tpu.memref_slice %arg6[%add3A_162, %dma_start3A_163] : memref<80x128xi32, #tpu.memory_space<vmem>> -> memref<1x128xi32, #tpu.memory_space<vmem>>
      %dma_start3A_165 = tpu.memref_squeeze %dma_start3A_164 : memref<1x128xi32, #tpu.memory_space<vmem>> -> memref<128xi32, #tpu.memory_space<vmem>>
      %dma_start3A_166 = arith.constant 0 : i32
      %dma_start3A_167 = arith.constant 0 : i32
      %dma_start3A_168 = tpu.memref_slice %arg2[%dma_start3A_166, %dma_start3A_167] : memref<10000x128xf32, #tpu.memory_space<hbm>> -> memref<10000x128xf32, #tpu.memory_space<hbm>>
      tpu.enqueue_indirect_dma source(%dma_start3A_168 : memref<10000x128xf32, #tpu.memory_space<hbm>>) target(%arg9 : memref<128x128xf32, #tpu.memory_space<vmem>>) offsets(%dma_start3A_165 : memref<128xi32, #tpu.memory_space<vmem>>) semaphore(%arg12 : memref<!tpu.dma_semaphore, #tpu.memory_space<semaphore_mem>>)
      %dma_wait3A_169 = arith.constant 0 : i32
      %dma_wait3A_170 = arith.constant 0 : i32
      %dma_wait3A_171 = tpu.memref_slice %arg6[%dma_wait3A_169, %dma_wait3A_170] : memref<80x128xi32, #tpu.memory_space<vmem>> -> memref<1x128xi32, #tpu.memory_space<vmem>>
      %dma_wait3A_172 = tpu.memref_squeeze %dma_wait3A_171 : memref<1x128xi32, #tpu.memory_space<vmem>> -> memref<128xi32, #tpu.memory_space<vmem>>
      %dma_wait3A_173 = arith.constant 0 : i32
      %dma_wait3A_174 = arith.constant 0 : i32
      %dma_wait3A_175 = tpu.memref_slice %arg2[%dma_wait3A_173, %dma_wait3A_174] : memref<10000x128xf32, #tpu.memory_space<hbm>> -> memref<10000x128xf32, #tpu.memory_space<hbm>>
      tpu.wait_indirect_dma semaphore(%arg13 : memref<!tpu.dma_semaphore, #tpu.memory_space<semaphore_mem>>) src(%dma_wait3A_175 : memref<10000x128xf32, #tpu.memory_space<hbm>>) dst(%arg10 : memref<128x128xf32, #tpu.memory_space<vmem>>)
      %add3A_176 = arith.constant 1 : i32
      %add3A_177 = arith.addi %mul3A_145, %add3A_176 : i32
      "tpu.region"() ({
        %run_scoped3A = tpu.sem_alloc : memref<!tpu.dma_semaphore, #tpu.memory_space<semaphore_mem>>
        %dma_start3A_178 = arith.constant 0 : i32
        %dma_start3A_179 = tpu.memref_slice %arg8[%add3A_177, %dma_start3A_178] : memref<16x128xi32, #tpu.memory_space<vmem>> -> memref<1x128xi32, #tpu.memory_space<vmem>>
        %dma_start3A_180 = tpu.memref_squeeze %dma_start3A_179 : memref<1x128xi32, #tpu.memory_space<vmem>> -> memref<128xi32, #tpu.memory_space<vmem>>
        %dma_start3A_181 = arith.constant 0 : i32
        %dma_start3A_182 = arith.constant 0 : i32
        %dma_start3A_183 = tpu.memref_slice %arg11[%dma_start3A_181, %dma_start3A_182] : memref<10240x128xf32, #tpu.memory_space<vmem_shared>> -> memref<10240x128xf32, #tpu.memory_space<vmem_shared>>
        tpu.enqueue_indirect_dma source(%arg10 : memref<128x128xf32, #tpu.memory_space<vmem>>) target(%dma_start3A_183 : memref<10240x128xf32, #tpu.memory_space<vmem_shared>>) offsets(%dma_start3A_180 : memref<128xi32, #tpu.memory_space<vmem>>) semaphore(%run_scoped3A : memref<!tpu.dma_semaphore, #tpu.memory_space<semaphore_mem>>) {add = true}
        %dma_wait3A_184 = arith.constant 0 : i32
        %dma_wait3A_185 = tpu.memref_slice %arg8[%add3A_177, %dma_wait3A_184] : memref<16x128xi32, #tpu.memory_space<vmem>> -> memref<1x128xi32, #tpu.memory_space<vmem>>
        %dma_wait3A_186 = tpu.memref_squeeze %dma_wait3A_185 : memref<1x128xi32, #tpu.memory_space<vmem>> -> memref<128xi32, #tpu.memory_space<vmem>>
        %dma_wait3A_187 = arith.constant 0 : i32
        %dma_wait3A_188 = arith.constant 0 : i32
        %dma_wait3A_189 = tpu.memref_slice %arg11[%dma_wait3A_187, %dma_wait3A_188] : memref<10240x128xf32, #tpu.memory_space<vmem_shared>> -> memref<10240x128xf32, #tpu.memory_space<vmem_shared>>
        tpu.wait_indirect_dma semaphore(%run_scoped3A : memref<!tpu.dma_semaphore, #tpu.memory_space<semaphore_mem>>) src(%arg10 : memref<128x128xf32, #tpu.memory_space<vmem>>) dst(%dma_wait3A_189 : memref<10240x128xf32, #tpu.memory_space<vmem_shared>>)
        tpu.yield
      }) : () -> ()
    }
    %scan3A_74 = arith.constant 8 : i32
    %dma_wait3A_75 = arith.constant 0 : i32
    %dma_wait3A_76 = arith.constant 0 : i32
    %dma_wait3A_77 = tpu.memref_slice %arg4[%dma_wait3A_75, %dma_wait3A_76] : memref<2560x128xi32, #tpu.memory_space<hbm>> -> memref<16x128xi32, #tpu.memory_space<hbm>>
    %dma_wait3A_78 = arith.constant 0 : i32
    %dma_wait3A_79 = arith.constant 0 : i32
    %dma_wait3A_80 = tpu.memref_slice %arg4[%dma_wait3A_78, %dma_wait3A_79] : memref<2560x128xi32, #tpu.memory_space<hbm>> -> memref<16x128xi32, #tpu.memory_space<hbm>>
    tpu.wait_dma2 semaphore(%arg15 : memref<!tpu.dma_semaphore, #tpu.memory_space<semaphore_mem>>) src(%dma_wait3A_80 : memref<16x128xi32, #tpu.memory_space<hbm>>) dst(%arg7 : memref<16x128xi32, #tpu.memory_space<vmem>>)
    %mul3A_81 = arith.constant 80 : i32
    %mul3A_82 = arith.muli %add3A, %mul3A_81 : i32
    %add3A_83 = arith.constant 48 : i32
    %add3A_84 = arith.addi %mul3A_82, %add3A_83 : i32
    %dma_start3A_85 = arith.constant 0 : i32
    %dma_start3A_86 = tpu.memref_slice %arg4[%add3A_84, %dma_start3A_85] : memref<2560x128xi32, #tpu.memory_space<hbm>> -> memref<16x128xi32, #tpu.memory_space<hbm>>
    %dma_start3A_87 = arith.constant 0 : i32
    %dma_start3A_88 = tpu.memref_slice %arg4[%add3A_84, %dma_start3A_87] : memref<2560x128xi32, #tpu.memory_space<hbm>> -> memref<16x128xi32, #tpu.memory_space<hbm>>
    tpu.enqueue_dma source(%dma_start3A_88 : memref<16x128xi32, #tpu.memory_space<hbm>>) target(%arg8 : memref<16x128xi32, #tpu.memory_space<vmem>>) target_semaphore(%arg15 : memref<!tpu.dma_semaphore, #tpu.memory_space<semaphore_mem>>)
    %scan3A_89 = arith.constant 0 : i32
    %scan3A_90 = arith.constant 0 : i32
    %scan3A_91 = arith.constant 8 : i32
    %scan3A_92 = arith.addi %scan3A_90, %scan3A_91 : i32
    %scan3A_93 = arith.constant 1 : i32
    scf.for %scan3A_139 = %scan3A_90 to %scan3A_92 step %scan3A_93  : i32 {
      %mul3A_140 = arith.constant 2 : i32
      %mul3A_141 = arith.muli %mul3A_140, %scan3A_139 : i32
      %add3A_142 = arith.constant 32 : i32
      %add3A_143 = arith.addi %add3A_142, %mul3A_141 : i32
      %mul3A_144 = arith.constant 2 : i32
      %mul3A_145 = arith.muli %mul3A_144, %scan3A_139 : i32
      %add3A_146 = arith.constant 1 : i32
      %add3A_147 = arith.addi %add3A_143, %add3A_146 : i32
      %dma_start3A_148 = arith.constant 0 : i32
      %dma_start3A_149 = tpu.memref_slice %arg6[%add3A_147, %dma_start3A_148] : memref<80x128xi32, #tpu.memory_space<vmem>> -> memref<1x128xi32, #tpu.memory_space<vmem>>
      %dma_start3A_150 = tpu.memref_squeeze %dma_start3A_149 : memref<1x128xi32, #tpu.memory_space<vmem>> -> memref<128xi32, #tpu.memory_space<vmem>>
      %dma_start3A_151 = arith.constant 0 : i32
      %dma_start3A_152 = arith.constant 0 : i32
      %dma_start3A_153 = tpu.memref_slice %arg2[%dma_start3A_151, %dma_start3A_152] : memref<10000x128xf32, #tpu.memory_space<hbm>> -> memref<10000x128xf32, #tpu.memory_space<hbm>>
      tpu.enqueue_indirect_dma source(%dma_start3A_153 : memref<10000x128xf32, #tpu.memory_space<hbm>>) target(%arg10 : memref<128x128xf32, #tpu.memory_space<vmem>>) offsets(%dma_start3A_150 : memref<128xi32, #tpu.memory_space<vmem>>) semaphore(%arg13 : memref<!tpu.dma_semaphore, #tpu.memory_space<semaphore_mem>>)
      %dma_wait3A_154 = arith.constant 0 : i32
      %dma_wait3A_155 = arith.constant 0 : i32
      %dma_wait3A_156 = tpu.memref_slice %arg6[%dma_wait3A_154, %dma_wait3A_155] : memref<80x128xi32, #tpu.memory_space<vmem>> -> memref<1x128xi32, #tpu.memory_space<vmem>>
      %dma_wait3A_157 = tpu.memref_squeeze %dma_wait3A_156 : memref<1x128xi32, #tpu.memory_space<vmem>> -> memref<128xi32, #tpu.memory_space<vmem>>
      %dma_wait3A_158 = arith.constant 0 : i32
      %dma_wait3A_159 = arith.constant 0 : i32
      %dma_wait3A_160 = tpu.memref_slice %arg2[%dma_wait3A_158, %dma_wait3A_159] : memref<10000x128xf32, #tpu.memory_space<hbm>> -> memref<10000x128xf32, #tpu.memory_space<hbm>>
      tpu.wait_indirect_dma semaphore(%arg12 : memref<!tpu.dma_semaphore, #tpu.memory_space<semaphore_mem>>) src(%dma_wait3A_160 : memref<10000x128xf32, #tpu.memory_space<hbm>>) dst(%arg9 : memref<128x128xf32, #tpu.memory_space<vmem>>)
      "tpu.region"() ({
        %run_scoped3A = tpu.sem_alloc : memref<!tpu.dma_semaphore, #tpu.memory_space<semaphore_mem>>
        %dma_start3A_178 = arith.constant 0 : i32
        %dma_start3A_179 = tpu.memref_slice %arg7[%mul3A_145, %dma_start3A_178] : memref<16x128xi32, #tpu.memory_space<vmem>> -> memref<1x128xi32, #tpu.memory_space<vmem>>
        %dma_start3A_180 = tpu.memref_squeeze %dma_start3A_179 : memref<1x128xi32, #tpu.memory_space<vmem>> -> memref<128xi32, #tpu.memory_space<vmem>>
        %dma_start3A_181 = arith.constant 0 : i32
        %dma_start3A_182 = arith.constant 0 : i32
        %dma_start3A_183 = tpu.memref_slice %arg11[%dma_start3A_181, %dma_start3A_182] : memref<10240x128xf32, #tpu.memory_space<vmem_shared>> -> memref<10240x128xf32, #tpu.memory_space<vmem_shared>>
        tpu.enqueue_indirect_dma source(%arg9 : memref<128x128xf32, #tpu.memory_space<vmem>>) target(%dma_start3A_183 : memref<10240x128xf32, #tpu.memory_space<vmem_shared>>) offsets(%dma_start3A_180 : memref<128xi32, #tpu.memory_space<vmem>>) semaphore(%run_scoped3A : memref<!tpu.dma_semaphore, #tpu.memory_space<semaphore_mem>>) {add = true}
        %dma_wait3A_184 = arith.constant 0 : i32
        %dma_wait3A_185 = tpu.memref_slice %arg7[%mul3A_145, %dma_wait3A_184] : memref<16x128xi32, #tpu.memory_space<vmem>> -> memref<1x128xi32, #tpu.memory_space<vmem>>
        %dma_wait3A_186 = tpu.memref_squeeze %dma_wait3A_185 : memref<1x128xi32, #tpu.memory_space<vmem>> -> memref<128xi32, #tpu.memory_space<vmem>>
        %dma_wait3A_187 = arith.constant 0 : i32
        %dma_wait3A_188 = arith.constant 0 : i32
        %dma_wait3A_189 = tpu.memref_slice %arg11[%dma_wait3A_187, %dma_wait3A_188] : memref<10240x128xf32, #tpu.memory_space<vmem_shared>> -> memref<10240x128xf32, #tpu.memory_space<vmem_shared>>
        tpu.wait_indirect_dma semaphore(%run_scoped3A : memref<!tpu.dma_semaphore, #tpu.memory_space<semaphore_mem>>) src(%arg9 : memref<128x128xf32, #tpu.memory_space<vmem>>) dst(%dma_wait3A_189 : memref<10240x128xf32, #tpu.memory_space<vmem_shared>>)
        tpu.yield
      }) : () -> ()
      %add3A_161 = arith.constant 2 : i32
      %add3A_162 = arith.addi %add3A_143, %add3A_161 : i32
      %dma_start3A_163 = arith.constant 0 : i32
      %dma_start3A_164 = tpu.memref_slice %arg6[%add3A_162, %dma_start3A_163] : memref<80x128xi32, #tpu.memory_space<vmem>> -> memref<1x128xi32, #tpu.memory_space<vmem>>
      %dma_start3A_165 = tpu.memref_squeeze %dma_start3A_164 : memref<1x128xi32, #tpu.memory_space<vmem>> -> memref<128xi32, #tpu.memory_space<vmem>>
      %dma_start3A_166 = arith.constant 0 : i32
      %dma_start3A_167 = arith.constant 0 : i32
      %dma_start3A_168 = tpu.memref_slice %arg2[%dma_start3A_166, %dma_start3A_167] : memref<10000x128xf32, #tpu.memory_space<hbm>> -> memref<10000x128xf32, #tpu.memory_space<hbm>>
      tpu.enqueue_indirect_dma source(%dma_start3A_168 : memref<10000x128xf32, #tpu.memory_space<hbm>>) target(%arg9 : memref<128x128xf32, #tpu.memory_space<vmem>>) offsets(%dma_start3A_165 : memref<128xi32, #tpu.memory_space<vmem>>) semaphore(%arg12 : memref<!tpu.dma_semaphore, #tpu.memory_space<semaphore_mem>>)
      %dma_wait3A_169 = arith.constant 0 : i32
      %dma_wait3A_170 = arith.constant 0 : i32
      %dma_wait3A_171 = tpu.memref_slice %arg6[%dma_wait3A_169, %dma_wait3A_170] : memref<80x128xi32, #tpu.memory_space<vmem>> -> memref<1x128xi32, #tpu.memory_space<vmem>>
      %dma_wait3A_172 = tpu.memref_squeeze %dma_wait3A_171 : memref<1x128xi32, #tpu.memory_space<vmem>> -> memref<128xi32, #tpu.memory_space<vmem>>
      %dma_wait3A_173 = arith.constant 0 : i32
      %dma_wait3A_174 = arith.constant 0 : i32
      %dma_wait3A_175 = tpu.memref_slice %arg2[%dma_wait3A_173, %dma_wait3A_174] : memref<10000x128xf32, #tpu.memory_space<hbm>> -> memref<10000x128xf32, #tpu.memory_space<hbm>>
      tpu.wait_indirect_dma semaphore(%arg13 : memref<!tpu.dma_semaphore, #tpu.memory_space<semaphore_mem>>) src(%dma_wait3A_175 : memref<10000x128xf32, #tpu.memory_space<hbm>>) dst(%arg10 : memref<128x128xf32, #tpu.memory_space<vmem>>)
      %add3A_176 = arith.constant 1 : i32
      %add3A_177 = arith.addi %mul3A_145, %add3A_176 : i32
      "tpu.region"() ({
        %run_scoped3A = tpu.sem_alloc : memref<!tpu.dma_semaphore, #tpu.memory_space<semaphore_mem>>
        %dma_start3A_178 = arith.constant 0 : i32
        %dma_start3A_179 = tpu.memref_slice %arg7[%add3A_177, %dma_start3A_178] : memref<16x128xi32, #tpu.memory_space<vmem>> -> memref<1x128xi32, #tpu.memory_space<vmem>>
        %dma_start3A_180 = tpu.memref_squeeze %dma_start3A_179 : memref<1x128xi32, #tpu.memory_space<vmem>> -> memref<128xi32, #tpu.memory_space<vmem>>
        %dma_start3A_181 = arith.constant 0 : i32
        %dma_start3A_182 = arith.constant 0 : i32
        %dma_start3A_183 = tpu.memref_slice %arg11[%dma_start3A_181, %dma_start3A_182] : memref<10240x128xf32, #tpu.memory_space<vmem_shared>> -> memref<10240x128xf32, #tpu.memory_space<vmem_shared>>
        tpu.enqueue_indirect_dma source(%arg10 : memref<128x128xf32, #tpu.memory_space<vmem>>) target(%dma_start3A_183 : memref<10240x128xf32, #tpu.memory_space<vmem_shared>>) offsets(%dma_start3A_180 : memref<128xi32, #tpu.memory_space<vmem>>) semaphore(%run_scoped3A : memref<!tpu.dma_semaphore, #tpu.memory_space<semaphore_mem>>) {add = true}
        %dma_wait3A_184 = arith.constant 0 : i32
        %dma_wait3A_185 = tpu.memref_slice %arg7[%add3A_177, %dma_wait3A_184] : memref<16x128xi32, #tpu.memory_space<vmem>> -> memref<1x128xi32, #tpu.memory_space<vmem>>
        %dma_wait3A_186 = tpu.memref_squeeze %dma_wait3A_185 : memref<1x128xi32, #tpu.memory_space<vmem>> -> memref<128xi32, #tpu.memory_space<vmem>>
        %dma_wait3A_187 = arith.constant 0 : i32
        %dma_wait3A_188 = arith.constant 0 : i32
        %dma_wait3A_189 = tpu.memref_slice %arg11[%dma_wait3A_187, %dma_wait3A_188] : memref<10240x128xf32, #tpu.memory_space<vmem_shared>> -> memref<10240x128xf32, #tpu.memory_space<vmem_shared>>
        tpu.wait_indirect_dma semaphore(%run_scoped3A : memref<!tpu.dma_semaphore, #tpu.memory_space<semaphore_mem>>) src(%arg10 : memref<128x128xf32, #tpu.memory_space<vmem>>) dst(%dma_wait3A_189 : memref<10240x128xf32, #tpu.memory_space<vmem_shared>>)
        tpu.yield
      }) : () -> ()
    }
    %scan3A_94 = arith.constant 8 : i32
    %dma_wait3A_95 = arith.constant 0 : i32
    %dma_wait3A_96 = arith.constant 0 : i32
    %dma_wait3A_97 = tpu.memref_slice %arg4[%dma_wait3A_95, %dma_wait3A_96] : memref<2560x128xi32, #tpu.memory_space<hbm>> -> memref<16x128xi32, #tpu.memory_space<hbm>>
    %dma_wait3A_98 = arith.constant 0 : i32
    %dma_wait3A_99 = arith.constant 0 : i32
    %dma_wait3A_100 = tpu.memref_slice %arg4[%dma_wait3A_98, %dma_wait3A_99] : memref<2560x128xi32, #tpu.memory_space<hbm>> -> memref<16x128xi32, #tpu.memory_space<hbm>>
    tpu.wait_dma2 semaphore(%arg15 : memref<!tpu.dma_semaphore, #tpu.memory_space<semaphore_mem>>) src(%dma_wait3A_100 : memref<16x128xi32, #tpu.memory_space<hbm>>) dst(%arg8 : memref<16x128xi32, #tpu.memory_space<vmem>>)
    %mul3A_101 = arith.constant 80 : i32
    %mul3A_102 = arith.muli %add3A, %mul3A_101 : i32
    %add3A_103 = arith.constant 64 : i32
    %add3A_104 = arith.addi %mul3A_102, %add3A_103 : i32
    %dma_start3A_105 = arith.constant 0 : i32
    %dma_start3A_106 = tpu.memref_slice %arg4[%add3A_104, %dma_start3A_105] : memref<2560x128xi32, #tpu.memory_space<hbm>> -> memref<16x128xi32, #tpu.memory_space<hbm>>
    %dma_start3A_107 = arith.constant 0 : i32
    %dma_start3A_108 = tpu.memref_slice %arg4[%add3A_104, %dma_start3A_107] : memref<2560x128xi32, #tpu.memory_space<hbm>> -> memref<16x128xi32, #tpu.memory_space<hbm>>
    tpu.enqueue_dma source(%dma_start3A_108 : memref<16x128xi32, #tpu.memory_space<hbm>>) target(%arg7 : memref<16x128xi32, #tpu.memory_space<vmem>>) target_semaphore(%arg15 : memref<!tpu.dma_semaphore, #tpu.memory_space<semaphore_mem>>)
    %scan3A_109 = arith.constant 0 : i32
    %scan3A_110 = arith.constant 0 : i32
    %scan3A_111 = arith.constant 8 : i32
    %scan3A_112 = arith.addi %scan3A_110, %scan3A_111 : i32
    %scan3A_113 = arith.constant 1 : i32
    scf.for %scan3A_139 = %scan3A_110 to %scan3A_112 step %scan3A_113  : i32 {
      %mul3A_140 = arith.constant 2 : i32
      %mul3A_141 = arith.muli %mul3A_140, %scan3A_139 : i32
      %add3A_142 = arith.constant 48 : i32
      %add3A_143 = arith.addi %add3A_142, %mul3A_141 : i32
      %mul3A_144 = arith.constant 2 : i32
      %mul3A_145 = arith.muli %mul3A_144, %scan3A_139 : i32
      %add3A_146 = arith.constant 1 : i32
      %add3A_147 = arith.addi %add3A_143, %add3A_146 : i32
      %dma_start3A_148 = arith.constant 0 : i32
      %dma_start3A_149 = tpu.memref_slice %arg6[%add3A_147, %dma_start3A_148] : memref<80x128xi32, #tpu.memory_space<vmem>> -> memref<1x128xi32, #tpu.memory_space<vmem>>
      %dma_start3A_150 = tpu.memref_squeeze %dma_start3A_149 : memref<1x128xi32, #tpu.memory_space<vmem>> -> memref<128xi32, #tpu.memory_space<vmem>>
      %dma_start3A_151 = arith.constant 0 : i32
      %dma_start3A_152 = arith.constant 0 : i32
      %dma_start3A_153 = tpu.memref_slice %arg2[%dma_start3A_151, %dma_start3A_152] : memref<10000x128xf32, #tpu.memory_space<hbm>> -> memref<10000x128xf32, #tpu.memory_space<hbm>>
      tpu.enqueue_indirect_dma source(%dma_start3A_153 : memref<10000x128xf32, #tpu.memory_space<hbm>>) target(%arg10 : memref<128x128xf32, #tpu.memory_space<vmem>>) offsets(%dma_start3A_150 : memref<128xi32, #tpu.memory_space<vmem>>) semaphore(%arg13 : memref<!tpu.dma_semaphore, #tpu.memory_space<semaphore_mem>>)
      %dma_wait3A_154 = arith.constant 0 : i32
      %dma_wait3A_155 = arith.constant 0 : i32
      %dma_wait3A_156 = tpu.memref_slice %arg6[%dma_wait3A_154, %dma_wait3A_155] : memref<80x128xi32, #tpu.memory_space<vmem>> -> memref<1x128xi32, #tpu.memory_space<vmem>>
      %dma_wait3A_157 = tpu.memref_squeeze %dma_wait3A_156 : memref<1x128xi32, #tpu.memory_space<vmem>> -> memref<128xi32, #tpu.memory_space<vmem>>
      %dma_wait3A_158 = arith.constant 0 : i32
      %dma_wait3A_159 = arith.constant 0 : i32
      %dma_wait3A_160 = tpu.memref_slice %arg2[%dma_wait3A_158, %dma_wait3A_159] : memref<10000x128xf32, #tpu.memory_space<hbm>> -> memref<10000x128xf32, #tpu.memory_space<hbm>>
      tpu.wait_indirect_dma semaphore(%arg12 : memref<!tpu.dma_semaphore, #tpu.memory_space<semaphore_mem>>) src(%dma_wait3A_160 : memref<10000x128xf32, #tpu.memory_space<hbm>>) dst(%arg9 : memref<128x128xf32, #tpu.memory_space<vmem>>)
      "tpu.region"() ({
        %run_scoped3A = tpu.sem_alloc : memref<!tpu.dma_semaphore, #tpu.memory_space<semaphore_mem>>
        %dma_start3A_178 = arith.constant 0 : i32
        %dma_start3A_179 = tpu.memref_slice %arg8[%mul3A_145, %dma_start3A_178] : memref<16x128xi32, #tpu.memory_space<vmem>> -> memref<1x128xi32, #tpu.memory_space<vmem>>
        %dma_start3A_180 = tpu.memref_squeeze %dma_start3A_179 : memref<1x128xi32, #tpu.memory_space<vmem>> -> memref<128xi32, #tpu.memory_space<vmem>>
        %dma_start3A_181 = arith.constant 0 : i32
        %dma_start3A_182 = arith.constant 0 : i32
        %dma_start3A_183 = tpu.memref_slice %arg11[%dma_start3A_181, %dma_start3A_182] : memref<10240x128xf32, #tpu.memory_space<vmem_shared>> -> memref<10240x128xf32, #tpu.memory_space<vmem_shared>>
        tpu.enqueue_indirect_dma source(%arg9 : memref<128x128xf32, #tpu.memory_space<vmem>>) target(%dma_start3A_183 : memref<10240x128xf32, #tpu.memory_space<vmem_shared>>) offsets(%dma_start3A_180 : memref<128xi32, #tpu.memory_space<vmem>>) semaphore(%run_scoped3A : memref<!tpu.dma_semaphore, #tpu.memory_space<semaphore_mem>>) {add = true}
        %dma_wait3A_184 = arith.constant 0 : i32
        %dma_wait3A_185 = tpu.memref_slice %arg8[%mul3A_145, %dma_wait3A_184] : memref<16x128xi32, #tpu.memory_space<vmem>> -> memref<1x128xi32, #tpu.memory_space<vmem>>
        %dma_wait3A_186 = tpu.memref_squeeze %dma_wait3A_185 : memref<1x128xi32, #tpu.memory_space<vmem>> -> memref<128xi32, #tpu.memory_space<vmem>>
        %dma_wait3A_187 = arith.constant 0 : i32
        %dma_wait3A_188 = arith.constant 0 : i32
        %dma_wait3A_189 = tpu.memref_slice %arg11[%dma_wait3A_187, %dma_wait3A_188] : memref<10240x128xf32, #tpu.memory_space<vmem_shared>> -> memref<10240x128xf32, #tpu.memory_space<vmem_shared>>
        tpu.wait_indirect_dma semaphore(%run_scoped3A : memref<!tpu.dma_semaphore, #tpu.memory_space<semaphore_mem>>) src(%arg9 : memref<128x128xf32, #tpu.memory_space<vmem>>) dst(%dma_wait3A_189 : memref<10240x128xf32, #tpu.memory_space<vmem_shared>>)
        tpu.yield
      }) : () -> ()
      %add3A_161 = arith.constant 2 : i32
      %add3A_162 = arith.addi %add3A_143, %add3A_161 : i32
      %dma_start3A_163 = arith.constant 0 : i32
      %dma_start3A_164 = tpu.memref_slice %arg6[%add3A_162, %dma_start3A_163] : memref<80x128xi32, #tpu.memory_space<vmem>> -> memref<1x128xi32, #tpu.memory_space<vmem>>
      %dma_start3A_165 = tpu.memref_squeeze %dma_start3A_164 : memref<1x128xi32, #tpu.memory_space<vmem>> -> memref<128xi32, #tpu.memory_space<vmem>>
      %dma_start3A_166 = arith.constant 0 : i32
      %dma_start3A_167 = arith.constant 0 : i32
      %dma_start3A_168 = tpu.memref_slice %arg2[%dma_start3A_166, %dma_start3A_167] : memref<10000x128xf32, #tpu.memory_space<hbm>> -> memref<10000x128xf32, #tpu.memory_space<hbm>>
      tpu.enqueue_indirect_dma source(%dma_start3A_168 : memref<10000x128xf32, #tpu.memory_space<hbm>>) target(%arg9 : memref<128x128xf32, #tpu.memory_space<vmem>>) offsets(%dma_start3A_165 : memref<128xi32, #tpu.memory_space<vmem>>) semaphore(%arg12 : memref<!tpu.dma_semaphore, #tpu.memory_space<semaphore_mem>>)
      %dma_wait3A_169 = arith.constant 0 : i32
      %dma_wait3A_170 = arith.constant 0 : i32
      %dma_wait3A_171 = tpu.memref_slice %arg6[%dma_wait3A_169, %dma_wait3A_170] : memref<80x128xi32, #tpu.memory_space<vmem>> -> memref<1x128xi32, #tpu.memory_space<vmem>>
      %dma_wait3A_172 = tpu.memref_squeeze %dma_wait3A_171 : memref<1x128xi32, #tpu.memory_space<vmem>> -> memref<128xi32, #tpu.memory_space<vmem>>
      %dma_wait3A_173 = arith.constant 0 : i32
      %dma_wait3A_174 = arith.constant 0 : i32
      %dma_wait3A_175 = tpu.memref_slice %arg2[%dma_wait3A_173, %dma_wait3A_174] : memref<10000x128xf32, #tpu.memory_space<hbm>> -> memref<10000x128xf32, #tpu.memory_space<hbm>>
      tpu.wait_indirect_dma semaphore(%arg13 : memref<!tpu.dma_semaphore, #tpu.memory_space<semaphore_mem>>) src(%dma_wait3A_175 : memref<10000x128xf32, #tpu.memory_space<hbm>>) dst(%arg10 : memref<128x128xf32, #tpu.memory_space<vmem>>)
      %add3A_176 = arith.constant 1 : i32
      %add3A_177 = arith.addi %mul3A_145, %add3A_176 : i32
      "tpu.region"() ({
        %run_scoped3A = tpu.sem_alloc : memref<!tpu.dma_semaphore, #tpu.memory_space<semaphore_mem>>
        %dma_start3A_178 = arith.constant 0 : i32
        %dma_start3A_179 = tpu.memref_slice %arg8[%add3A_177, %dma_start3A_178] : memref<16x128xi32, #tpu.memory_space<vmem>> -> memref<1x128xi32, #tpu.memory_space<vmem>>
        %dma_start3A_180 = tpu.memref_squeeze %dma_start3A_179 : memref<1x128xi32, #tpu.memory_space<vmem>> -> memref<128xi32, #tpu.memory_space<vmem>>
        %dma_start3A_181 = arith.constant 0 : i32
        %dma_start3A_182 = arith.constant 0 : i32
        %dma_start3A_183 = tpu.memref_slice %arg11[%dma_start3A_181, %dma_start3A_182] : memref<10240x128xf32, #tpu.memory_space<vmem_shared>> -> memref<10240x128xf32, #tpu.memory_space<vmem_shared>>
        tpu.enqueue_indirect_dma source(%arg10 : memref<128x128xf32, #tpu.memory_space<vmem>>) target(%dma_start3A_183 : memref<10240x128xf32, #tpu.memory_space<vmem_shared>>) offsets(%dma_start3A_180 : memref<128xi32, #tpu.memory_space<vmem>>) semaphore(%run_scoped3A : memref<!tpu.dma_semaphore, #tpu.memory_space<semaphore_mem>>) {add = true}
        %dma_wait3A_184 = arith.constant 0 : i32
        %dma_wait3A_185 = tpu.memref_slice %arg8[%add3A_177, %dma_wait3A_184] : memref<16x128xi32, #tpu.memory_space<vmem>> -> memref<1x128xi32, #tpu.memory_space<vmem>>
        %dma_wait3A_186 = tpu.memref_squeeze %dma_wait3A_185 : memref<1x128xi32, #tpu.memory_space<vmem>> -> memref<128xi32, #tpu.memory_space<vmem>>
        %dma_wait3A_187 = arith.constant 0 : i32
        %dma_wait3A_188 = arith.constant 0 : i32
        %dma_wait3A_189 = tpu.memref_slice %arg11[%dma_wait3A_187, %dma_wait3A_188] : memref<10240x128xf32, #tpu.memory_space<vmem_shared>> -> memref<10240x128xf32, #tpu.memory_space<vmem_shared>>
        tpu.wait_indirect_dma semaphore(%run_scoped3A : memref<!tpu.dma_semaphore, #tpu.memory_space<semaphore_mem>>) src(%arg10 : memref<128x128xf32, #tpu.memory_space<vmem>>) dst(%dma_wait3A_189 : memref<10240x128xf32, #tpu.memory_space<vmem_shared>>)
        tpu.yield
      }) : () -> ()
    }
    %scan3A_114 = arith.constant 8 : i32
    %dma_wait3A_115 = arith.constant 0 : i32
    %dma_wait3A_116 = arith.constant 0 : i32
    %dma_wait3A_117 = tpu.memref_slice %arg4[%dma_wait3A_115, %dma_wait3A_116] : memref<2560x128xi32, #tpu.memory_space<hbm>> -> memref<16x128xi32, #tpu.memory_space<hbm>>
    %dma_wait3A_118 = arith.constant 0 : i32
    %dma_wait3A_119 = arith.constant 0 : i32
    %dma_wait3A_120 = tpu.memref_slice %arg4[%dma_wait3A_118, %dma_wait3A_119] : memref<2560x128xi32, #tpu.memory_space<hbm>> -> memref<16x128xi32, #tpu.memory_space<hbm>>
    tpu.wait_dma2 semaphore(%arg15 : memref<!tpu.dma_semaphore, #tpu.memory_space<semaphore_mem>>) src(%dma_wait3A_120 : memref<16x128xi32, #tpu.memory_space<hbm>>) dst(%arg7 : memref<16x128xi32, #tpu.memory_space<vmem>>)
    %scan3A_121 = arith.constant 0 : i32
    %scan3A_122 = arith.constant 0 : i32
    %scan3A_123 = arith.constant 8 : i32
    %scan3A_124 = arith.addi %scan3A_122, %scan3A_123 : i32
    %scan3A_125 = arith.constant 1 : i32
    scf.for %scan3A_139 = %scan3A_122 to %scan3A_124 step %scan3A_125  : i32 {
      %mul3A_140 = arith.constant 2 : i32
      %mul3A_141 = arith.muli %mul3A_140, %scan3A_139 : i32
      %add3A_142 = arith.constant 64 : i32
      %add3A_143 = arith.addi %add3A_142, %mul3A_141 : i32
      %mul3A_144 = arith.constant 2 : i32
      %mul3A_145 = arith.muli %mul3A_144, %scan3A_139 : i32
      %add3A_146 = arith.constant 1 : i32
      %add3A_147 = arith.addi %add3A_143, %add3A_146 : i32
      %dma_start3A_148 = arith.constant 0 : i32
      %dma_start3A_149 = tpu.memref_slice %arg6[%add3A_147, %dma_start3A_148] : memref<80x128xi32, #tpu.memory_space<vmem>> -> memref<1x128xi32, #tpu.memory_space<vmem>>
      %dma_start3A_150 = tpu.memref_squeeze %dma_start3A_149 : memref<1x128xi32, #tpu.memory_space<vmem>> -> memref<128xi32, #tpu.memory_space<vmem>>
      %dma_start3A_151 = arith.constant 0 : i32
      %dma_start3A_152 = arith.constant 0 : i32
      %dma_start3A_153 = tpu.memref_slice %arg2[%dma_start3A_151, %dma_start3A_152] : memref<10000x128xf32, #tpu.memory_space<hbm>> -> memref<10000x128xf32, #tpu.memory_space<hbm>>
      tpu.enqueue_indirect_dma source(%dma_start3A_153 : memref<10000x128xf32, #tpu.memory_space<hbm>>) target(%arg10 : memref<128x128xf32, #tpu.memory_space<vmem>>) offsets(%dma_start3A_150 : memref<128xi32, #tpu.memory_space<vmem>>) semaphore(%arg13 : memref<!tpu.dma_semaphore, #tpu.memory_space<semaphore_mem>>)
      %dma_wait3A_154 = arith.constant 0 : i32
      %dma_wait3A_155 = arith.constant 0 : i32
      %dma_wait3A_156 = tpu.memref_slice %arg6[%dma_wait3A_154, %dma_wait3A_155] : memref<80x128xi32, #tpu.memory_space<vmem>> -> memref<1x128xi32, #tpu.memory_space<vmem>>
      %dma_wait3A_157 = tpu.memref_squeeze %dma_wait3A_156 : memref<1x128xi32, #tpu.memory_space<vmem>> -> memref<128xi32, #tpu.memory_space<vmem>>
      %dma_wait3A_158 = arith.constant 0 : i32
      %dma_wait3A_159 = arith.constant 0 : i32
      %dma_wait3A_160 = tpu.memref_slice %arg2[%dma_wait3A_158, %dma_wait3A_159] : memref<10000x128xf32, #tpu.memory_space<hbm>> -> memref<10000x128xf32, #tpu.memory_space<hbm>>
      tpu.wait_indirect_dma semaphore(%arg12 : memref<!tpu.dma_semaphore, #tpu.memory_space<semaphore_mem>>) src(%dma_wait3A_160 : memref<10000x128xf32, #tpu.memory_space<hbm>>) dst(%arg9 : memref<128x128xf32, #tpu.memory_space<vmem>>)
      "tpu.region"() ({
        %run_scoped3A = tpu.sem_alloc : memref<!tpu.dma_semaphore, #tpu.memory_space<semaphore_mem>>
        %dma_start3A_187 = arith.constant 0 : i32
        %dma_start3A_188 = tpu.memref_slice %arg7[%mul3A_145, %dma_start3A_187] : memref<16x128xi32, #tpu.memory_space<vmem>> -> memref<1x128xi32, #tpu.memory_space<vmem>>
        %dma_start3A_189 = tpu.memref_squeeze %dma_start3A_188 : memref<1x128xi32, #tpu.memory_space<vmem>> -> memref<128xi32, #tpu.memory_space<vmem>>
        %dma_start3A_190 = arith.constant 0 : i32
        %dma_start3A_191 = arith.constant 0 : i32
        %dma_start3A_192 = tpu.memref_slice %arg11[%dma_start3A_190, %dma_start3A_191] : memref<10240x128xf32, #tpu.memory_space<vmem_shared>> -> memref<10240x128xf32, #tpu.memory_space<vmem_shared>>
        tpu.enqueue_indirect_dma source(%arg9 : memref<128x128xf32, #tpu.memory_space<vmem>>) target(%dma_start3A_192 : memref<10240x128xf32, #tpu.memory_space<vmem_shared>>) offsets(%dma_start3A_189 : memref<128xi32, #tpu.memory_space<vmem>>) semaphore(%run_scoped3A : memref<!tpu.dma_semaphore, #tpu.memory_space<semaphore_mem>>) {add = true}
        %dma_wait3A_193 = arith.constant 0 : i32
        %dma_wait3A_194 = tpu.memref_slice %arg7[%mul3A_145, %dma_wait3A_193] : memref<16x128xi32, #tpu.memory_space<vmem>> -> memref<1x128xi32, #tpu.memory_space<vmem>>
        %dma_wait3A_195 = tpu.memref_squeeze %dma_wait3A_194 : memref<1x128xi32, #tpu.memory_space<vmem>> -> memref<128xi32, #tpu.memory_space<vmem>>
        %dma_wait3A_196 = arith.constant 0 : i32
        %dma_wait3A_197 = arith.constant 0 : i32
        %dma_wait3A_198 = tpu.memref_slice %arg11[%dma_wait3A_196, %dma_wait3A_197] : memref<10240x128xf32, #tpu.memory_space<vmem_shared>> -> memref<10240x128xf32, #tpu.memory_space<vmem_shared>>
        tpu.wait_indirect_dma semaphore(%run_scoped3A : memref<!tpu.dma_semaphore, #tpu.memory_space<semaphore_mem>>) src(%arg9 : memref<128x128xf32, #tpu.memory_space<vmem>>) dst(%dma_wait3A_198 : memref<10240x128xf32, #tpu.memory_space<vmem_shared>>)
        tpu.yield
      }) : () -> ()
      %add3A_161 = arith.constant 2 : i32
      %add3A_162 = arith.addi %add3A_143, %add3A_161 : i32
      %jit3A = arith.constant 80 : i32
      %eq3A = arith.constant 0 : i32
      %eq3A_163 = arith.cmpi eq, %jit3A, %eq3A : i32
      %jit3A_164 = arith.constant 1 : i32
      %select_n3A = arith.select %eq3A_163, %jit3A_164, %jit3A : i32
      %rem3A = arith.remsi %add3A_162, %select_n3A : i32
      %ne3A = arith.constant 0 : i32
      %ne3A_165 = arith.cmpi ne, %rem3A, %ne3A : i32
      %lt3A = arith.constant 0 : i32
      %lt3A_166 = arith.cmpi slt, %rem3A, %lt3A : i32
      %lt3A_167 = arith.constant 0 : i32
      %lt3A_168 = arith.cmpi slt, %select_n3A, %lt3A_167 : i32
      %ne3A_169 = arith.xori %lt3A_166, %lt3A_168 : i1
      %and3A = arith.andi %ne3A_169, %ne3A_165 : i1
      %add3A_170 = arith.addi %rem3A, %select_n3A : i32
      %select_n3A_171 = arith.select %and3A, %add3A_170, %rem3A : i32
      %dma_start3A_172 = arith.constant 0 : i32
      %dma_start3A_173 = tpu.memref_slice %arg6[%select_n3A_171, %dma_start3A_172] : memref<80x128xi32, #tpu.memory_space<vmem>> -> memref<1x128xi32, #tpu.memory_space<vmem>>
      %dma_start3A_174 = tpu.memref_squeeze %dma_start3A_173 : memref<1x128xi32, #tpu.memory_space<vmem>> -> memref<128xi32, #tpu.memory_space<vmem>>
      %dma_start3A_175 = arith.constant 0 : i32
      %dma_start3A_176 = arith.constant 0 : i32
      %dma_start3A_177 = tpu.memref_slice %arg2[%dma_start3A_175, %dma_start3A_176] : memref<10000x128xf32, #tpu.memory_space<hbm>> -> memref<10000x128xf32, #tpu.memory_space<hbm>>
      tpu.enqueue_indirect_dma source(%dma_start3A_177 : memref<10000x128xf32, #tpu.memory_space<hbm>>) target(%arg9 : memref<128x128xf32, #tpu.memory_space<vmem>>) offsets(%dma_start3A_174 : memref<128xi32, #tpu.memory_space<vmem>>) semaphore(%arg12 : memref<!tpu.dma_semaphore, #tpu.memory_space<semaphore_mem>>)
      %dma_wait3A_178 = arith.constant 0 : i32
      %dma_wait3A_179 = arith.constant 0 : i32
      %dma_wait3A_180 = tpu.memref_slice %arg6[%dma_wait3A_178, %dma_wait3A_179] : memref<80x128xi32, #tpu.memory_space<vmem>> -> memref<1x128xi32, #tpu.memory_space<vmem>>
      %dma_wait3A_181 = tpu.memref_squeeze %dma_wait3A_180 : memref<1x128xi32, #tpu.memory_space<vmem>> -> memref<128xi32, #tpu.memory_space<vmem>>
      %dma_wait3A_182 = arith.constant 0 : i32
      %dma_wait3A_183 = arith.constant 0 : i32
      %dma_wait3A_184 = tpu.memref_slice %arg2[%dma_wait3A_182, %dma_wait3A_183] : memref<10000x128xf32, #tpu.memory_space<hbm>> -> memref<10000x128xf32, #tpu.memory_space<hbm>>
      tpu.wait_indirect_dma semaphore(%arg13 : memref<!tpu.dma_semaphore, #tpu.memory_space<semaphore_mem>>) src(%dma_wait3A_184 : memref<10000x128xf32, #tpu.memory_space<hbm>>) dst(%arg10 : memref<128x128xf32, #tpu.memory_space<vmem>>)
      %add3A_185 = arith.constant 1 : i32
      %add3A_186 = arith.addi %mul3A_145, %add3A_185 : i32
      "tpu.region"() ({
        %run_scoped3A = tpu.sem_alloc : memref<!tpu.dma_semaphore, #tpu.memory_space<semaphore_mem>>
        %dma_start3A_187 = arith.constant 0 : i32
        %dma_start3A_188 = tpu.memref_slice %arg7[%add3A_186, %dma_start3A_187] : memref<16x128xi32, #tpu.memory_space<vmem>> -> memref<1x128xi32, #tpu.memory_space<vmem>>
        %dma_start3A_189 = tpu.memref_squeeze %dma_start3A_188 : memref<1x128xi32, #tpu.memory_space<vmem>> -> memref<128xi32, #tpu.memory_space<vmem>>
        %dma_start3A_190 = arith.constant 0 : i32
        %dma_start3A_191 = arith.constant 0 : i32
        %dma_start3A_192 = tpu.memref_slice %arg11[%dma_start3A_190, %dma_start3A_191] : memref<10240x128xf32, #tpu.memory_space<vmem_shared>> -> memref<10240x128xf32, #tpu.memory_space<vmem_shared>>
        tpu.enqueue_indirect_dma source(%arg10 : memref<128x128xf32, #tpu.memory_space<vmem>>) target(%dma_start3A_192 : memref<10240x128xf32, #tpu.memory_space<vmem_shared>>) offsets(%dma_start3A_189 : memref<128xi32, #tpu.memory_space<vmem>>) semaphore(%run_scoped3A : memref<!tpu.dma_semaphore, #tpu.memory_space<semaphore_mem>>) {add = true}
        %dma_wait3A_193 = arith.constant 0 : i32
        %dma_wait3A_194 = tpu.memref_slice %arg7[%add3A_186, %dma_wait3A_193] : memref<16x128xi32, #tpu.memory_space<vmem>> -> memref<1x128xi32, #tpu.memory_space<vmem>>
        %dma_wait3A_195 = tpu.memref_squeeze %dma_wait3A_194 : memref<1x128xi32, #tpu.memory_space<vmem>> -> memref<128xi32, #tpu.memory_space<vmem>>
        %dma_wait3A_196 = arith.constant 0 : i32
        %dma_wait3A_197 = arith.constant 0 : i32
        %dma_wait3A_198 = tpu.memref_slice %arg11[%dma_wait3A_196, %dma_wait3A_197] : memref<10240x128xf32, #tpu.memory_space<vmem_shared>> -> memref<10240x128xf32, #tpu.memory_space<vmem_shared>>
        tpu.wait_indirect_dma semaphore(%run_scoped3A : memref<!tpu.dma_semaphore, #tpu.memory_space<semaphore_mem>>) src(%arg10 : memref<128x128xf32, #tpu.memory_space<vmem>>) dst(%dma_wait3A_198 : memref<10240x128xf32, #tpu.memory_space<vmem_shared>>)
        tpu.yield
      }) : () -> ()
    }
    %scan3A_126 = arith.constant 8 : i32
    %dma_wait3A_127 = arith.constant 0 : i32
    %dma_wait3A_128 = arith.constant 0 : i32
    %dma_wait3A_129 = tpu.memref_slice %arg6[%dma_wait3A_127, %dma_wait3A_128] : memref<80x128xi32, #tpu.memory_space<vmem>> -> memref<1x128xi32, #tpu.memory_space<vmem>>
    %dma_wait3A_130 = tpu.memref_squeeze %dma_wait3A_129 : memref<1x128xi32, #tpu.memory_space<vmem>> -> memref<128xi32, #tpu.memory_space<vmem>>
    %dma_wait3A_131 = arith.constant 0 : i32
    %dma_wait3A_132 = arith.constant 0 : i32
    %dma_wait3A_133 = tpu.memref_slice %arg2[%dma_wait3A_131, %dma_wait3A_132] : memref<10000x128xf32, #tpu.memory_space<hbm>> -> memref<10000x128xf32, #tpu.memory_space<hbm>>
    tpu.wait_indirect_dma semaphore(%arg12 : memref<!tpu.dma_semaphore, #tpu.memory_space<semaphore_mem>>) src(%dma_wait3A_133 : memref<10000x128xf32, #tpu.memory_space<hbm>>) dst(%arg9 : memref<128x128xf32, #tpu.memory_space<vmem>>)
    %barrier3A_134 = arith.constant 0 : index
    tpu.barrier barrier_id(%barrier3A_134)
    %mul3A_135 = arith.constant 640 : i32
    %mul3A_136 = arith.muli %arg1, %mul3A_135 : i32
    %mul3A_137 = arith.constant 640 : i32
    %mul3A_138 = arith.muli %arg1, %mul3A_137 : i32
    "tpu.region"() ({
      %run_scoped3A = tpu.sem_alloc : memref<!tpu.dma_semaphore, #tpu.memory_space<semaphore_mem>>
      %dma_start3A_139 = arith.constant 0 : i32
      %dma_start3A_140 = tpu.memref_slice %arg5[%arg0, %mul3A_138, %dma_start3A_139] : memref<2x10240x128xf32, #tpu.memory_space<hbm>> -> memref<1x640x128xf32, #tpu.memory_space<hbm>>
      %dma_start3A_141 = tpu.memref_squeeze %dma_start3A_140 : memref<1x640x128xf32, #tpu.memory_space<hbm>> -> memref<640x128xf32, #tpu.memory_space<hbm>>
      %dma_start3A_142 = arith.constant 0 : i32
      %dma_start3A_143 = tpu.memref_slice %arg11[%mul3A_136, %dma_start3A_142] : memref<10240x128xf32, #tpu.memory_space<vmem_shared>> -> memref<640x128xf32, #tpu.memory_space<vmem_shared>>
      tpu.enqueue_dma source(%dma_start3A_143 : memref<640x128xf32, #tpu.memory_space<vmem_shared>>) target(%dma_start3A_141 : memref<640x128xf32, #tpu.memory_space<hbm>>) target_semaphore(%run_scoped3A : memref<!tpu.dma_semaphore, #tpu.memory_space<semaphore_mem>>)
      %dma_wait3A_144 = arith.constant 0 : i32
      %dma_wait3A_145 = tpu.memref_slice %arg5[%arg0, %mul3A_138, %dma_wait3A_144] : memref<2x10240x128xf32, #tpu.memory_space<hbm>> -> memref<1x640x128xf32, #tpu.memory_space<hbm>>
      %dma_wait3A_146 = tpu.memref_squeeze %dma_wait3A_145 : memref<1x640x128xf32, #tpu.memory_space<hbm>> -> memref<640x128xf32, #tpu.memory_space<hbm>>
      %dma_wait3A_147 = arith.constant 0 : i32
      %dma_wait3A_148 = tpu.memref_slice %arg11[%mul3A_136, %dma_wait3A_147] : memref<10240x128xf32, #tpu.memory_space<vmem_shared>> -> memref<640x128xf32, #tpu.memory_space<vmem_shared>>
      tpu.wait_dma2 semaphore(%run_scoped3A : memref<!tpu.dma_semaphore, #tpu.memory_space<semaphore_mem>>) src(%dma_wait3A_148 : memref<640x128xf32, #tpu.memory_space<vmem_shared>>) dst(%dma_wait3A_146 : memref<640x128xf32, #tpu.memory_space<hbm>>)
      tpu.yield
    }) : () -> ()
    return
  }
}

#map = affine_map<(d0, d1) -> (0, 0)>
#map1 = affine_map<(d0, d1) -> (0, 0, 0)>
module attributes {stable_mosaic.version = 14 : i64} {
  func.func @_seg_sum_body(%arg0: i32, %arg1: i32, %arg2: memref<10240x128xf32, #tpu.memory_space<hbm>>, %arg3: memref<2560x128xi32, #tpu.memory_space<hbm>>, %arg4: memref<2560x128xi32, #tpu.memory_space<hbm>>, %arg5: memref<2x10240x128xf32, #tpu.memory_space<hbm>>, %arg6: memref<80x128xi32, #tpu.memory_space<vmem>>, %arg7: memref<16x128xi32, #tpu.memory_space<vmem>>, %arg8: memref<16x128xi32, #tpu.memory_space<vmem>>, %arg9: memref<128x128xf32, #tpu.memory_space<vmem>>, %arg10: memref<128x128xf32, #tpu.memory_space<vmem>>, %arg11: memref<10240x128xf32, #tpu.memory_space<vmem_shared>>, %arg12: memref<!tpu.dma_semaphore, #tpu.memory_space<semaphore_mem>>, %arg13: memref<!tpu.dma_semaphore, #tpu.memory_space<semaphore_mem>>, %arg14: memref<!tpu.dma_semaphore, #tpu.memory_space<semaphore_mem>>, %arg15: memref<!tpu.dma_semaphore, #tpu.memory_space<semaphore_mem>>) attributes {dimension_semantics = [#tpu.dimension_semantics<core_parallel>, #tpu.dimension_semantics<subcore_parallel>], iteration_bounds = array<i64: 2, 16>, scalar_prefetch = 0 : i64, scratch_operands = 10 : i64, tpu.core_type = #tpu.core_type<sc_vector_subcore>, window_params = [{transform_indices = #map}, {transform_indices = #map}, {transform_indices = #map}, {transform_indices = #map1}]} {
    %mul3A = arith.constant 2 : i32
    %mul3A_0 = arith.muli %arg1, %mul3A : i32
    %add3A = arith.addi %mul3A_0, %arg0 : i32
    %mul3A_1 = arith.constant 80 : i32
    %mul3A_2 = arith.muli %add3A, %mul3A_1 : i32
    %dma_start3A = arith.constant 0 : i32
    %dma_start3A_3 = tpu.memref_slice %arg3[%mul3A_2, %dma_start3A] : memref<2560x128xi32, #tpu.memory_space<hbm>> -> memref<80x128xi32, #tpu.memory_space<hbm>>
    %dma_start3A_4 = arith.constant 0 : i32
    %dma_start3A_5 = tpu.memref_slice %arg3[%mul3A_2, %dma_start3A_4] : memref<2560x128xi32, #tpu.memory_space<hbm>> -> memref<80x128xi32, #tpu.memory_space<hbm>>
    tpu.enqueue_dma source(%dma_start3A_5 : memref<80x128xi32, #tpu.memory_space<hbm>>) target(%arg6 : memref<80x128xi32, #tpu.memory_space<vmem>>) target_semaphore(%arg14 : memref<!tpu.dma_semaphore, #tpu.memory_space<semaphore_mem>>)
    %mul3A_6 = arith.constant 80 : i32
    %mul3A_7 = arith.muli %add3A, %mul3A_6 : i32
    %dma_start3A_8 = arith.constant 0 : i32
    %dma_start3A_9 = tpu.memref_slice %arg4[%mul3A_7, %dma_start3A_8] : memref<2560x128xi32, #tpu.memory_space<hbm>> -> memref<16x128xi32, #tpu.memory_space<hbm>>
    %dma_start3A_10 = arith.constant 0 : i32
    %dma_start3A_11 = tpu.memref_slice %arg4[%mul3A_7, %dma_start3A_10] : memref<2560x128xi32, #tpu.memory_space<hbm>> -> memref<16x128xi32, #tpu.memory_space<hbm>>
    tpu.enqueue_dma source(%dma_start3A_11 : memref<16x128xi32, #tpu.memory_space<hbm>>) target(%arg7 : memref<16x128xi32, #tpu.memory_space<vmem>>) target_semaphore(%arg15 : memref<!tpu.dma_semaphore, #tpu.memory_space<semaphore_mem>>)
    %scan3A = arith.constant 0 : i32
    %scan3A_12 = arith.constant 0 : i32
    %scan3A_13 = arith.constant 128 : i32
    %scan3A_14 = arith.addi %scan3A_12, %scan3A_13 : i32
    %scan3A_15 = arith.constant 1 : i32
    scf.for %scan3A_139 = %scan3A_12 to %scan3A_14 step %scan3A_15  : i32 {
      %scan3A_140 = arith.constant 0 : i32
      %scan3A_141 = arith.constant 8 : i32
      %scan3A_142 = arith.addi %scan3A_140, %scan3A_141 : i32
      %scan3A_143 = arith.constant 1 : i32
      scf.for %scan3A_145 = %scan3A_140 to %scan3A_142 step %scan3A_143  : i32 {
        %broadcast_in_dim3A = arith.constant 0.000000e+00 : f32
        %broadcast_in_dim3A_146 = vector.broadcast %broadcast_in_dim3A : f32 to vector<16xf32>
        %mul3A_147 = arith.constant 16 : i32
        %mul3A_148 = arith.muli %scan3A_145, %mul3A_147 : i32
        %swap3A = arith.index_cast %scan3A_139 : i32 to index
        %swap3A_149 = arith.index_cast %mul3A_148 : i32 to index
        %swap3A_150 = tpu.vector_load %arg9[%swap3A, %swap3A_149] {strides = array<i32>} : memref<128x128xf32, #tpu.memory_space<vmem>>, vector<1x16xf32>,
        %swap3A_151 = vector.shape_cast %swap3A_150 : vector<1x16xf32> to vector<16xf32>
        %swap3A_152 = vector.shape_cast %broadcast_in_dim3A_146 : vector<16xf32> to vector<1x16xf32>
        tpu.vector_store %arg9[%swap3A, %swap3A_149], %swap3A_152 {strides = array<i32>} : memref<128x128xf32, #tpu.memory_space<vmem>>, vector<1x16xf32>,
      }
      %scan3A_144 = arith.constant 8 : i32
    }
    %scan3A_16 = arith.constant 128 : i32
    %scan3A_17 = arith.constant 0 : i32
    %scan3A_18 = arith.constant 0 : i32
    %scan3A_19 = arith.constant 5 : i32
    %scan3A_20 = arith.addi %scan3A_18, %scan3A_19 : i32
    %scan3A_21 = arith.constant 1 : i32
    scf.for %scan3A_139 = %scan3A_18 to %scan3A_20 step %scan3A_21  : i32 {
      %mul3A_140 = arith.constant 640 : i32
      %mul3A_141 = arith.muli %arg1, %mul3A_140 : i32
      %mul3A_142 = arith.constant 128 : i32
      %mul3A_143 = arith.muli %scan3A_139, %mul3A_142 : i32
      %add3A_144 = arith.addi %mul3A_141, %mul3A_143 : i32
      "tpu.region"() ({
        %run_scoped3A = tpu.sem_alloc : memref<!tpu.dma_semaphore, #tpu.memory_space<semaphore_mem>>
        %dma_start3A_145 = arith.constant 0 : i32
        %dma_start3A_146 = tpu.memref_slice %arg11[%add3A_144, %dma_start3A_145] : memref<10240x128xf32, #tpu.memory_space<vmem_shared>> -> memref<128x128xf32, #tpu.memory_space<vmem_shared>>
        %dma_start3A_147 = arith.constant 0 : i32
        %dma_start3A_148 = tpu.memref_slice %arg11[%add3A_144, %dma_start3A_147] : memref<10240x128xf32, #tpu.memory_space<vmem_shared>> -> memref<128x128xf32, #tpu.memory_space<vmem_shared>>
        tpu.enqueue_dma source(%arg9 : memref<128x128xf32, #tpu.memory_space<vmem>>) target(%dma_start3A_148 : memref<128x128xf32, #tpu.memory_space<vmem_shared>>) target_semaphore(%run_scoped3A : memref<!tpu.dma_semaphore, #tpu.memory_space<semaphore_mem>>)
        %dma_wait3A_149 = arith.constant 0 : i32
        %dma_wait3A_150 = tpu.memref_slice %arg11[%add3A_144, %dma_wait3A_149] : memref<10240x128xf32, #tpu.memory_space<vmem_shared>> -> memref<128x128xf32, #tpu.memory_space<vmem_shared>>
        %dma_wait3A_151 = arith.constant 0 : i32
        %dma_wait3A_152 = tpu.memref_slice %arg11[%add3A_144, %dma_wait3A_151] : memref<10240x128xf32, #tpu.memory_space<vmem_shared>> -> memref<128x128xf32, #tpu.memory_space<vmem_shared>>
        tpu.wait_dma2 semaphore(%run_scoped3A : memref<!tpu.dma_semaphore, #tpu.memory_space<semaphore_mem>>) src(%arg9 : memref<128x128xf32, #tpu.memory_space<vmem>>) dst(%dma_wait3A_152 : memref<128x128xf32, #tpu.memory_space<vmem_shared>>)
        tpu.yield
      }) : () -> ()
    }
    %scan3A_22 = arith.constant 5 : i32
    %dma_wait3A = arith.constant 0 : i32
    %dma_wait3A_23 = arith.constant 0 : i32
    %dma_wait3A_24 = tpu.memref_slice %arg3[%dma_wait3A, %dma_wait3A_23] : memref<2560x128xi32, #tpu.memory_space<hbm>> -> memref<80x128xi32, #tpu.memory_space<hbm>>
    %dma_wait3A_25 = arith.constant 0 : i32
    %dma_wait3A_26 = arith.constant 0 : i32
    %dma_wait3A_27 = tpu.memref_slice %arg3[%dma_wait3A_25, %dma_wait3A_26] : memref<2560x128xi32, #tpu.memory_space<hbm>> -> memref<80x128xi32, #tpu.memory_space<hbm>>
    tpu.wait_dma2 semaphore(%arg14 : memref<!tpu.dma_semaphore, #tpu.memory_space<semaphore_mem>>) src(%dma_wait3A_27 : memref<80x128xi32, #tpu.memory_space<hbm>>) dst(%arg6 : memref<80x128xi32, #tpu.memory_space<vmem>>)
    %dma_start3A_28 = arith.constant 0 : i32
    %dma_start3A_29 = arith.constant 0 : i32
    %dma_start3A_30 = tpu.memref_slice %arg6[%dma_start3A_28, %dma_start3A_29] : memref<80x128xi32, #tpu.memory_space<vmem>> -> memref<1x128xi32, #tpu.memory_space<vmem>>
    %dma_start3A_31 = tpu.memref_squeeze %dma_start3A_30 : memref<1x128xi32, #tpu.memory_space<vmem>> -> memref<128xi32, #tpu.memory_space<vmem>>
    %dma_start3A_32 = arith.constant 0 : i32
    %dma_start3A_33 = arith.constant 0 : i32
    %dma_start3A_34 = tpu.memref_slice %arg2[%dma_start3A_32, %dma_start3A_33] : memref<10240x128xf32, #tpu.memory_space<hbm>> -> memref<10240x128xf32, #tpu.memory_space<hbm>>
    tpu.enqueue_indirect_dma source(%dma_start3A_34 : memref<10240x128xf32, #tpu.memory_space<hbm>>) target(%arg9 : memref<128x128xf32, #tpu.memory_space<vmem>>) offsets(%dma_start3A_31 : memref<128xi32, #tpu.memory_space<vmem>>) semaphore(%arg12 : memref<!tpu.dma_semaphore, #tpu.memory_space<semaphore_mem>>)
    %barrier3A = arith.constant 0 : index
    tpu.barrier barrier_id(%barrier3A)
    %dma_wait3A_35 = arith.constant 0 : i32
    %dma_wait3A_36 = arith.constant 0 : i32
    %dma_wait3A_37 = tpu.memref_slice %arg4[%dma_wait3A_35, %dma_wait3A_36] : memref<2560x128xi32, #tpu.memory_space<hbm>> -> memref<16x128xi32, #tpu.memory_space<hbm>>
    %dma_wait3A_38 = arith.constant 0 : i32
    %dma_wait3A_39 = arith.constant 0 : i32
    %dma_wait3A_40 = tpu.memref_slice %arg4[%dma_wait3A_38, %dma_wait3A_39] : memref<2560x128xi32, #tpu.memory_space<hbm>> -> memref<16x128xi32, #tpu.memory_space<hbm>>
    tpu.wait_dma2 semaphore(%arg15 : memref<!tpu.dma_semaphore, #tpu.memory_space<semaphore_mem>>) src(%dma_wait3A_40 : memref<16x128xi32, #tpu.memory_space<hbm>>) dst(%arg7 : memref<16x128xi32, #tpu.memory_space<vmem>>)
    %mul3A_41 = arith.constant 80 : i32
    %mul3A_42 = arith.muli %add3A, %mul3A_41 : i32
    %add3A_43 = arith.constant 16 : i32
    %add3A_44 = arith.addi %mul3A_42, %add3A_43 : i32
    %dma_start3A_45 = arith.constant 0 : i32
    %dma_start3A_46 = tpu.memref_slice %arg4[%add3A_44, %dma_start3A_45] : memref<2560x128xi32, #tpu.memory_space<hbm>> -> memref<16x128xi32, #tpu.memory_space<hbm>>
    %dma_start3A_47 = arith.constant 0 : i32
    %dma_start3A_48 = tpu.memref_slice %arg4[%add3A_44, %dma_start3A_47] : memref<2560x128xi32, #tpu.memory_space<hbm>> -> memref<16x128xi32, #tpu.memory_space<hbm>>
    tpu.enqueue_dma source(%dma_start3A_48 : memref<16x128xi32, #tpu.memory_space<hbm>>) target(%arg8 : memref<16x128xi32, #tpu.memory_space<vmem>>) target_semaphore(%arg15 : memref<!tpu.dma_semaphore, #tpu.memory_space<semaphore_mem>>)
    %scan3A_49 = arith.constant 0 : i32
    %scan3A_50 = arith.constant 0 : i32
    %scan3A_51 = arith.constant 8 : i32
    %scan3A_52 = arith.addi %scan3A_50, %scan3A_51 : i32
    %scan3A_53 = arith.constant 1 : i32
    scf.for %scan3A_139 = %scan3A_50 to %scan3A_52 step %scan3A_53  : i32 {
      %mul3A_140 = arith.constant 2 : i32
      %mul3A_141 = arith.muli %mul3A_140, %scan3A_139 : i32
      %add3A_142 = arith.constant 0 : i32
      %add3A_143 = arith.addi %add3A_142, %mul3A_141 : i32
      %mul3A_144 = arith.constant 2 : i32
      %mul3A_145 = arith.muli %mul3A_144, %scan3A_139 : i32
      %add3A_146 = arith.constant 1 : i32
      %add3A_147 = arith.addi %add3A_143, %add3A_146 : i32
      %dma_start3A_148 = arith.constant 0 : i32
      %dma_start3A_149 = tpu.memref_slice %arg6[%add3A_147, %dma_start3A_148] : memref<80x128xi32, #tpu.memory_space<vmem>> -> memref<1x128xi32, #tpu.memory_space<vmem>>
      %dma_start3A_150 = tpu.memref_squeeze %dma_start3A_149 : memref<1x128xi32, #tpu.memory_space<vmem>> -> memref<128xi32, #tpu.memory_space<vmem>>
      %dma_start3A_151 = arith.constant 0 : i32
      %dma_start3A_152 = arith.constant 0 : i32
      %dma_start3A_153 = tpu.memref_slice %arg2[%dma_start3A_151, %dma_start3A_152] : memref<10240x128xf32, #tpu.memory_space<hbm>> -> memref<10240x128xf32, #tpu.memory_space<hbm>>
      tpu.enqueue_indirect_dma source(%dma_start3A_153 : memref<10240x128xf32, #tpu.memory_space<hbm>>) target(%arg10 : memref<128x128xf32, #tpu.memory_space<vmem>>) offsets(%dma_start3A_150 : memref<128xi32, #tpu.memory_space<vmem>>) semaphore(%arg13 : memref<!tpu.dma_semaphore, #tpu.memory_space<semaphore_mem>>)
      %dma_wait3A_154 = arith.constant 0 : i32
      %dma_wait3A_155 = arith.constant 0 : i32
      %dma_wait3A_156 = tpu.memref_slice %arg6[%dma_wait3A_154, %dma_wait3A_155] : memref<80x128xi32, #tpu.memory_space<vmem>> -> memref<1x128xi32, #tpu.memory_space<vmem>>
      %dma_wait3A_157 = tpu.memref_squeeze %dma_wait3A_156 : memref<1x128xi32, #tpu.memory_space<vmem>> -> memref<128xi32, #tpu.memory_space<vmem>>
      %dma_wait3A_158 = arith.constant 0 : i32
      %dma_wait3A_159 = arith.constant 0 : i32
      %dma_wait3A_160 = tpu.memref_slice %arg2[%dma_wait3A_158, %dma_wait3A_159] : memref<10240x128xf32, #tpu.memory_space<hbm>> -> memref<10240x128xf32, #tpu.memory_space<hbm>>
      tpu.wait_indirect_dma semaphore(%arg12 : memref<!tpu.dma_semaphore, #tpu.memory_space<semaphore_mem>>) src(%dma_wait3A_160 : memref<10240x128xf32, #tpu.memory_space<hbm>>) dst(%arg9 : memref<128x128xf32, #tpu.memory_space<vmem>>)
      "tpu.region"() ({
        %run_scoped3A = tpu.sem_alloc : memref<!tpu.dma_semaphore, #tpu.memory_space<semaphore_mem>>
        %dma_start3A_178 = arith.constant 0 : i32
        %dma_start3A_179 = tpu.memref_slice %arg7[%mul3A_145, %dma_start3A_178] : memref<16x128xi32, #tpu.memory_space<vmem>> -> memref<1x128xi32, #tpu.memory_space<vmem>>
        %dma_start3A_180 = tpu.memref_squeeze %dma_start3A_179 : memref<1x128xi32, #tpu.memory_space<vmem>> -> memref<128xi32, #tpu.memory_space<vmem>>
        %dma_start3A_181 = arith.constant 0 : i32
        %dma_start3A_182 = arith.constant 0 : i32
        %dma_start3A_183 = tpu.memref_slice %arg11[%dma_start3A_181, %dma_start3A_182] : memref<10240x128xf32, #tpu.memory_space<vmem_shared>> -> memref<10240x128xf32, #tpu.memory_space<vmem_shared>>
        tpu.enqueue_indirect_dma source(%arg9 : memref<128x128xf32, #tpu.memory_space<vmem>>) target(%dma_start3A_183 : memref<10240x128xf32, #tpu.memory_space<vmem_shared>>) offsets(%dma_start3A_180 : memref<128xi32, #tpu.memory_space<vmem>>) semaphore(%run_scoped3A : memref<!tpu.dma_semaphore, #tpu.memory_space<semaphore_mem>>) {add = true}
        %dma_wait3A_184 = arith.constant 0 : i32
        %dma_wait3A_185 = tpu.memref_slice %arg7[%mul3A_145, %dma_wait3A_184] : memref<16x128xi32, #tpu.memory_space<vmem>> -> memref<1x128xi32, #tpu.memory_space<vmem>>
        %dma_wait3A_186 = tpu.memref_squeeze %dma_wait3A_185 : memref<1x128xi32, #tpu.memory_space<vmem>> -> memref<128xi32, #tpu.memory_space<vmem>>
        %dma_wait3A_187 = arith.constant 0 : i32
        %dma_wait3A_188 = arith.constant 0 : i32
        %dma_wait3A_189 = tpu.memref_slice %arg11[%dma_wait3A_187, %dma_wait3A_188] : memref<10240x128xf32, #tpu.memory_space<vmem_shared>> -> memref<10240x128xf32, #tpu.memory_space<vmem_shared>>
        tpu.wait_indirect_dma semaphore(%run_scoped3A : memref<!tpu.dma_semaphore, #tpu.memory_space<semaphore_mem>>) src(%arg9 : memref<128x128xf32, #tpu.memory_space<vmem>>) dst(%dma_wait3A_189 : memref<10240x128xf32, #tpu.memory_space<vmem_shared>>)
        tpu.yield
      }) : () -> ()
      %add3A_161 = arith.constant 2 : i32
      %add3A_162 = arith.addi %add3A_143, %add3A_161 : i32
      %dma_start3A_163 = arith.constant 0 : i32
      %dma_start3A_164 = tpu.memref_slice %arg6[%add3A_162, %dma_start3A_163] : memref<80x128xi32, #tpu.memory_space<vmem>> -> memref<1x128xi32, #tpu.memory_space<vmem>>
      %dma_start3A_165 = tpu.memref_squeeze %dma_start3A_164 : memref<1x128xi32, #tpu.memory_space<vmem>> -> memref<128xi32, #tpu.memory_space<vmem>>
      %dma_start3A_166 = arith.constant 0 : i32
      %dma_start3A_167 = arith.constant 0 : i32
      %dma_start3A_168 = tpu.memref_slice %arg2[%dma_start3A_166, %dma_start3A_167] : memref<10240x128xf32, #tpu.memory_space<hbm>> -> memref<10240x128xf32, #tpu.memory_space<hbm>>
      tpu.enqueue_indirect_dma source(%dma_start3A_168 : memref<10240x128xf32, #tpu.memory_space<hbm>>) target(%arg9 : memref<128x128xf32, #tpu.memory_space<vmem>>) offsets(%dma_start3A_165 : memref<128xi32, #tpu.memory_space<vmem>>) semaphore(%arg12 : memref<!tpu.dma_semaphore, #tpu.memory_space<semaphore_mem>>)
      %dma_wait3A_169 = arith.constant 0 : i32
      %dma_wait3A_170 = arith.constant 0 : i32
      %dma_wait3A_171 = tpu.memref_slice %arg6[%dma_wait3A_169, %dma_wait3A_170] : memref<80x128xi32, #tpu.memory_space<vmem>> -> memref<1x128xi32, #tpu.memory_space<vmem>>
      %dma_wait3A_172 = tpu.memref_squeeze %dma_wait3A_171 : memref<1x128xi32, #tpu.memory_space<vmem>> -> memref<128xi32, #tpu.memory_space<vmem>>
      %dma_wait3A_173 = arith.constant 0 : i32
      %dma_wait3A_174 = arith.constant 0 : i32
      %dma_wait3A_175 = tpu.memref_slice %arg2[%dma_wait3A_173, %dma_wait3A_174] : memref<10240x128xf32, #tpu.memory_space<hbm>> -> memref<10240x128xf32, #tpu.memory_space<hbm>>
      tpu.wait_indirect_dma semaphore(%arg13 : memref<!tpu.dma_semaphore, #tpu.memory_space<semaphore_mem>>) src(%dma_wait3A_175 : memref<10240x128xf32, #tpu.memory_space<hbm>>) dst(%arg10 : memref<128x128xf32, #tpu.memory_space<vmem>>)
      %add3A_176 = arith.constant 1 : i32
      %add3A_177 = arith.addi %mul3A_145, %add3A_176 : i32
      "tpu.region"() ({
        %run_scoped3A = tpu.sem_alloc : memref<!tpu.dma_semaphore, #tpu.memory_space<semaphore_mem>>
        %dma_start3A_178 = arith.constant 0 : i32
        %dma_start3A_179 = tpu.memref_slice %arg7[%add3A_177, %dma_start3A_178] : memref<16x128xi32, #tpu.memory_space<vmem>> -> memref<1x128xi32, #tpu.memory_space<vmem>>
        %dma_start3A_180 = tpu.memref_squeeze %dma_start3A_179 : memref<1x128xi32, #tpu.memory_space<vmem>> -> memref<128xi32, #tpu.memory_space<vmem>>
        %dma_start3A_181 = arith.constant 0 : i32
        %dma_start3A_182 = arith.constant 0 : i32
        %dma_start3A_183 = tpu.memref_slice %arg11[%dma_start3A_181, %dma_start3A_182] : memref<10240x128xf32, #tpu.memory_space<vmem_shared>> -> memref<10240x128xf32, #tpu.memory_space<vmem_shared>>
        tpu.enqueue_indirect_dma source(%arg10 : memref<128x128xf32, #tpu.memory_space<vmem>>) target(%dma_start3A_183 : memref<10240x128xf32, #tpu.memory_space<vmem_shared>>) offsets(%dma_start3A_180 : memref<128xi32, #tpu.memory_space<vmem>>) semaphore(%run_scoped3A : memref<!tpu.dma_semaphore, #tpu.memory_space<semaphore_mem>>) {add = true}
        %dma_wait3A_184 = arith.constant 0 : i32
        %dma_wait3A_185 = tpu.memref_slice %arg7[%add3A_177, %dma_wait3A_184] : memref<16x128xi32, #tpu.memory_space<vmem>> -> memref<1x128xi32, #tpu.memory_space<vmem>>
        %dma_wait3A_186 = tpu.memref_squeeze %dma_wait3A_185 : memref<1x128xi32, #tpu.memory_space<vmem>> -> memref<128xi32, #tpu.memory_space<vmem>>
        %dma_wait3A_187 = arith.constant 0 : i32
        %dma_wait3A_188 = arith.constant 0 : i32
        %dma_wait3A_189 = tpu.memref_slice %arg11[%dma_wait3A_187, %dma_wait3A_188] : memref<10240x128xf32, #tpu.memory_space<vmem_shared>> -> memref<10240x128xf32, #tpu.memory_space<vmem_shared>>
        tpu.wait_indirect_dma semaphore(%run_scoped3A : memref<!tpu.dma_semaphore, #tpu.memory_space<semaphore_mem>>) src(%arg10 : memref<128x128xf32, #tpu.memory_space<vmem>>) dst(%dma_wait3A_189 : memref<10240x128xf32, #tpu.memory_space<vmem_shared>>)
        tpu.yield
      }) : () -> ()
    }
    %scan3A_54 = arith.constant 8 : i32
    %dma_wait3A_55 = arith.constant 0 : i32
    %dma_wait3A_56 = arith.constant 0 : i32
    %dma_wait3A_57 = tpu.memref_slice %arg4[%dma_wait3A_55, %dma_wait3A_56] : memref<2560x128xi32, #tpu.memory_space<hbm>> -> memref<16x128xi32, #tpu.memory_space<hbm>>
    %dma_wait3A_58 = arith.constant 0 : i32
    %dma_wait3A_59 = arith.constant 0 : i32
    %dma_wait3A_60 = tpu.memref_slice %arg4[%dma_wait3A_58, %dma_wait3A_59] : memref<2560x128xi32, #tpu.memory_space<hbm>> -> memref<16x128xi32, #tpu.memory_space<hbm>>
    tpu.wait_dma2 semaphore(%arg15 : memref<!tpu.dma_semaphore, #tpu.memory_space<semaphore_mem>>) src(%dma_wait3A_60 : memref<16x128xi32, #tpu.memory_space<hbm>>) dst(%arg8 : memref<16x128xi32, #tpu.memory_space<vmem>>)
    %mul3A_61 = arith.constant 80 : i32
    %mul3A_62 = arith.muli %add3A, %mul3A_61 : i32
    %add3A_63 = arith.constant 32 : i32
    %add3A_64 = arith.addi %mul3A_62, %add3A_63 : i32
    %dma_start3A_65 = arith.constant 0 : i32
    %dma_start3A_66 = tpu.memref_slice %arg4[%add3A_64, %dma_start3A_65] : memref<2560x128xi32, #tpu.memory_space<hbm>> -> memref<16x128xi32, #tpu.memory_space<hbm>>
    %dma_start3A_67 = arith.constant 0 : i32
    %dma_start3A_68 = tpu.memref_slice %arg4[%add3A_64, %dma_start3A_67] : memref<2560x128xi32, #tpu.memory_space<hbm>> -> memref<16x128xi32, #tpu.memory_space<hbm>>
    tpu.enqueue_dma source(%dma_start3A_68 : memref<16x128xi32, #tpu.memory_space<hbm>>) target(%arg7 : memref<16x128xi32, #tpu.memory_space<vmem>>) target_semaphore(%arg15 : memref<!tpu.dma_semaphore, #tpu.memory_space<semaphore_mem>>)
    %scan3A_69 = arith.constant 0 : i32
    %scan3A_70 = arith.constant 0 : i32
    %scan3A_71 = arith.constant 8 : i32
    %scan3A_72 = arith.addi %scan3A_70, %scan3A_71 : i32
    %scan3A_73 = arith.constant 1 : i32
    scf.for %scan3A_139 = %scan3A_70 to %scan3A_72 step %scan3A_73  : i32 {
      %mul3A_140 = arith.constant 2 : i32
      %mul3A_141 = arith.muli %mul3A_140, %scan3A_139 : i32
      %add3A_142 = arith.constant 16 : i32
      %add3A_143 = arith.addi %add3A_142, %mul3A_141 : i32
      %mul3A_144 = arith.constant 2 : i32
      %mul3A_145 = arith.muli %mul3A_144, %scan3A_139 : i32
      %add3A_146 = arith.constant 1 : i32
      %add3A_147 = arith.addi %add3A_143, %add3A_146 : i32
      %dma_start3A_148 = arith.constant 0 : i32
      %dma_start3A_149 = tpu.memref_slice %arg6[%add3A_147, %dma_start3A_148] : memref<80x128xi32, #tpu.memory_space<vmem>> -> memref<1x128xi32, #tpu.memory_space<vmem>>
      %dma_start3A_150 = tpu.memref_squeeze %dma_start3A_149 : memref<1x128xi32, #tpu.memory_space<vmem>> -> memref<128xi32, #tpu.memory_space<vmem>>
      %dma_start3A_151 = arith.constant 0 : i32
      %dma_start3A_152 = arith.constant 0 : i32
      %dma_start3A_153 = tpu.memref_slice %arg2[%dma_start3A_151, %dma_start3A_152] : memref<10240x128xf32, #tpu.memory_space<hbm>> -> memref<10240x128xf32, #tpu.memory_space<hbm>>
      tpu.enqueue_indirect_dma source(%dma_start3A_153 : memref<10240x128xf32, #tpu.memory_space<hbm>>) target(%arg10 : memref<128x128xf32, #tpu.memory_space<vmem>>) offsets(%dma_start3A_150 : memref<128xi32, #tpu.memory_space<vmem>>) semaphore(%arg13 : memref<!tpu.dma_semaphore, #tpu.memory_space<semaphore_mem>>)
      %dma_wait3A_154 = arith.constant 0 : i32
      %dma_wait3A_155 = arith.constant 0 : i32
      %dma_wait3A_156 = tpu.memref_slice %arg6[%dma_wait3A_154, %dma_wait3A_155] : memref<80x128xi32, #tpu.memory_space<vmem>> -> memref<1x128xi32, #tpu.memory_space<vmem>>
      %dma_wait3A_157 = tpu.memref_squeeze %dma_wait3A_156 : memref<1x128xi32, #tpu.memory_space<vmem>> -> memref<128xi32, #tpu.memory_space<vmem>>
      %dma_wait3A_158 = arith.constant 0 : i32
      %dma_wait3A_159 = arith.constant 0 : i32
      %dma_wait3A_160 = tpu.memref_slice %arg2[%dma_wait3A_158, %dma_wait3A_159] : memref<10240x128xf32, #tpu.memory_space<hbm>> -> memref<10240x128xf32, #tpu.memory_space<hbm>>
      tpu.wait_indirect_dma semaphore(%arg12 : memref<!tpu.dma_semaphore, #tpu.memory_space<semaphore_mem>>) src(%dma_wait3A_160 : memref<10240x128xf32, #tpu.memory_space<hbm>>) dst(%arg9 : memref<128x128xf32, #tpu.memory_space<vmem>>)
      "tpu.region"() ({
        %run_scoped3A = tpu.sem_alloc : memref<!tpu.dma_semaphore, #tpu.memory_space<semaphore_mem>>
        %dma_start3A_178 = arith.constant 0 : i32
        %dma_start3A_179 = tpu.memref_slice %arg8[%mul3A_145, %dma_start3A_178] : memref<16x128xi32, #tpu.memory_space<vmem>> -> memref<1x128xi32, #tpu.memory_space<vmem>>
        %dma_start3A_180 = tpu.memref_squeeze %dma_start3A_179 : memref<1x128xi32, #tpu.memory_space<vmem>> -> memref<128xi32, #tpu.memory_space<vmem>>
        %dma_start3A_181 = arith.constant 0 : i32
        %dma_start3A_182 = arith.constant 0 : i32
        %dma_start3A_183 = tpu.memref_slice %arg11[%dma_start3A_181, %dma_start3A_182] : memref<10240x128xf32, #tpu.memory_space<vmem_shared>> -> memref<10240x128xf32, #tpu.memory_space<vmem_shared>>
        tpu.enqueue_indirect_dma source(%arg9 : memref<128x128xf32, #tpu.memory_space<vmem>>) target(%dma_start3A_183 : memref<10240x128xf32, #tpu.memory_space<vmem_shared>>) offsets(%dma_start3A_180 : memref<128xi32, #tpu.memory_space<vmem>>) semaphore(%run_scoped3A : memref<!tpu.dma_semaphore, #tpu.memory_space<semaphore_mem>>) {add = true}
        %dma_wait3A_184 = arith.constant 0 : i32
        %dma_wait3A_185 = tpu.memref_slice %arg8[%mul3A_145, %dma_wait3A_184] : memref<16x128xi32, #tpu.memory_space<vmem>> -> memref<1x128xi32, #tpu.memory_space<vmem>>
        %dma_wait3A_186 = tpu.memref_squeeze %dma_wait3A_185 : memref<1x128xi32, #tpu.memory_space<vmem>> -> memref<128xi32, #tpu.memory_space<vmem>>
        %dma_wait3A_187 = arith.constant 0 : i32
        %dma_wait3A_188 = arith.constant 0 : i32
        %dma_wait3A_189 = tpu.memref_slice %arg11[%dma_wait3A_187, %dma_wait3A_188] : memref<10240x128xf32, #tpu.memory_space<vmem_shared>> -> memref<10240x128xf32, #tpu.memory_space<vmem_shared>>
        tpu.wait_indirect_dma semaphore(%run_scoped3A : memref<!tpu.dma_semaphore, #tpu.memory_space<semaphore_mem>>) src(%arg9 : memref<128x128xf32, #tpu.memory_space<vmem>>) dst(%dma_wait3A_189 : memref<10240x128xf32, #tpu.memory_space<vmem_shared>>)
        tpu.yield
      }) : () -> ()
      %add3A_161 = arith.constant 2 : i32
      %add3A_162 = arith.addi %add3A_143, %add3A_161 : i32
      %dma_start3A_163 = arith.constant 0 : i32
      %dma_start3A_164 = tpu.memref_slice %arg6[%add3A_162, %dma_start3A_163] : memref<80x128xi32, #tpu.memory_space<vmem>> -> memref<1x128xi32, #tpu.memory_space<vmem>>
      %dma_start3A_165 = tpu.memref_squeeze %dma_start3A_164 : memref<1x128xi32, #tpu.memory_space<vmem>> -> memref<128xi32, #tpu.memory_space<vmem>>
      %dma_start3A_166 = arith.constant 0 : i32
      %dma_start3A_167 = arith.constant 0 : i32
      %dma_start3A_168 = tpu.memref_slice %arg2[%dma_start3A_166, %dma_start3A_167] : memref<10240x128xf32, #tpu.memory_space<hbm>> -> memref<10240x128xf32, #tpu.memory_space<hbm>>
      tpu.enqueue_indirect_dma source(%dma_start3A_168 : memref<10240x128xf32, #tpu.memory_space<hbm>>) target(%arg9 : memref<128x128xf32, #tpu.memory_space<vmem>>) offsets(%dma_start3A_165 : memref<128xi32, #tpu.memory_space<vmem>>) semaphore(%arg12 : memref<!tpu.dma_semaphore, #tpu.memory_space<semaphore_mem>>)
      %dma_wait3A_169 = arith.constant 0 : i32
      %dma_wait3A_170 = arith.constant 0 : i32
      %dma_wait3A_171 = tpu.memref_slice %arg6[%dma_wait3A_169, %dma_wait3A_170] : memref<80x128xi32, #tpu.memory_space<vmem>> -> memref<1x128xi32, #tpu.memory_space<vmem>>
      %dma_wait3A_172 = tpu.memref_squeeze %dma_wait3A_171 : memref<1x128xi32, #tpu.memory_space<vmem>> -> memref<128xi32, #tpu.memory_space<vmem>>
      %dma_wait3A_173 = arith.constant 0 : i32
      %dma_wait3A_174 = arith.constant 0 : i32
      %dma_wait3A_175 = tpu.memref_slice %arg2[%dma_wait3A_173, %dma_wait3A_174] : memref<10240x128xf32, #tpu.memory_space<hbm>> -> memref<10240x128xf32, #tpu.memory_space<hbm>>
      tpu.wait_indirect_dma semaphore(%arg13 : memref<!tpu.dma_semaphore, #tpu.memory_space<semaphore_mem>>) src(%dma_wait3A_175 : memref<10240x128xf32, #tpu.memory_space<hbm>>) dst(%arg10 : memref<128x128xf32, #tpu.memory_space<vmem>>)
      %add3A_176 = arith.constant 1 : i32
      %add3A_177 = arith.addi %mul3A_145, %add3A_176 : i32
      "tpu.region"() ({
        %run_scoped3A = tpu.sem_alloc : memref<!tpu.dma_semaphore, #tpu.memory_space<semaphore_mem>>
        %dma_start3A_178 = arith.constant 0 : i32
        %dma_start3A_179 = tpu.memref_slice %arg8[%add3A_177, %dma_start3A_178] : memref<16x128xi32, #tpu.memory_space<vmem>> -> memref<1x128xi32, #tpu.memory_space<vmem>>
        %dma_start3A_180 = tpu.memref_squeeze %dma_start3A_179 : memref<1x128xi32, #tpu.memory_space<vmem>> -> memref<128xi32, #tpu.memory_space<vmem>>
        %dma_start3A_181 = arith.constant 0 : i32
        %dma_start3A_182 = arith.constant 0 : i32
        %dma_start3A_183 = tpu.memref_slice %arg11[%dma_start3A_181, %dma_start3A_182] : memref<10240x128xf32, #tpu.memory_space<vmem_shared>> -> memref<10240x128xf32, #tpu.memory_space<vmem_shared>>
        tpu.enqueue_indirect_dma source(%arg10 : memref<128x128xf32, #tpu.memory_space<vmem>>) target(%dma_start3A_183 : memref<10240x128xf32, #tpu.memory_space<vmem_shared>>) offsets(%dma_start3A_180 : memref<128xi32, #tpu.memory_space<vmem>>) semaphore(%run_scoped3A : memref<!tpu.dma_semaphore, #tpu.memory_space<semaphore_mem>>) {add = true}
        %dma_wait3A_184 = arith.constant 0 : i32
        %dma_wait3A_185 = tpu.memref_slice %arg8[%add3A_177, %dma_wait3A_184] : memref<16x128xi32, #tpu.memory_space<vmem>> -> memref<1x128xi32, #tpu.memory_space<vmem>>
        %dma_wait3A_186 = tpu.memref_squeeze %dma_wait3A_185 : memref<1x128xi32, #tpu.memory_space<vmem>> -> memref<128xi32, #tpu.memory_space<vmem>>
        %dma_wait3A_187 = arith.constant 0 : i32
        %dma_wait3A_188 = arith.constant 0 : i32
        %dma_wait3A_189 = tpu.memref_slice %arg11[%dma_wait3A_187, %dma_wait3A_188] : memref<10240x128xf32, #tpu.memory_space<vmem_shared>> -> memref<10240x128xf32, #tpu.memory_space<vmem_shared>>
        tpu.wait_indirect_dma semaphore(%run_scoped3A : memref<!tpu.dma_semaphore, #tpu.memory_space<semaphore_mem>>) src(%arg10 : memref<128x128xf32, #tpu.memory_space<vmem>>) dst(%dma_wait3A_189 : memref<10240x128xf32, #tpu.memory_space<vmem_shared>>)
        tpu.yield
      }) : () -> ()
    }
    %scan3A_74 = arith.constant 8 : i32
    %dma_wait3A_75 = arith.constant 0 : i32
    %dma_wait3A_76 = arith.constant 0 : i32
    %dma_wait3A_77 = tpu.memref_slice %arg4[%dma_wait3A_75, %dma_wait3A_76] : memref<2560x128xi32, #tpu.memory_space<hbm>> -> memref<16x128xi32, #tpu.memory_space<hbm>>
    %dma_wait3A_78 = arith.constant 0 : i32
    %dma_wait3A_79 = arith.constant 0 : i32
    %dma_wait3A_80 = tpu.memref_slice %arg4[%dma_wait3A_78, %dma_wait3A_79] : memref<2560x128xi32, #tpu.memory_space<hbm>> -> memref<16x128xi32, #tpu.memory_space<hbm>>
    tpu.wait_dma2 semaphore(%arg15 : memref<!tpu.dma_semaphore, #tpu.memory_space<semaphore_mem>>) src(%dma_wait3A_80 : memref<16x128xi32, #tpu.memory_space<hbm>>) dst(%arg7 : memref<16x128xi32, #tpu.memory_space<vmem>>)
    %mul3A_81 = arith.constant 80 : i32
    %mul3A_82 = arith.muli %add3A, %mul3A_81 : i32
    %add3A_83 = arith.constant 48 : i32
    %add3A_84 = arith.addi %mul3A_82, %add3A_83 : i32
    %dma_start3A_85 = arith.constant 0 : i32
    %dma_start3A_86 = tpu.memref_slice %arg4[%add3A_84, %dma_start3A_85] : memref<2560x128xi32, #tpu.memory_space<hbm>> -> memref<16x128xi32, #tpu.memory_space<hbm>>
    %dma_start3A_87 = arith.constant 0 : i32
    %dma_start3A_88 = tpu.memref_slice %arg4[%add3A_84, %dma_start3A_87] : memref<2560x128xi32, #tpu.memory_space<hbm>> -> memref<16x128xi32, #tpu.memory_space<hbm>>
    tpu.enqueue_dma source(%dma_start3A_88 : memref<16x128xi32, #tpu.memory_space<hbm>>) target(%arg8 : memref<16x128xi32, #tpu.memory_space<vmem>>) target_semaphore(%arg15 : memref<!tpu.dma_semaphore, #tpu.memory_space<semaphore_mem>>)
    %scan3A_89 = arith.constant 0 : i32
    %scan3A_90 = arith.constant 0 : i32
    %scan3A_91 = arith.constant 8 : i32
    %scan3A_92 = arith.addi %scan3A_90, %scan3A_91 : i32
    %scan3A_93 = arith.constant 1 : i32
    scf.for %scan3A_139 = %scan3A_90 to %scan3A_92 step %scan3A_93  : i32 {
      %mul3A_140 = arith.constant 2 : i32
      %mul3A_141 = arith.muli %mul3A_140, %scan3A_139 : i32
      %add3A_142 = arith.constant 32 : i32
      %add3A_143 = arith.addi %add3A_142, %mul3A_141 : i32
      %mul3A_144 = arith.constant 2 : i32
      %mul3A_145 = arith.muli %mul3A_144, %scan3A_139 : i32
      %add3A_146 = arith.constant 1 : i32
      %add3A_147 = arith.addi %add3A_143, %add3A_146 : i32
      %dma_start3A_148 = arith.constant 0 : i32
      %dma_start3A_149 = tpu.memref_slice %arg6[%add3A_147, %dma_start3A_148] : memref<80x128xi32, #tpu.memory_space<vmem>> -> memref<1x128xi32, #tpu.memory_space<vmem>>
      %dma_start3A_150 = tpu.memref_squeeze %dma_start3A_149 : memref<1x128xi32, #tpu.memory_space<vmem>> -> memref<128xi32, #tpu.memory_space<vmem>>
      %dma_start3A_151 = arith.constant 0 : i32
      %dma_start3A_152 = arith.constant 0 : i32
      %dma_start3A_153 = tpu.memref_slice %arg2[%dma_start3A_151, %dma_start3A_152] : memref<10240x128xf32, #tpu.memory_space<hbm>> -> memref<10240x128xf32, #tpu.memory_space<hbm>>
      tpu.enqueue_indirect_dma source(%dma_start3A_153 : memref<10240x128xf32, #tpu.memory_space<hbm>>) target(%arg10 : memref<128x128xf32, #tpu.memory_space<vmem>>) offsets(%dma_start3A_150 : memref<128xi32, #tpu.memory_space<vmem>>) semaphore(%arg13 : memref<!tpu.dma_semaphore, #tpu.memory_space<semaphore_mem>>)
      %dma_wait3A_154 = arith.constant 0 : i32
      %dma_wait3A_155 = arith.constant 0 : i32
      %dma_wait3A_156 = tpu.memref_slice %arg6[%dma_wait3A_154, %dma_wait3A_155] : memref<80x128xi32, #tpu.memory_space<vmem>> -> memref<1x128xi32, #tpu.memory_space<vmem>>
      %dma_wait3A_157 = tpu.memref_squeeze %dma_wait3A_156 : memref<1x128xi32, #tpu.memory_space<vmem>> -> memref<128xi32, #tpu.memory_space<vmem>>
      %dma_wait3A_158 = arith.constant 0 : i32
      %dma_wait3A_159 = arith.constant 0 : i32
      %dma_wait3A_160 = tpu.memref_slice %arg2[%dma_wait3A_158, %dma_wait3A_159] : memref<10240x128xf32, #tpu.memory_space<hbm>> -> memref<10240x128xf32, #tpu.memory_space<hbm>>
      tpu.wait_indirect_dma semaphore(%arg12 : memref<!tpu.dma_semaphore, #tpu.memory_space<semaphore_mem>>) src(%dma_wait3A_160 : memref<10240x128xf32, #tpu.memory_space<hbm>>) dst(%arg9 : memref<128x128xf32, #tpu.memory_space<vmem>>)
      "tpu.region"() ({
        %run_scoped3A = tpu.sem_alloc : memref<!tpu.dma_semaphore, #tpu.memory_space<semaphore_mem>>
        %dma_start3A_178 = arith.constant 0 : i32
        %dma_start3A_179 = tpu.memref_slice %arg7[%mul3A_145, %dma_start3A_178] : memref<16x128xi32, #tpu.memory_space<vmem>> -> memref<1x128xi32, #tpu.memory_space<vmem>>
        %dma_start3A_180 = tpu.memref_squeeze %dma_start3A_179 : memref<1x128xi32, #tpu.memory_space<vmem>> -> memref<128xi32, #tpu.memory_space<vmem>>
        %dma_start3A_181 = arith.constant 0 : i32
        %dma_start3A_182 = arith.constant 0 : i32
        %dma_start3A_183 = tpu.memref_slice %arg11[%dma_start3A_181, %dma_start3A_182] : memref<10240x128xf32, #tpu.memory_space<vmem_shared>> -> memref<10240x128xf32, #tpu.memory_space<vmem_shared>>
        tpu.enqueue_indirect_dma source(%arg9 : memref<128x128xf32, #tpu.memory_space<vmem>>) target(%dma_start3A_183 : memref<10240x128xf32, #tpu.memory_space<vmem_shared>>) offsets(%dma_start3A_180 : memref<128xi32, #tpu.memory_space<vmem>>) semaphore(%run_scoped3A : memref<!tpu.dma_semaphore, #tpu.memory_space<semaphore_mem>>) {add = true}
        %dma_wait3A_184 = arith.constant 0 : i32
        %dma_wait3A_185 = tpu.memref_slice %arg7[%mul3A_145, %dma_wait3A_184] : memref<16x128xi32, #tpu.memory_space<vmem>> -> memref<1x128xi32, #tpu.memory_space<vmem>>
        %dma_wait3A_186 = tpu.memref_squeeze %dma_wait3A_185 : memref<1x128xi32, #tpu.memory_space<vmem>> -> memref<128xi32, #tpu.memory_space<vmem>>
        %dma_wait3A_187 = arith.constant 0 : i32
        %dma_wait3A_188 = arith.constant 0 : i32
        %dma_wait3A_189 = tpu.memref_slice %arg11[%dma_wait3A_187, %dma_wait3A_188] : memref<10240x128xf32, #tpu.memory_space<vmem_shared>> -> memref<10240x128xf32, #tpu.memory_space<vmem_shared>>
        tpu.wait_indirect_dma semaphore(%run_scoped3A : memref<!tpu.dma_semaphore, #tpu.memory_space<semaphore_mem>>) src(%arg9 : memref<128x128xf32, #tpu.memory_space<vmem>>) dst(%dma_wait3A_189 : memref<10240x128xf32, #tpu.memory_space<vmem_shared>>)
        tpu.yield
      }) : () -> ()
      %add3A_161 = arith.constant 2 : i32
      %add3A_162 = arith.addi %add3A_143, %add3A_161 : i32
      %dma_start3A_163 = arith.constant 0 : i32
      %dma_start3A_164 = tpu.memref_slice %arg6[%add3A_162, %dma_start3A_163] : memref<80x128xi32, #tpu.memory_space<vmem>> -> memref<1x128xi32, #tpu.memory_space<vmem>>
      %dma_start3A_165 = tpu.memref_squeeze %dma_start3A_164 : memref<1x128xi32, #tpu.memory_space<vmem>> -> memref<128xi32, #tpu.memory_space<vmem>>
      %dma_start3A_166 = arith.constant 0 : i32
      %dma_start3A_167 = arith.constant 0 : i32
      %dma_start3A_168 = tpu.memref_slice %arg2[%dma_start3A_166, %dma_start3A_167] : memref<10240x128xf32, #tpu.memory_space<hbm>> -> memref<10240x128xf32, #tpu.memory_space<hbm>>
      tpu.enqueue_indirect_dma source(%dma_start3A_168 : memref<10240x128xf32, #tpu.memory_space<hbm>>) target(%arg9 : memref<128x128xf32, #tpu.memory_space<vmem>>) offsets(%dma_start3A_165 : memref<128xi32, #tpu.memory_space<vmem>>) semaphore(%arg12 : memref<!tpu.dma_semaphore, #tpu.memory_space<semaphore_mem>>)
      %dma_wait3A_169 = arith.constant 0 : i32
      %dma_wait3A_170 = arith.constant 0 : i32
      %dma_wait3A_171 = tpu.memref_slice %arg6[%dma_wait3A_169, %dma_wait3A_170] : memref<80x128xi32, #tpu.memory_space<vmem>> -> memref<1x128xi32, #tpu.memory_space<vmem>>
      %dma_wait3A_172 = tpu.memref_squeeze %dma_wait3A_171 : memref<1x128xi32, #tpu.memory_space<vmem>> -> memref<128xi32, #tpu.memory_space<vmem>>
      %dma_wait3A_173 = arith.constant 0 : i32
      %dma_wait3A_174 = arith.constant 0 : i32
      %dma_wait3A_175 = tpu.memref_slice %arg2[%dma_wait3A_173, %dma_wait3A_174] : memref<10240x128xf32, #tpu.memory_space<hbm>> -> memref<10240x128xf32, #tpu.memory_space<hbm>>
      tpu.wait_indirect_dma semaphore(%arg13 : memref<!tpu.dma_semaphore, #tpu.memory_space<semaphore_mem>>) src(%dma_wait3A_175 : memref<10240x128xf32, #tpu.memory_space<hbm>>) dst(%arg10 : memref<128x128xf32, #tpu.memory_space<vmem>>)
      %add3A_176 = arith.constant 1 : i32
      %add3A_177 = arith.addi %mul3A_145, %add3A_176 : i32
      "tpu.region"() ({
        %run_scoped3A = tpu.sem_alloc : memref<!tpu.dma_semaphore, #tpu.memory_space<semaphore_mem>>
        %dma_start3A_178 = arith.constant 0 : i32
        %dma_start3A_179 = tpu.memref_slice %arg7[%add3A_177, %dma_start3A_178] : memref<16x128xi32, #tpu.memory_space<vmem>> -> memref<1x128xi32, #tpu.memory_space<vmem>>
        %dma_start3A_180 = tpu.memref_squeeze %dma_start3A_179 : memref<1x128xi32, #tpu.memory_space<vmem>> -> memref<128xi32, #tpu.memory_space<vmem>>
        %dma_start3A_181 = arith.constant 0 : i32
        %dma_start3A_182 = arith.constant 0 : i32
        %dma_start3A_183 = tpu.memref_slice %arg11[%dma_start3A_181, %dma_start3A_182] : memref<10240x128xf32, #tpu.memory_space<vmem_shared>> -> memref<10240x128xf32, #tpu.memory_space<vmem_shared>>
        tpu.enqueue_indirect_dma source(%arg10 : memref<128x128xf32, #tpu.memory_space<vmem>>) target(%dma_start3A_183 : memref<10240x128xf32, #tpu.memory_space<vmem_shared>>) offsets(%dma_start3A_180 : memref<128xi32, #tpu.memory_space<vmem>>) semaphore(%run_scoped3A : memref<!tpu.dma_semaphore, #tpu.memory_space<semaphore_mem>>) {add = true}
        %dma_wait3A_184 = arith.constant 0 : i32
        %dma_wait3A_185 = tpu.memref_slice %arg7[%add3A_177, %dma_wait3A_184] : memref<16x128xi32, #tpu.memory_space<vmem>> -> memref<1x128xi32, #tpu.memory_space<vmem>>
        %dma_wait3A_186 = tpu.memref_squeeze %dma_wait3A_185 : memref<1x128xi32, #tpu.memory_space<vmem>> -> memref<128xi32, #tpu.memory_space<vmem>>
        %dma_wait3A_187 = arith.constant 0 : i32
        %dma_wait3A_188 = arith.constant 0 : i32
        %dma_wait3A_189 = tpu.memref_slice %arg11[%dma_wait3A_187, %dma_wait3A_188] : memref<10240x128xf32, #tpu.memory_space<vmem_shared>> -> memref<10240x128xf32, #tpu.memory_space<vmem_shared>>
        tpu.wait_indirect_dma semaphore(%run_scoped3A : memref<!tpu.dma_semaphore, #tpu.memory_space<semaphore_mem>>) src(%arg10 : memref<128x128xf32, #tpu.memory_space<vmem>>) dst(%dma_wait3A_189 : memref<10240x128xf32, #tpu.memory_space<vmem_shared>>)
        tpu.yield
      }) : () -> ()
    }
    %scan3A_94 = arith.constant 8 : i32
    %dma_wait3A_95 = arith.constant 0 : i32
    %dma_wait3A_96 = arith.constant 0 : i32
    %dma_wait3A_97 = tpu.memref_slice %arg4[%dma_wait3A_95, %dma_wait3A_96] : memref<2560x128xi32, #tpu.memory_space<hbm>> -> memref<16x128xi32, #tpu.memory_space<hbm>>
    %dma_wait3A_98 = arith.constant 0 : i32
    %dma_wait3A_99 = arith.constant 0 : i32
    %dma_wait3A_100 = tpu.memref_slice %arg4[%dma_wait3A_98, %dma_wait3A_99] : memref<2560x128xi32, #tpu.memory_space<hbm>> -> memref<16x128xi32, #tpu.memory_space<hbm>>
    tpu.wait_dma2 semaphore(%arg15 : memref<!tpu.dma_semaphore, #tpu.memory_space<semaphore_mem>>) src(%dma_wait3A_100 : memref<16x128xi32, #tpu.memory_space<hbm>>) dst(%arg8 : memref<16x128xi32, #tpu.memory_space<vmem>>)
    %mul3A_101 = arith.constant 80 : i32
    %mul3A_102 = arith.muli %add3A, %mul3A_101 : i32
    %add3A_103 = arith.constant 64 : i32
    %add3A_104 = arith.addi %mul3A_102, %add3A_103 : i32
    %dma_start3A_105 = arith.constant 0 : i32
    %dma_start3A_106 = tpu.memref_slice %arg4[%add3A_104, %dma_start3A_105] : memref<2560x128xi32, #tpu.memory_space<hbm>> -> memref<16x128xi32, #tpu.memory_space<hbm>>
    %dma_start3A_107 = arith.constant 0 : i32
    %dma_start3A_108 = tpu.memref_slice %arg4[%add3A_104, %dma_start3A_107] : memref<2560x128xi32, #tpu.memory_space<hbm>> -> memref<16x128xi32, #tpu.memory_space<hbm>>
    tpu.enqueue_dma source(%dma_start3A_108 : memref<16x128xi32, #tpu.memory_space<hbm>>) target(%arg7 : memref<16x128xi32, #tpu.memory_space<vmem>>) target_semaphore(%arg15 : memref<!tpu.dma_semaphore, #tpu.memory_space<semaphore_mem>>)
    %scan3A_109 = arith.constant 0 : i32
    %scan3A_110 = arith.constant 0 : i32
    %scan3A_111 = arith.constant 8 : i32
    %scan3A_112 = arith.addi %scan3A_110, %scan3A_111 : i32
    %scan3A_113 = arith.constant 1 : i32
    scf.for %scan3A_139 = %scan3A_110 to %scan3A_112 step %scan3A_113  : i32 {
      %mul3A_140 = arith.constant 2 : i32
      %mul3A_141 = arith.muli %mul3A_140, %scan3A_139 : i32
      %add3A_142 = arith.constant 48 : i32
      %add3A_143 = arith.addi %add3A_142, %mul3A_141 : i32
      %mul3A_144 = arith.constant 2 : i32
      %mul3A_145 = arith.muli %mul3A_144, %scan3A_139 : i32
      %add3A_146 = arith.constant 1 : i32
      %add3A_147 = arith.addi %add3A_143, %add3A_146 : i32
      %dma_start3A_148 = arith.constant 0 : i32
      %dma_start3A_149 = tpu.memref_slice %arg6[%add3A_147, %dma_start3A_148] : memref<80x128xi32, #tpu.memory_space<vmem>> -> memref<1x128xi32, #tpu.memory_space<vmem>>
      %dma_start3A_150 = tpu.memref_squeeze %dma_start3A_149 : memref<1x128xi32, #tpu.memory_space<vmem>> -> memref<128xi32, #tpu.memory_space<vmem>>
      %dma_start3A_151 = arith.constant 0 : i32
      %dma_start3A_152 = arith.constant 0 : i32
      %dma_start3A_153 = tpu.memref_slice %arg2[%dma_start3A_151, %dma_start3A_152] : memref<10240x128xf32, #tpu.memory_space<hbm>> -> memref<10240x128xf32, #tpu.memory_space<hbm>>
      tpu.enqueue_indirect_dma source(%dma_start3A_153 : memref<10240x128xf32, #tpu.memory_space<hbm>>) target(%arg10 : memref<128x128xf32, #tpu.memory_space<vmem>>) offsets(%dma_start3A_150 : memref<128xi32, #tpu.memory_space<vmem>>) semaphore(%arg13 : memref<!tpu.dma_semaphore, #tpu.memory_space<semaphore_mem>>)
      %dma_wait3A_154 = arith.constant 0 : i32
      %dma_wait3A_155 = arith.constant 0 : i32
      %dma_wait3A_156 = tpu.memref_slice %arg6[%dma_wait3A_154, %dma_wait3A_155] : memref<80x128xi32, #tpu.memory_space<vmem>> -> memref<1x128xi32, #tpu.memory_space<vmem>>
      %dma_wait3A_157 = tpu.memref_squeeze %dma_wait3A_156 : memref<1x128xi32, #tpu.memory_space<vmem>> -> memref<128xi32, #tpu.memory_space<vmem>>
      %dma_wait3A_158 = arith.constant 0 : i32
      %dma_wait3A_159 = arith.constant 0 : i32
      %dma_wait3A_160 = tpu.memref_slice %arg2[%dma_wait3A_158, %dma_wait3A_159] : memref<10240x128xf32, #tpu.memory_space<hbm>> -> memref<10240x128xf32, #tpu.memory_space<hbm>>
      tpu.wait_indirect_dma semaphore(%arg12 : memref<!tpu.dma_semaphore, #tpu.memory_space<semaphore_mem>>) src(%dma_wait3A_160 : memref<10240x128xf32, #tpu.memory_space<hbm>>) dst(%arg9 : memref<128x128xf32, #tpu.memory_space<vmem>>)
      "tpu.region"() ({
        %run_scoped3A = tpu.sem_alloc : memref<!tpu.dma_semaphore, #tpu.memory_space<semaphore_mem>>
        %dma_start3A_178 = arith.constant 0 : i32
        %dma_start3A_179 = tpu.memref_slice %arg8[%mul3A_145, %dma_start3A_178] : memref<16x128xi32, #tpu.memory_space<vmem>> -> memref<1x128xi32, #tpu.memory_space<vmem>>
        %dma_start3A_180 = tpu.memref_squeeze %dma_start3A_179 : memref<1x128xi32, #tpu.memory_space<vmem>> -> memref<128xi32, #tpu.memory_space<vmem>>
        %dma_start3A_181 = arith.constant 0 : i32
        %dma_start3A_182 = arith.constant 0 : i32
        %dma_start3A_183 = tpu.memref_slice %arg11[%dma_start3A_181, %dma_start3A_182] : memref<10240x128xf32, #tpu.memory_space<vmem_shared>> -> memref<10240x128xf32, #tpu.memory_space<vmem_shared>>
        tpu.enqueue_indirect_dma source(%arg9 : memref<128x128xf32, #tpu.memory_space<vmem>>) target(%dma_start3A_183 : memref<10240x128xf32, #tpu.memory_space<vmem_shared>>) offsets(%dma_start3A_180 : memref<128xi32, #tpu.memory_space<vmem>>) semaphore(%run_scoped3A : memref<!tpu.dma_semaphore, #tpu.memory_space<semaphore_mem>>) {add = true}
        %dma_wait3A_184 = arith.constant 0 : i32
        %dma_wait3A_185 = tpu.memref_slice %arg8[%mul3A_145, %dma_wait3A_184] : memref<16x128xi32, #tpu.memory_space<vmem>> -> memref<1x128xi32, #tpu.memory_space<vmem>>
        %dma_wait3A_186 = tpu.memref_squeeze %dma_wait3A_185 : memref<1x128xi32, #tpu.memory_space<vmem>> -> memref<128xi32, #tpu.memory_space<vmem>>
        %dma_wait3A_187 = arith.constant 0 : i32
        %dma_wait3A_188 = arith.constant 0 : i32
        %dma_wait3A_189 = tpu.memref_slice %arg11[%dma_wait3A_187, %dma_wait3A_188] : memref<10240x128xf32, #tpu.memory_space<vmem_shared>> -> memref<10240x128xf32, #tpu.memory_space<vmem_shared>>
        tpu.wait_indirect_dma semaphore(%run_scoped3A : memref<!tpu.dma_semaphore, #tpu.memory_space<semaphore_mem>>) src(%arg9 : memref<128x128xf32, #tpu.memory_space<vmem>>) dst(%dma_wait3A_189 : memref<10240x128xf32, #tpu.memory_space<vmem_shared>>)
        tpu.yield
      }) : () -> ()
      %add3A_161 = arith.constant 2 : i32
      %add3A_162 = arith.addi %add3A_143, %add3A_161 : i32
      %dma_start3A_163 = arith.constant 0 : i32
      %dma_start3A_164 = tpu.memref_slice %arg6[%add3A_162, %dma_start3A_163] : memref<80x128xi32, #tpu.memory_space<vmem>> -> memref<1x128xi32, #tpu.memory_space<vmem>>
      %dma_start3A_165 = tpu.memref_squeeze %dma_start3A_164 : memref<1x128xi32, #tpu.memory_space<vmem>> -> memref<128xi32, #tpu.memory_space<vmem>>
      %dma_start3A_166 = arith.constant 0 : i32
      %dma_start3A_167 = arith.constant 0 : i32
      %dma_start3A_168 = tpu.memref_slice %arg2[%dma_start3A_166, %dma_start3A_167] : memref<10240x128xf32, #tpu.memory_space<hbm>> -> memref<10240x128xf32, #tpu.memory_space<hbm>>
      tpu.enqueue_indirect_dma source(%dma_start3A_168 : memref<10240x128xf32, #tpu.memory_space<hbm>>) target(%arg9 : memref<128x128xf32, #tpu.memory_space<vmem>>) offsets(%dma_start3A_165 : memref<128xi32, #tpu.memory_space<vmem>>) semaphore(%arg12 : memref<!tpu.dma_semaphore, #tpu.memory_space<semaphore_mem>>)
      %dma_wait3A_169 = arith.constant 0 : i32
      %dma_wait3A_170 = arith.constant 0 : i32
      %dma_wait3A_171 = tpu.memref_slice %arg6[%dma_wait3A_169, %dma_wait3A_170] : memref<80x128xi32, #tpu.memory_space<vmem>> -> memref<1x128xi32, #tpu.memory_space<vmem>>
      %dma_wait3A_172 = tpu.memref_squeeze %dma_wait3A_171 : memref<1x128xi32, #tpu.memory_space<vmem>> -> memref<128xi32, #tpu.memory_space<vmem>>
      %dma_wait3A_173 = arith.constant 0 : i32
      %dma_wait3A_174 = arith.constant 0 : i32
      %dma_wait3A_175 = tpu.memref_slice %arg2[%dma_wait3A_173, %dma_wait3A_174] : memref<10240x128xf32, #tpu.memory_space<hbm>> -> memref<10240x128xf32, #tpu.memory_space<hbm>>
      tpu.wait_indirect_dma semaphore(%arg13 : memref<!tpu.dma_semaphore, #tpu.memory_space<semaphore_mem>>) src(%dma_wait3A_175 : memref<10240x128xf32, #tpu.memory_space<hbm>>) dst(%arg10 : memref<128x128xf32, #tpu.memory_space<vmem>>)
      %add3A_176 = arith.constant 1 : i32
      %add3A_177 = arith.addi %mul3A_145, %add3A_176 : i32
      "tpu.region"() ({
        %run_scoped3A = tpu.sem_alloc : memref<!tpu.dma_semaphore, #tpu.memory_space<semaphore_mem>>
        %dma_start3A_178 = arith.constant 0 : i32
        %dma_start3A_179 = tpu.memref_slice %arg8[%add3A_177, %dma_start3A_178] : memref<16x128xi32, #tpu.memory_space<vmem>> -> memref<1x128xi32, #tpu.memory_space<vmem>>
        %dma_start3A_180 = tpu.memref_squeeze %dma_start3A_179 : memref<1x128xi32, #tpu.memory_space<vmem>> -> memref<128xi32, #tpu.memory_space<vmem>>
        %dma_start3A_181 = arith.constant 0 : i32
        %dma_start3A_182 = arith.constant 0 : i32
        %dma_start3A_183 = tpu.memref_slice %arg11[%dma_start3A_181, %dma_start3A_182] : memref<10240x128xf32, #tpu.memory_space<vmem_shared>> -> memref<10240x128xf32, #tpu.memory_space<vmem_shared>>
        tpu.enqueue_indirect_dma source(%arg10 : memref<128x128xf32, #tpu.memory_space<vmem>>) target(%dma_start3A_183 : memref<10240x128xf32, #tpu.memory_space<vmem_shared>>) offsets(%dma_start3A_180 : memref<128xi32, #tpu.memory_space<vmem>>) semaphore(%run_scoped3A : memref<!tpu.dma_semaphore, #tpu.memory_space<semaphore_mem>>) {add = true}
        %dma_wait3A_184 = arith.constant 0 : i32
        %dma_wait3A_185 = tpu.memref_slice %arg8[%add3A_177, %dma_wait3A_184] : memref<16x128xi32, #tpu.memory_space<vmem>> -> memref<1x128xi32, #tpu.memory_space<vmem>>
        %dma_wait3A_186 = tpu.memref_squeeze %dma_wait3A_185 : memref<1x128xi32, #tpu.memory_space<vmem>> -> memref<128xi32, #tpu.memory_space<vmem>>
        %dma_wait3A_187 = arith.constant 0 : i32
        %dma_wait3A_188 = arith.constant 0 : i32
        %dma_wait3A_189 = tpu.memref_slice %arg11[%dma_wait3A_187, %dma_wait3A_188] : memref<10240x128xf32, #tpu.memory_space<vmem_shared>> -> memref<10240x128xf32, #tpu.memory_space<vmem_shared>>
        tpu.wait_indirect_dma semaphore(%run_scoped3A : memref<!tpu.dma_semaphore, #tpu.memory_space<semaphore_mem>>) src(%arg10 : memref<128x128xf32, #tpu.memory_space<vmem>>) dst(%dma_wait3A_189 : memref<10240x128xf32, #tpu.memory_space<vmem_shared>>)
        tpu.yield
      }) : () -> ()
    }
    %scan3A_114 = arith.constant 8 : i32
    %dma_wait3A_115 = arith.constant 0 : i32
    %dma_wait3A_116 = arith.constant 0 : i32
    %dma_wait3A_117 = tpu.memref_slice %arg4[%dma_wait3A_115, %dma_wait3A_116] : memref<2560x128xi32, #tpu.memory_space<hbm>> -> memref<16x128xi32, #tpu.memory_space<hbm>>
    %dma_wait3A_118 = arith.constant 0 : i32
    %dma_wait3A_119 = arith.constant 0 : i32
    %dma_wait3A_120 = tpu.memref_slice %arg4[%dma_wait3A_118, %dma_wait3A_119] : memref<2560x128xi32, #tpu.memory_space<hbm>> -> memref<16x128xi32, #tpu.memory_space<hbm>>
    tpu.wait_dma2 semaphore(%arg15 : memref<!tpu.dma_semaphore, #tpu.memory_space<semaphore_mem>>) src(%dma_wait3A_120 : memref<16x128xi32, #tpu.memory_space<hbm>>) dst(%arg7 : memref<16x128xi32, #tpu.memory_space<vmem>>)
    %scan3A_121 = arith.constant 0 : i32
    %scan3A_122 = arith.constant 0 : i32
    %scan3A_123 = arith.constant 8 : i32
    %scan3A_124 = arith.addi %scan3A_122, %scan3A_123 : i32
    %scan3A_125 = arith.constant 1 : i32
    scf.for %scan3A_139 = %scan3A_122 to %scan3A_124 step %scan3A_125  : i32 {
      %mul3A_140 = arith.constant 2 : i32
      %mul3A_141 = arith.muli %mul3A_140, %scan3A_139 : i32
      %add3A_142 = arith.constant 64 : i32
      %add3A_143 = arith.addi %add3A_142, %mul3A_141 : i32
      %mul3A_144 = arith.constant 2 : i32
      %mul3A_145 = arith.muli %mul3A_144, %scan3A_139 : i32
      %add3A_146 = arith.constant 1 : i32
      %add3A_147 = arith.addi %add3A_143, %add3A_146 : i32
      %dma_start3A_148 = arith.constant 0 : i32
      %dma_start3A_149 = tpu.memref_slice %arg6[%add3A_147, %dma_start3A_148] : memref<80x128xi32, #tpu.memory_space<vmem>> -> memref<1x128xi32, #tpu.memory_space<vmem>>
      %dma_start3A_150 = tpu.memref_squeeze %dma_start3A_149 : memref<1x128xi32, #tpu.memory_space<vmem>> -> memref<128xi32, #tpu.memory_space<vmem>>
      %dma_start3A_151 = arith.constant 0 : i32
      %dma_start3A_152 = arith.constant 0 : i32
      %dma_start3A_153 = tpu.memref_slice %arg2[%dma_start3A_151, %dma_start3A_152] : memref<10240x128xf32, #tpu.memory_space<hbm>> -> memref<10240x128xf32, #tpu.memory_space<hbm>>
      tpu.enqueue_indirect_dma source(%dma_start3A_153 : memref<10240x128xf32, #tpu.memory_space<hbm>>) target(%arg10 : memref<128x128xf32, #tpu.memory_space<vmem>>) offsets(%dma_start3A_150 : memref<128xi32, #tpu.memory_space<vmem>>) semaphore(%arg13 : memref<!tpu.dma_semaphore, #tpu.memory_space<semaphore_mem>>)
      %dma_wait3A_154 = arith.constant 0 : i32
      %dma_wait3A_155 = arith.constant 0 : i32
      %dma_wait3A_156 = tpu.memref_slice %arg6[%dma_wait3A_154, %dma_wait3A_155] : memref<80x128xi32, #tpu.memory_space<vmem>> -> memref<1x128xi32, #tpu.memory_space<vmem>>
      %dma_wait3A_157 = tpu.memref_squeeze %dma_wait3A_156 : memref<1x128xi32, #tpu.memory_space<vmem>> -> memref<128xi32, #tpu.memory_space<vmem>>
      %dma_wait3A_158 = arith.constant 0 : i32
      %dma_wait3A_159 = arith.constant 0 : i32
      %dma_wait3A_160 = tpu.memref_slice %arg2[%dma_wait3A_158, %dma_wait3A_159] : memref<10240x128xf32, #tpu.memory_space<hbm>> -> memref<10240x128xf32, #tpu.memory_space<hbm>>
      tpu.wait_indirect_dma semaphore(%arg12 : memref<!tpu.dma_semaphore, #tpu.memory_space<semaphore_mem>>) src(%dma_wait3A_160 : memref<10240x128xf32, #tpu.memory_space<hbm>>) dst(%arg9 : memref<128x128xf32, #tpu.memory_space<vmem>>)
      "tpu.region"() ({
        %run_scoped3A = tpu.sem_alloc : memref<!tpu.dma_semaphore, #tpu.memory_space<semaphore_mem>>
        %dma_start3A_187 = arith.constant 0 : i32
        %dma_start3A_188 = tpu.memref_slice %arg7[%mul3A_145, %dma_start3A_187] : memref<16x128xi32, #tpu.memory_space<vmem>> -> memref<1x128xi32, #tpu.memory_space<vmem>>
        %dma_start3A_189 = tpu.memref_squeeze %dma_start3A_188 : memref<1x128xi32, #tpu.memory_space<vmem>> -> memref<128xi32, #tpu.memory_space<vmem>>
        %dma_start3A_190 = arith.constant 0 : i32
        %dma_start3A_191 = arith.constant 0 : i32
        %dma_start3A_192 = tpu.memref_slice %arg11[%dma_start3A_190, %dma_start3A_191] : memref<10240x128xf32, #tpu.memory_space<vmem_shared>> -> memref<10240x128xf32, #tpu.memory_space<vmem_shared>>
        tpu.enqueue_indirect_dma source(%arg9 : memref<128x128xf32, #tpu.memory_space<vmem>>) target(%dma_start3A_192 : memref<10240x128xf32, #tpu.memory_space<vmem_shared>>) offsets(%dma_start3A_189 : memref<128xi32, #tpu.memory_space<vmem>>) semaphore(%run_scoped3A : memref<!tpu.dma_semaphore, #tpu.memory_space<semaphore_mem>>) {add = true}
        %dma_wait3A_193 = arith.constant 0 : i32
        %dma_wait3A_194 = tpu.memref_slice %arg7[%mul3A_145, %dma_wait3A_193] : memref<16x128xi32, #tpu.memory_space<vmem>> -> memref<1x128xi32, #tpu.memory_space<vmem>>
        %dma_wait3A_195 = tpu.memref_squeeze %dma_wait3A_194 : memref<1x128xi32, #tpu.memory_space<vmem>> -> memref<128xi32, #tpu.memory_space<vmem>>
        %dma_wait3A_196 = arith.constant 0 : i32
        %dma_wait3A_197 = arith.constant 0 : i32
        %dma_wait3A_198 = tpu.memref_slice %arg11[%dma_wait3A_196, %dma_wait3A_197] : memref<10240x128xf32, #tpu.memory_space<vmem_shared>> -> memref<10240x128xf32, #tpu.memory_space<vmem_shared>>
        tpu.wait_indirect_dma semaphore(%run_scoped3A : memref<!tpu.dma_semaphore, #tpu.memory_space<semaphore_mem>>) src(%arg9 : memref<128x128xf32, #tpu.memory_space<vmem>>) dst(%dma_wait3A_198 : memref<10240x128xf32, #tpu.memory_space<vmem_shared>>)
        tpu.yield
      }) : () -> ()
      %add3A_161 = arith.constant 2 : i32
      %add3A_162 = arith.addi %add3A_143, %add3A_161 : i32
      %jit3A = arith.constant 80 : i32
      %eq3A = arith.constant 0 : i32
      %eq3A_163 = arith.cmpi eq, %jit3A, %eq3A : i32
      %jit3A_164 = arith.constant 1 : i32
      %select_n3A = arith.select %eq3A_163, %jit3A_164, %jit3A : i32
      %rem3A = arith.remsi %add3A_162, %select_n3A : i32
      %ne3A = arith.constant 0 : i32
      %ne3A_165 = arith.cmpi ne, %rem3A, %ne3A : i32
      %lt3A = arith.constant 0 : i32
      %lt3A_166 = arith.cmpi slt, %rem3A, %lt3A : i32
      %lt3A_167 = arith.constant 0 : i32
      %lt3A_168 = arith.cmpi slt, %select_n3A, %lt3A_167 : i32
      %ne3A_169 = arith.xori %lt3A_166, %lt3A_168 : i1
      %and3A = arith.andi %ne3A_169, %ne3A_165 : i1
      %add3A_170 = arith.addi %rem3A, %select_n3A : i32
      %select_n3A_171 = arith.select %and3A, %add3A_170, %rem3A : i32
      %dma_start3A_172 = arith.constant 0 : i32
      %dma_start3A_173 = tpu.memref_slice %arg6[%select_n3A_171, %dma_start3A_172] : memref<80x128xi32, #tpu.memory_space<vmem>> -> memref<1x128xi32, #tpu.memory_space<vmem>>
      %dma_start3A_174 = tpu.memref_squeeze %dma_start3A_173 : memref<1x128xi32, #tpu.memory_space<vmem>> -> memref<128xi32, #tpu.memory_space<vmem>>
      %dma_start3A_175 = arith.constant 0 : i32
      %dma_start3A_176 = arith.constant 0 : i32
      %dma_start3A_177 = tpu.memref_slice %arg2[%dma_start3A_175, %dma_start3A_176] : memref<10240x128xf32, #tpu.memory_space<hbm>> -> memref<10240x128xf32, #tpu.memory_space<hbm>>
      tpu.enqueue_indirect_dma source(%dma_start3A_177 : memref<10240x128xf32, #tpu.memory_space<hbm>>) target(%arg9 : memref<128x128xf32, #tpu.memory_space<vmem>>) offsets(%dma_start3A_174 : memref<128xi32, #tpu.memory_space<vmem>>) semaphore(%arg12 : memref<!tpu.dma_semaphore, #tpu.memory_space<semaphore_mem>>)
      %dma_wait3A_178 = arith.constant 0 : i32
      %dma_wait3A_179 = arith.constant 0 : i32
      %dma_wait3A_180 = tpu.memref_slice %arg6[%dma_wait3A_178, %dma_wait3A_179] : memref<80x128xi32, #tpu.memory_space<vmem>> -> memref<1x128xi32, #tpu.memory_space<vmem>>
      %dma_wait3A_181 = tpu.memref_squeeze %dma_wait3A_180 : memref<1x128xi32, #tpu.memory_space<vmem>> -> memref<128xi32, #tpu.memory_space<vmem>>
      %dma_wait3A_182 = arith.constant 0 : i32
      %dma_wait3A_183 = arith.constant 0 : i32
      %dma_wait3A_184 = tpu.memref_slice %arg2[%dma_wait3A_182, %dma_wait3A_183] : memref<10240x128xf32, #tpu.memory_space<hbm>> -> memref<10240x128xf32, #tpu.memory_space<hbm>>
      tpu.wait_indirect_dma semaphore(%arg13 : memref<!tpu.dma_semaphore, #tpu.memory_space<semaphore_mem>>) src(%dma_wait3A_184 : memref<10240x128xf32, #tpu.memory_space<hbm>>) dst(%arg10 : memref<128x128xf32, #tpu.memory_space<vmem>>)
      %add3A_185 = arith.constant 1 : i32
      %add3A_186 = arith.addi %mul3A_145, %add3A_185 : i32
      "tpu.region"() ({
        %run_scoped3A = tpu.sem_alloc : memref<!tpu.dma_semaphore, #tpu.memory_space<semaphore_mem>>
        %dma_start3A_187 = arith.constant 0 : i32
        %dma_start3A_188 = tpu.memref_slice %arg7[%add3A_186, %dma_start3A_187] : memref<16x128xi32, #tpu.memory_space<vmem>> -> memref<1x128xi32, #tpu.memory_space<vmem>>
        %dma_start3A_189 = tpu.memref_squeeze %dma_start3A_188 : memref<1x128xi32, #tpu.memory_space<vmem>> -> memref<128xi32, #tpu.memory_space<vmem>>
        %dma_start3A_190 = arith.constant 0 : i32
        %dma_start3A_191 = arith.constant 0 : i32
        %dma_start3A_192 = tpu.memref_slice %arg11[%dma_start3A_190, %dma_start3A_191] : memref<10240x128xf32, #tpu.memory_space<vmem_shared>> -> memref<10240x128xf32, #tpu.memory_space<vmem_shared>>
        tpu.enqueue_indirect_dma source(%arg10 : memref<128x128xf32, #tpu.memory_space<vmem>>) target(%dma_start3A_192 : memref<10240x128xf32, #tpu.memory_space<vmem_shared>>) offsets(%dma_start3A_189 : memref<128xi32, #tpu.memory_space<vmem>>) semaphore(%run_scoped3A : memref<!tpu.dma_semaphore, #tpu.memory_space<semaphore_mem>>) {add = true}
        %dma_wait3A_193 = arith.constant 0 : i32
        %dma_wait3A_194 = tpu.memref_slice %arg7[%add3A_186, %dma_wait3A_193] : memref<16x128xi32, #tpu.memory_space<vmem>> -> memref<1x128xi32, #tpu.memory_space<vmem>>
        %dma_wait3A_195 = tpu.memref_squeeze %dma_wait3A_194 : memref<1x128xi32, #tpu.memory_space<vmem>> -> memref<128xi32, #tpu.memory_space<vmem>>
        %dma_wait3A_196 = arith.constant 0 : i32
        %dma_wait3A_197 = arith.constant 0 : i32
        %dma_wait3A_198 = tpu.memref_slice %arg11[%dma_wait3A_196, %dma_wait3A_197] : memref<10240x128xf32, #tpu.memory_space<vmem_shared>> -> memref<10240x128xf32, #tpu.memory_space<vmem_shared>>
        tpu.wait_indirect_dma semaphore(%run_scoped3A : memref<!tpu.dma_semaphore, #tpu.memory_space<semaphore_mem>>) src(%arg10 : memref<128x128xf32, #tpu.memory_space<vmem>>) dst(%dma_wait3A_198 : memref<10240x128xf32, #tpu.memory_space<vmem_shared>>)
        tpu.yield
      }) : () -> ()
    }
    %scan3A_126 = arith.constant 8 : i32
    %dma_wait3A_127 = arith.constant 0 : i32
    %dma_wait3A_128 = arith.constant 0 : i32
    %dma_wait3A_129 = tpu.memref_slice %arg6[%dma_wait3A_127, %dma_wait3A_128] : memref<80x128xi32, #tpu.memory_space<vmem>> -> memref<1x128xi32, #tpu.memory_space<vmem>>
    %dma_wait3A_130 = tpu.memref_squeeze %dma_wait3A_129 : memref<1x128xi32, #tpu.memory_space<vmem>> -> memref<128xi32, #tpu.memory_space<vmem>>
    %dma_wait3A_131 = arith.constant 0 : i32
    %dma_wait3A_132 = arith.constant 0 : i32
    %dma_wait3A_133 = tpu.memref_slice %arg2[%dma_wait3A_131, %dma_wait3A_132] : memref<10240x128xf32, #tpu.memory_space<hbm>> -> memref<10240x128xf32, #tpu.memory_space<hbm>>
    tpu.wait_indirect_dma semaphore(%arg12 : memref<!tpu.dma_semaphore, #tpu.memory_space<semaphore_mem>>) src(%dma_wait3A_133 : memref<10240x128xf32, #tpu.memory_space<hbm>>) dst(%arg9 : memref<128x128xf32, #tpu.memory_space<vmem>>)
    %barrier3A_134 = arith.constant 0 : index
    tpu.barrier barrier_id(%barrier3A_134)
    %mul3A_135 = arith.constant 640 : i32
    %mul3A_136 = arith.muli %arg1, %mul3A_135 : i32
    %mul3A_137 = arith.constant 640 : i32
    %mul3A_138 = arith.muli %arg1, %mul3A_137 : i32
    "tpu.region"() ({
      %run_scoped3A = tpu.sem_alloc : memref<!tpu.dma_semaphore, #tpu.memory_space<semaphore_mem>>
      %dma_start3A_139 = arith.constant 0 : i32
      %dma_start3A_140 = tpu.memref_slice %arg5[%arg0, %mul3A_138, %dma_start3A_139] : memref<2x10240x128xf32, #tpu.memory_space<hbm>> -> memref<1x640x128xf32, #tpu.memory_space<hbm>>
      %dma_start3A_141 = tpu.memref_squeeze %dma_start3A_140 : memref<1x640x128xf32, #tpu.memory_space<hbm>> -> memref<640x128xf32, #tpu.memory_space<hbm>>
      %dma_start3A_142 = arith.constant 0 : i32
      %dma_start3A_143 = tpu.memref_slice %arg11[%mul3A_136, %dma_start3A_142] : memref<10240x128xf32, #tpu.memory_space<vmem_shared>> -> memref<640x128xf32, #tpu.memory_space<vmem_shared>>
      tpu.enqueue_dma source(%dma_start3A_143 : memref<640x128xf32, #tpu.memory_space<vmem_shared>>) target(%dma_start3A_141 : memref<640x128xf32, #tpu.memory_space<hbm>>) target_semaphore(%run_scoped3A : memref<!tpu.dma_semaphore, #tpu.memory_space<semaphore_mem>>)
      %dma_wait3A_144 = arith.constant 0 : i32
      %dma_wait3A_145 = tpu.memref_slice %arg5[%arg0, %mul3A_138, %dma_wait3A_144] : memref<2x10240x128xf32, #tpu.memory_space<hbm>> -> memref<1x640x128xf32, #tpu.memory_space<hbm>>
      %dma_wait3A_146 = tpu.memref_squeeze %dma_wait3A_145 : memref<1x640x128xf32, #tpu.memory_space<hbm>> -> memref<640x128xf32, #tpu.memory_space<hbm>>
      %dma_wait3A_147 = arith.constant 0 : i32
      %dma_wait3A_148 = tpu.memref_slice %arg11[%mul3A_136, %dma_wait3A_147] : memref<10240x128xf32, #tpu.memory_space<vmem_shared>> -> memref<640x128xf32, #tpu.memory_space<vmem_shared>>
      tpu.wait_dma2 semaphore(%run_scoped3A : memref<!tpu.dma_semaphore, #tpu.memory_space<semaphore_mem>>) src(%dma_wait3A_148 : memref<640x128xf32, #tpu.memory_space<vmem_shared>>) dst(%dma_wait3A_146 : memref<640x128xf32, #tpu.memory_space<hbm>>)
      tpu.yield
    }) : () -> ()
    return
  }
}

module attributes {stable_mosaic.version = 14 : i64} {
  func.func @_lin_relu_body(%arg0: i32, %arg1: memref<2x1024x128xf32, #tpu.memory_space<vmem>>, %arg2: memref<128x128xf32, #tpu.memory_space<vmem>>, %arg3: memref<1x128xf32, #tpu.memory_space<vmem>>, %arg4: memref<1024x128xf32, #tpu.memory_space<vmem>>) attributes {dimension_semantics = [#tpu.dimension_semantics<arbitrary>], iteration_bounds = array<i64: 10>, scalar_prefetch = 0 : i64, scratch_operands = 0 : i64, tpu.core_type = #tpu.core_type<tc>, window_params = [{transform_indices = @transform_0, window_bounds = array<i64: 2, 1024, 128>}, {pipeline_mode = #tpu.pipeline_mode<synchronous>, transform_indices = @transform_1, window_bounds = array<i64: 128, 128>}, {pipeline_mode = #tpu.pipeline_mode<synchronous>, transform_indices = @transform_2, window_bounds = array<i64: 1, 128>}, {transform_indices = @transform_3, window_bounds = array<i64: 1024, 128>}]} {
    %get3A = arith.constant 0 : index
    %get3A_0 = arith.constant 0 : index
    %get3A_1 = arith.constant 0 : index
    %get3A_2 = vector.load %arg1[%get3A, %get3A_0, %get3A_1] : memref<2x1024x128xf32, #tpu.memory_space<vmem>>, vector<1x1024x128xf32>
    %get3A_3 = vector.shape_cast %get3A_2 : vector<1x1024x128xf32> to vector<1024x128xf32>
    %get3A_4 = arith.constant 1 : index
    %get3A_5 = arith.constant 0 : index
    %get3A_6 = arith.constant 0 : index
    %get3A_7 = vector.load %arg1[%get3A_4, %get3A_5, %get3A_6] : memref<2x1024x128xf32, #tpu.memory_space<vmem>>, vector<1x1024x128xf32>
    %get3A_8 = vector.shape_cast %get3A_7 : vector<1x1024x128xf32> to vector<1024x128xf32>
    %add3A = arith.addf %get3A_3, %get3A_8 : vector<1024x128xf32>
    %get3A_9 = arith.constant 0 : index
    %get3A_10 = arith.constant 0 : index
    %get3A_11 = vector.load %arg2[%get3A_9, %get3A_10] : memref<128x128xf32, #tpu.memory_space<vmem>>, vector<128x128xf32>
    %dot_general3A = arith.constant dense<0.000000e+00> : vector<1024x128xf32>
    %dot_general3A_12 = tpu.matmul %add3A, %get3A_11, %dot_general3A {dimension_numbers = #tpu.dot_dimension_numbers<[1], [0], [0], [1], [0, 0, 1, 1], [], []>, transpose_lhs_hint = false} : vector<1024x128xf32>, vector<128x128xf32>, vector<1024x128xf32> -> vector<1024x128xf32>
    %get3A_13 = arith.constant 0 : index
    %get3A_14 = arith.constant 0 : index
    %get3A_15 = vector.load %arg3[%get3A_13, %get3A_14] : memref<1x128xf32, #tpu.memory_space<vmem>>, vector<1x128xf32>
    %add3A_16 = vector.broadcast %get3A_15 : vector<1x128xf32> to vector<1024x128xf32>
    %add3A_17 = arith.addf %dot_general3A_12, %add3A_16 : vector<1024x128xf32>
    %max3A = arith.constant 0.000000e+00 : f32
    %max3A_18 = vector.broadcast %max3A : f32 to vector<1024x128xf32>
    %max3A_19 = arith.maximumf %add3A_17, %max3A_18 : vector<1024x128xf32>
    %swap3A = arith.constant 0 : index
    %swap3A_20 = arith.constant 0 : index
    %swap3A_21 = vector.load %arg4[%swap3A, %swap3A_20] : memref<1024x128xf32, #tpu.memory_space<vmem>>, vector<1024x128xf32>
    tpu.vector_store %arg4[%swap3A, %swap3A_20], %max3A_19 {strides = array<i32>} : memref<1024x128xf32, #tpu.memory_space<vmem>>, vector<1024x128xf32>,
    return
  }
  func.func @transform_0(%arg0: i32) -> (i32, i32, i32) {
    %c0_i32 = arith.constant 0 : i32
    %c0_i32_0 = arith.constant 0 : i32
    %c0_i32_1 = arith.constant 0 : i32
    return %c0_i32, %arg0, %c0_i32_0 : i32, i32, i32
  }
  func.func @transform_1(%arg0: i32) -> (i32, i32) {
    %c0_i32 = arith.constant 0 : i32
    %c0_i32_0 = arith.constant 0 : i32
    %c0_i32_1 = arith.constant 0 : i32
    return %c0_i32, %c0_i32_0 : i32, i32
  }
  func.func @transform_2(%arg0: i32) -> (i32, i32) {
    %c0_i32 = arith.constant 0 : i32
    %c0_i32_0 = arith.constant 0 : i32
    %c0_i32_1 = arith.constant 0 : i32
    return %c0_i32, %c0_i32_0 : i32, i32
  }
  func.func @transform_3(%arg0: i32) -> (i32, i32) {
    %c0_i32 = arith.constant 0 : i32
    %c0_i32_0 = arith.constant 0 : i32
    return %arg0, %c0_i32 : i32, i32
  }
}

module attributes {stable_mosaic.version = 14 : i64} {
  func.func @_final_body(%arg0: i32, %arg1: memref<2x1000x128xf32, #tpu.memory_space<vmem>>, %arg2: memref<128x128xf32, #tpu.memory_space<vmem>>, %arg3: memref<1x128xf32, #tpu.memory_space<vmem>>, %arg4: memref<128x128xf32, #tpu.memory_space<vmem>>, %arg5: memref<1x128xf32, #tpu.memory_space<vmem>>, %arg6: memref<1x128xf32, #tpu.memory_space<vmem>>, %arg7: memref<1x128xf32, #tpu.memory_space<vmem>>) attributes {dimension_semantics = [#tpu.dimension_semantics<arbitrary>], iteration_bounds = array<i64: 10>, scalar_prefetch = 0 : i64, scratch_operands = 1 : i64, tpu.core_type = #tpu.core_type<tc>, window_params = [{transform_indices = @transform_0, window_bounds = array<i64: 2, 1000, 128>}, {pipeline_mode = #tpu.pipeline_mode<synchronous>, transform_indices = @transform_1, window_bounds = array<i64: 128, 128>}, {pipeline_mode = #tpu.pipeline_mode<synchronous>, transform_indices = @transform_2, window_bounds = array<i64: 1, 128>}, {pipeline_mode = #tpu.pipeline_mode<synchronous>, transform_indices = @transform_3, window_bounds = array<i64: 128, 128>}, {pipeline_mode = #tpu.pipeline_mode<synchronous>, transform_indices = @transform_4, window_bounds = array<i64: 1, 128>}, {pipeline_mode = #tpu.pipeline_mode<synchronous>, transform_indices = @transform_5, window_bounds = array<i64: 1, 128>}]} {
    %get3A = arith.constant 0 : index
    %get3A_0 = arith.constant 0 : index
    %get3A_1 = arith.constant 0 : index
    %get3A_2 = vector.load %arg1[%get3A, %get3A_0, %get3A_1] : memref<2x1000x128xf32, #tpu.memory_space<vmem>>, vector<1x1000x128xf32>
    %get3A_3 = vector.shape_cast %get3A_2 : vector<1x1000x128xf32> to vector<1000x128xf32>
    %get3A_4 = arith.constant 1 : index
    %get3A_5 = arith.constant 0 : index
    %get3A_6 = arith.constant 0 : index
    %get3A_7 = vector.load %arg1[%get3A_4, %get3A_5, %get3A_6] : memref<2x1000x128xf32, #tpu.memory_space<vmem>>, vector<1x1000x128xf32>
    %get3A_8 = vector.shape_cast %get3A_7 : vector<1x1000x128xf32> to vector<1000x128xf32>
    %add3A = arith.addf %get3A_3, %get3A_8 : vector<1000x128xf32>
    %get3A_9 = arith.constant 0 : index
    %get3A_10 = arith.constant 0 : index
    %get3A_11 = vector.load %arg2[%get3A_9, %get3A_10] : memref<128x128xf32, #tpu.memory_space<vmem>>, vector<128x128xf32>
    %dot_general3A = arith.constant dense<0.000000e+00> : vector<1000x128xf32>
    %dot_general3A_12 = tpu.matmul %add3A, %get3A_11, %dot_general3A {dimension_numbers = #tpu.dot_dimension_numbers<[1], [0], [0], [1], [0, 0, 1, 1], [], []>, transpose_lhs_hint = false} : vector<1000x128xf32>, vector<128x128xf32>, vector<1000x128xf32> -> vector<1000x128xf32>
    %get3A_13 = arith.constant 0 : index
    %get3A_14 = arith.constant 0 : index
    %get3A_15 = vector.load %arg3[%get3A_13, %get3A_14] : memref<1x128xf32, #tpu.memory_space<vmem>>, vector<1x128xf32>
    %add3A_16 = vector.broadcast %get3A_15 : vector<1x128xf32> to vector<1000x128xf32>
    %add3A_17 = arith.addf %dot_general3A_12, %add3A_16 : vector<1000x128xf32>
    %max3A = arith.constant 0.000000e+00 : f32
    %max3A_18 = vector.broadcast %max3A : f32 to vector<1000x128xf32>
    %max3A_19 = arith.maximumf %add3A_17, %max3A_18 : vector<1000x128xf32>
    %reduce_sum3A = arith.constant dense<0.000000e+00> : vector<128xf32>
    %reduce_sum3A_20 = vector.multi_reduction <add>, %max3A_19, %reduce_sum3A [0] : vector<1000x128xf32> to vector<128xf32>
    %broadcast_in_dim3A = vector.shape_cast %reduce_sum3A_20 : vector<128xf32> to vector<1x128xf32>
    %eq3A = arith.constant 0 : i32
    %eq3A_21 = arith.cmpi eq, %arg0, %eq3A : i32
    %convert_element_type3A = arith.extui %eq3A_21 : i1 to i32
    %cond3A = arith.constant 0 : i32
    %cond3A_22 = arith.cmpi ne, %convert_element_type3A, %cond3A : i32
    scf.if %cond3A_22 {
      %swap3A = arith.constant 0 : index
      %swap3A_32 = arith.constant 0 : index
      %swap3A_33 = vector.load %arg7[%swap3A, %swap3A_32] : memref<1x128xf32, #tpu.memory_space<vmem>>, vector<1x128xf32>
      tpu.vector_store %arg7[%swap3A, %swap3A_32], %broadcast_in_dim3A {strides = array<i32>} : memref<1x128xf32, #tpu.memory_space<vmem>>, vector<1x128xf32>,
    } else {
    }
    %gt3A = arith.constant 0 : i32
    %gt3A_23 = arith.cmpi sgt, %arg0, %gt3A : i32
    %convert_element_type3A_24 = arith.extui %gt3A_23 : i1 to i32
    %cond3A_25 = arith.constant 0 : i32
    %cond3A_26 = arith.cmpi ne, %convert_element_type3A_24, %cond3A_25 : i32
    scf.if %cond3A_26 {
      %get3A_32 = arith.constant 0 : index
      %get3A_33 = arith.constant 0 : index
      %get3A_34 = vector.load %arg7[%get3A_32, %get3A_33] : memref<1x128xf32, #tpu.memory_space<vmem>>, vector<1x128xf32>
      %add3A_35 = arith.addf %get3A_34, %broadcast_in_dim3A : vector<1x128xf32>
      %swap3A = arith.constant 0 : index
      %swap3A_36 = arith.constant 0 : index
      %swap3A_37 = vector.load %arg7[%swap3A, %swap3A_36] : memref<1x128xf32, #tpu.memory_space<vmem>>, vector<1x128xf32>
      tpu.vector_store %arg7[%swap3A, %swap3A_36], %add3A_35 {strides = array<i32>} : memref<1x128xf32, #tpu.memory_space<vmem>>, vector<1x128xf32>,
    } else {
    }
    %eq3A_27 = arith.constant 9 : i32
    %eq3A_28 = arith.cmpi eq, %arg0, %eq3A_27 : i32
    %convert_element_type3A_29 = arith.extui %eq3A_28 : i1 to i32
    %cond3A_30 = arith.constant 0 : i32
    %cond3A_31 = arith.cmpi ne, %convert_element_type3A_29, %cond3A_30 : i32
    scf.if %cond3A_31 {
      %get3A_32 = arith.constant 0 : index
      %get3A_33 = arith.constant 0 : index
      %get3A_34 = vector.load %arg7[%get3A_32, %get3A_33] : memref<1x128xf32, #tpu.memory_space<vmem>>, vector<1x128xf32>
      %mul3A = arith.constant 9.99999974E-5 : f32
      %mul3A_35 = vector.broadcast %mul3A : f32 to vector<1x128xf32>
      %mul3A_36 = arith.mulf %get3A_34, %mul3A_35 : vector<1x128xf32>
      %get3A_37 = arith.constant 0 : index
      %get3A_38 = arith.constant 0 : index
      %get3A_39 = vector.load %arg4[%get3A_37, %get3A_38] : memref<128x128xf32, #tpu.memory_space<vmem>>, vector<128x128xf32>
      %dot_general3A_40 = arith.constant dense<0.000000e+00> : vector<1x128xf32>
      %dot_general3A_41 = tpu.matmul %mul3A_36, %get3A_39, %dot_general3A_40 {dimension_numbers = #tpu.dot_dimension_numbers<[1], [0], [0], [1], [0, 0, 1, 1], [], []>, transpose_lhs_hint = false} : vector<1x128xf32>, vector<128x128xf32>, vector<1x128xf32> -> vector<1x128xf32>
      %get3A_42 = arith.constant 0 : index
      %get3A_43 = arith.constant 0 : index
      %get3A_44 = vector.load %arg5[%get3A_42, %get3A_43] : memref<1x128xf32, #tpu.memory_space<vmem>>, vector<1x128xf32>
      %add3A_45 = arith.addf %dot_general3A_41, %get3A_44 : vector<1x128xf32>
      %swap3A = arith.constant 0 : index
      %swap3A_46 = arith.constant 0 : index
      %swap3A_47 = vector.load %arg6[%swap3A, %swap3A_46] : memref<1x128xf32, #tpu.memory_space<vmem>>, vector<1x128xf32>
      tpu.vector_store %arg6[%swap3A, %swap3A_46], %add3A_45 {strides = array<i32>} : memref<1x128xf32, #tpu.memory_space<vmem>>, vector<1x128xf32>,
    } else {
    }
    return
  }
  func.func @transform_0(%arg0: i32) -> (i32, i32, i32) {
    %c0_i32 = arith.constant 0 : i32
    %c0_i32_0 = arith.constant 0 : i32
    %c0_i32_1 = arith.constant 0 : i32
    return %c0_i32, %arg0, %c0_i32_0 : i32, i32, i32
  }
  func.func @transform_1(%arg0: i32) -> (i32, i32) {
    %c0_i32 = arith.constant 0 : i32
    %c0_i32_0 = arith.constant 0 : i32
    %c0_i32_1 = arith.constant 0 : i32
    return %c0_i32, %c0_i32_0 : i32, i32
  }
  func.func @transform_2(%arg0: i32) -> (i32, i32) {
    %c0_i32 = arith.constant 0 : i32
    %c0_i32_0 = arith.constant 0 : i32
    %c0_i32_1 = arith.constant 0 : i32
    return %c0_i32, %c0_i32_0 : i32, i32
  }
  func.func @transform_3(%arg0: i32) -> (i32, i32) {
    %c0_i32 = arith.constant 0 : i32
    %c0_i32_0 = arith.constant 0 : i32
    %c0_i32_1 = arith.constant 0 : i32
    return %c0_i32, %c0_i32_0 : i32, i32
  }
  func.func @transform_4(%arg0: i32) -> (i32, i32) {
    %c0_i32 = arith.constant 0 : i32
    %c0_i32_0 = arith.constant 0 : i32
    %c0_i32_1 = arith.constant 0 : i32
    return %c0_i32, %c0_i32_0 : i32, i32
  }
  func.func @transform_5(%arg0: i32) -> (i32, i32) {
    %c0_i32 = arith.constant 0 : i32
    %c0_i32_0 = arith.constant 0 : i32
    %c0_i32_1 = arith.constant 0 : i32
    return %c0_i32, %c0_i32_0 : i32, i32
  }
}

</mosaic_0001>

<sc_bundles>
// kernel: kernel.6.cloned.1.call-start
scs
__scs_entry_jumppad:
0x0: {  	(pc) =	sbr.rel $0x88, $3  }
0x1: {  	(tag) =	ssettag $0x0;
	lr =	simm.s32 $0x1  }
0x2: {  	[smem:$0x3F99] =	sst lr;
	_ =	strace $0xD0000000  }
0x3: {  	_ = 	snop  }
0x4: {  	_ = 	snop  }
0x5: {  	_ = 	snop  }
0x6: {  	_ = 	snop  }
0x7: {  	_ = 	snop  }
__scs_overlays_trampoline_lowered:
0x8: {  	[smem:$0x3FA8] =	sst s0  }
0x9: {  	[smem:$0x3FA9] =	sst s1  }
0xa: {  	[smem:$0x3FAA] =	sst s2  }
0xb: {  	[smem:$0x3FAB] =	sst s3  }
0xc: {  	[smem:$0x3FAC] =	sst s4  }
0xd: {  	[smem:$0x3FAD] =	sst s5  }
0xe: {  	[smem:$0x3FAE] =	sst s6  }
0xf: {  	[smem:$0x3FAF] =	sst s7  }
0x10: {  	[smem:$0x3FB0] =	sst s8  }
0x11: {  	[smem:$0x3FB1] =	sst s9;
	s0 =	simm.s32 @!p0 $0x0  }
0x12: {  	s1 =	sld [smem:$0x3F97];
	s0 =	simm.s32 @p0 $0x1  }
0x13: {  	[smem:$0x3FB2] =	sst s0;
	s0 =	simm.s32 @!p1 $0x0  }
0x14: {  	s2 =	sld [smem:$0x3F96];
	s0 =	simm.s32 @p1 $0x1  }
0x15: {  	[smem:$0x3FB3] =	sst s0;
	s0 =	simm.s32 @!p2 $0x0  }
0x16: {  	s3 =	sld [smem:$0x3FDB];
	s0 =	simm.s32 @p2 $0x1  }
0x17: {  	s4 =	simm.s32 $0x1BF5;
	[smem:$0x3FB5] =	sst s0  }
0x18: {  	s0 =	sld [smem:$0x3F98];
	_ =	swait.ge [sflag:s4], $0x0  }
0x19: {  	s7 =	sld [smem:$0x3F99]  }
0x1a: {  	s8 =	sadd.s32 $0xFFFFE003, lr  }
0x1b: {  	s9 =	sadd.s32 $0xFFFFFEF7, lr;
	s5 =	simm.s32 $0xFFFFFFFF;
	p2 =	slt.u32 s8, $0xFFFFF086  }
0x1c: {  	p1 =	slt.u32 s9, $0xF7A;
	s5 =	simm.s32 @!p2 $0x0  }
0x1d: {  	s5 =	simm.s32 @p1 $0x1;
	p0 =	seq.s32 s7, s2  }
0x1e: {  	s7 =	smul.u32 @!p0 $0xF7A, s2;
	p2 =	seq.s32 @!p0 s5, $0x0  }
0x1f: {  	s9 =	smul.u32 $0xF7A, s1;
	s8 =	simm.s32 @!p0 $0x1BF5;
	p2 =	por !p2, p0  }
0x20: {  	[sflag:s8] =	ssyncset.s32 @!p0 $0xFFFFF086;
	s6 =	sadd.s32 @!p0 s3, s7;
	s7 =	simm.s32 @!p0 $0x108  }
0x21: {  	s3 =	sadd.s32 s3, s9;
	s6 =	sadd.s32 @!p0 $0x88, s6;
	s7 =	simm.s32 @p2 $0x1082  }
0x22: {  	[simem:s7], [sflag:s8] =	dma.local @!p0 [hbm:s6], $0xF7A  }
0x23: {  	s9 =	sor.u32 $0xD0000000, s2;
	s6 =	simm.s32 $0x108;
	_ =	swait.ge @!p0 [sflag:s8], $0x0  }
0x24: {  	s3 =	sadd.s32 $0x88, s3;
	s6 =	simm.s32 @!p1 $0x1082;
	[sflag:s4] =	ssyncset.s32 $0xFFFFF086  }
0x25: {  	[simem:s6], [sflag:s4] =	dma.local [hbm:s3], $0xF7A  }
0x26: {  	[smem:$0x3F99] =	sst s1;
	(tag) =	ssettag s2;
	_ =	strace s9  }
0x27: {  	s1 =	sld [smem:$0x3FA9]  }
0x28: {  	s2 =	sld [smem:$0x3FAA]  }
0x29: {  	s4 =	sld [smem:$0x3FAC]  }
0x2a: {  	p0 =	seq.s32 s5, $0x0;
	s5 =	sld [smem:$0x3FAD]  }
0x2b: {  	s6 =	sld [smem:$0x3FAE]  }
0x2c: {  	s7 =	sld [smem:$0x3FAF]  }
0x2d: {  	s3 =	simm.s32 $0x108;
	s8 =	sld [smem:$0x3FB0]  }
0x2e: {  	s3 =	simm.s32 @!p0 $0x1082;
	s9 =	sld [smem:$0x3FB1]  }
0x2f: {  	lr =	sadd.s32 s0, s3;
	s0 =	sld [smem:$0x3FA8]  }
0x30: {  	s3 =	sld [smem:$0x3FAB]  }
0x31: {  	[smem:$0x3FB4] =	sst s10  }
0x32: {  	s10 =	sld [smem:$0x3FB2];
	_ =	sdelay $0x3  }
0x33: {  	p0 =	seq.s32 s10, $0x1;
	s10 =	sld [smem:$0x3FB4];
	_ =	sdelay $0x3  }
0x34: {  	[smem:$0x3FB4] =	sst s10  }
0x35: {  	s10 =	sld [smem:$0x3FB3];
	_ =	sdelay $0x3  }
0x36: {  	p1 =	seq.s32 s10, $0x1;
	s10 =	sld [smem:$0x3FB4];
	_ =	sdelay $0x3  }
0x37: {  	[smem:$0x3FB4] =	sst s10  }
0x38: {  	s10 =	sld [smem:$0x3FB5]  }
0x39: {  	_ = 	snop;
	(pc) =	sbr.ind lr, $3  }
0x3a: {  	_ = 	snop  }
0x3b: {  	_ = 	snop  }
0x3c: {  	p2 =	seq.s32 s10, $0x1;
	s10 =	sld [smem:$0x3FB4]  }
0x3d: {  	_ =	shalt  }
0x3e: {  	_ =	shalt  }
0x3f: {  	_ =	shalt  }
0x40: {  	_ =	shalt  }
0x41: {  	_ =	shalt  }
0x42: {  	_ =	shalt  }
0x43: {  	_ =	shalt  }
0x44: {  	_ =	shalt  }
0x45: {  	_ =	shalt  }
0x46: {  	_ =	shalt  }
0x47: {  	_ =	shalt  }
0x48: {  	_ =	shalt  }
0x49: {  	_ =	shalt  }
0x4a: {  	_ =	shalt  }
0x4b: {  	_ =	shalt  }
0x4c: {  	_ =	shalt  }
0x4d: {  	_ =	shalt  }
0x4e: {  	_ =	shalt  }
0x4f: {  	_ =	shalt  }
0x50: {  	_ =	shalt  }
0x51: {  	_ =	shalt  }
0x52: {  	_ =	shalt  }
0x53: {  	_ =	shalt  }
0x54: {  	_ =	shalt  }
0x55: {  	_ =	shalt  }
0x56: {  	_ =	shalt  }
0x57: {  	_ =	shalt  }
0x58: {  	_ =	shalt  }
0x59: {  	_ =	shalt  }
0x5a: {  	_ =	shalt  }
0x5b: {  	_ =	shalt  }
0x5c: {  	_ =	shalt  }
0x5d: {  	_ =	shalt  }
0x5e: {  	_ =	shalt  }
0x5f: {  	_ =	shalt  }
0x60: {  	_ =	shalt  }
0x61: {  	_ =	shalt  }
0x62: {  	_ =	shalt  }
0x63: {  	_ =	shalt  }
0x64: {  	_ =	shalt  }
0x65: {  	_ =	shalt  }
0x66: {  	_ =	shalt  }
0x67: {  	_ =	shalt  }
0x68: {  	_ =	shalt  }
0x69: {  	_ =	shalt  }
0x6a: {  	_ =	shalt  }
0x6b: {  	_ =	shalt  }
0x6c: {  	_ =	shalt  }
0x6d: {  	_ =	shalt  }
0x6e: {  	_ =	shalt  }
0x6f: {  	_ =	shalt  }
0x70: {  	_ =	shalt  }
0x71: {  	_ =	shalt  }
0x72: {  	_ =	shalt  }
0x73: {  	_ =	shalt  }
0x74: {  	_ =	shalt  }
0x75: {  	_ =	shalt  }
0x76: {  	_ =	shalt  }
0x77: {  	_ =	shalt  }
0x78: {  	_ =	shalt  }
0x79: {  	_ =	shalt  }
0x7a: {  	_ =	shalt  }
0x7b: {  	_ =	shalt  }
0x7c: {  	_ =	shalt  }
0x7d: {  	_ =	shalt  }
0x7e: {  	_ =	shalt  }
0x7f: {  	_ =	shalt  }
0x80: {  	_ =	shalt  }
0x81: {  	_ =	shalt  }
0x82: {  	_ =	shalt  }
0x83: {  	_ =	shalt  }
0x84: {  	_ =	shalt  }
0x85: {  	_ =	shalt  }
0x86: {  	_ =	shalt  }
0x87: {  	_ =	shalt  }
.Lfunc_end0:
.L_simem_size_0:
called_computation_lowered:
.L_overlay_start_0:
0x88: {  	s2 =	sld [smem:$0x3FD9]  }
0x89: {  	s3 =	sld [smem:$0x3FFE];
	_ =	sdelay $0x1  }
0x8a: {  	s1 =	srdreg.scid  }
0x8b: {  	s0 =	sand.u32 $0x1, s1  }
0x8c: {  	s17 =	sshll.u32 s0, $0xA;
	s2 =	sadd.s32 s3, s2  }
0x8d: {  	s2 =	sadd.s32 s2, s17  }
0x8e: {  	[smem:$0x3FC0] =	sst s2  }
0x8f: {  	_ = 	snop  }
0x90: {  	s2 =	sld [smem:$0x3FC9];
	(tm) =	ssettm $0x1  }
0x91: {  	s18 =	sld [smem:$0x3FFB];
	_ =	sdelay $0x3  }
0x92: {  	_ =	strace s18  }
0x93: {  	s3 =	sld [smem:$0x3FFC];
	_ =	sdelay $0x3  }
0x94: {  	_ =	strace s3  }
0x95: {  	s3 =	sld [smem:$0x3FFD];
	_ =	sdelay $0x3  }
0x96: {  	_ =	strace s3  }
0x97: {  	_ =	strace $0x8FFFFFFF  }
0x98: {  	s19 =	sld [smem:$0x3FDB];
	_ =	sdelay $0x1  }
0x99: {  	s4 =	simm.s32 $_scs_section_size  }
0x9a: {  	s5 =	simm.s32 $_size__tile_overlayer_lowered;
	s6 =	simm.s32 $_tile_overlayer_lowered  }
0x9b: {  	s22 =	simm.s32 $0x1BFF;
	s21 =	sshll.u32 s6, $0x1;
	s3 =	sadd.s32 s4, s19  }
0x9c: {  	s7 =	simm.s32 $0x0;
	s20 =	sshll.u32 s5, $0x1;
	s5 =	sadd.s32 s21, s3  }
0x9d: {  	[timem:s7], [sflag:s22] =	dma.local [hbm:s5], s20  }
0x9e: {  	_ =	swait.ge [sflag:s22], s20  }
0x9f: {  	s4 =	ssub.s32 $0x0, s20;
	[sflag:s22] =	ssyncset.done $0x0  }
0xa0: {  	[sflag:s22] =	ssyncadd.s32 s4;
	_ =	sdelay $0x1  }
0xa1: {  	s23 =	simm.s32 $0x1B8B  }
0xa2: {  	_ =	swait.ge [sflag:s23], $0x1  }
0xa3: {  	[sflag:s23] =	ssyncset.done $0x0  }
0xa4: {  	s25 =	simm.s32 $0x1B8E;
	s24 =	sld [smem:$0x3FFE];
	[sflag:s23] =	ssyncadd.s32 $0xFFFFFFFF  }
0xa5: {  	s26 =	simm.s32 $execute0_lowered;
	[smem:$0x3FD2] =	sst s25  }
0xa6: {  	s5 =	sshll.u32 s26, $0x1;
	_ =	strace $0x80000046;
	[dreg:$0x1] =	wrdreg $0xFFFFFFFF  }
0xa7: {  	s28 =	simm.s32 $_size_execute0_lowered;
	s3 =	sadd.s32 s3, s5;
	[dreg:$0x0] =	wrdreg $0x0  }
0xa8: {  	s5 =	sshll.u32 s28, $0x1;
	[dreg:$0x2] =	wrdreg s3  }
0xa9: {  	[dreg:$0x3] =	wrdreg s5  }
0xaa: {  	[dreg:$0x4] =	wrdreg $0xC0  }
0xab: {  	_ =	task [dreg:s7], $0x5FFFF  }
0xac: {  	[dreg:$0x1] =	wrdreg $0xFFFFFFFF  }
0xad: {  	[dreg:$0x0] =	wrdreg $0x60  }
0xae: {  	[dreg:$0x2] =	wrdreg s2  }
0xaf: {  	[dreg:$0x3] =	wrdreg s24  }
0xb0: {  	[dreg:$0x4] =	wrdreg $0xB8000  }
0xb1: {  	[dreg:$0x5] =	wrdreg $0x9  }
0xb2: {  	_ =	task.clear_ibuf [dreg:s7], $0x6FFFF;
	_ =	strace $0x90000046  }
0xb3: {  	s29 =	simm.s32 $0x9;
	_ =	strace $0x80000048  }
0xb4: {  	_ =	swait.ge [sflag:s29], $0x1  }
0xb5: {  	[sflag:s29] =	ssyncadd.s32 $0xFFFFFFFF  }
0xb6: {  	_ =	strace $0x90000048  }
0xb7: {  	_ =	sfence  }
0xb8: {  	s30 =	sld [smem:$0x0];
	_ =	sdelay $0x2  }
0xb9: {  	s31 =	sshll.u32 s1, $0xD;
	s1 =	sshrl.u32 s1, $0x2  }
0xba: {  	s3 =	sand.u32 $0x4000, s31;
	s1 =	sadd.s32 s1, s30  }
0xbb: {  	s0 =	sor.u32 s3, s0;
	s1 =	sshll.u32 s1, $0x11  }
0xbc: {  	s0 =	sor.u32 s1, s0  }
0xbd: {  	s0 =	sadd.s32 $0x8F2B, s0  }
0xbe: {  	[sflag:s0] =	ssyncadd.remote.s32 $0x1  }
0xbf: {  	_ =	sfence.sel $0xFFFF  }
0xc0: {  	[dreg:$0x0] =	wrdreg $0xFFFFFFFF;
	(pc) =	sbr.abs _section_cstart, $3  }
0xc1: {  	[dreg:$0x1] =	wrdreg $0xFFFFFFFF  }
0xc2: {  	_ =	task.clear_ibuf [dreg:s7], $0x2FFFF;
	_ =	strace $0x9FFFFFFF  }
0xc3: {  	(tm) =	ssettm $0x7FFFFFFF  }
tec
execute0_lowered:
.L_overlay_start_1:
0x0: {  	(tag) =	ssettag $0x1  }
0x1: {  	s0 =	srdreg.scid;
	s1 =	rddreg [dreg:$0x0]  }
0x2: {  	s9 =	stileid.u32;
	s4 =	rddreg [dreg:$0x1]  }
0x3: {  	s3 =	rddreg [dreg:$0x2];
	s24 =	simm.s32 $0x0;
	s29 =	simm.s32 $0x2  }
0x4: {  	s31 =	simm.s32 $0x2900;
	s11 =	simm.s32 $0x3480;
	s12 =	simm.s32 $0x3500  }
0x5: {  	s13 =	simm.s32 $0x3580;
	s14 =	simm.s32 $0x3600;
	s5 =	smul.u32 $0x14000, s9  }
0x6: {  	s0 =	sand.u32 $0x1, s0;
	s2 =	sshll.u32 s9, $0x1;
	s16 =	smul.u32 $0x50000, s9  }
0x7: {  	[smem:$0x7FF] =	sst s24;
	s2 =	sor.u32 s0, s2;
	s7 =	smul.u32 $0x140000, s0  }
0x8: {  	s10 =	sadd.s32 $0xAE00, s4;
	s0 =	ssub.s32 $0x2, s0;
	s6 =	smul.u32 $0x500, s2  }
0x9: {  	_ =	strace $0x80000047;
	s17 =	sshrl.u32 s0, $0x1;
	s2 =	smul.u32 $0x2800, s2  }
0xa: {  	s19 =	sshrl.u32 s16, $0x2;
	s7 =	sadd.s32 s5, s7;
	s0 =	ssub.s32 s0, s17  }
0xb: {  	s8 =	sadd.s32 s6, s4;
	s7 =	sshrl.u32 s7, $0x3;
	s6 =	sadd.s32 s10, s6  }
0xc: {  	s2 =	sshrl.u32 s2, $0x3;
	s0 =	smax.u32 s0, $0x1;
	[dreg:$0x5] =	wrdreg s6  }
0xd: {  	s4 =	sadd.s32 s7, s4;
	s18 =	sadd.s32 $0xE00, s8;
	[dreg:$0xb] =	wrdreg s0  }
0xe: {  	s7 =	sadd.s32 s19, s3;
	s2 =	sadd.s32 s10, s2;
	[dreg:$0x4] =	wrdreg s18  }
0xf: {  	s15 =	simm.s32 $0x3680;
	s20 =	sadd.s32 $0x100, s2;
	[dreg:$0x10] =	wrdreg s7  }
0x10: {  	s9 =	simm.s32 $0x3380;
	s21 =	sadd.s32 $0x200, s2;
	[dreg:$0x6] =	wrdreg s20  }
0x11: {  	s17 =	simm.s32 $0x0;
	s22 =	sadd.s32 $0x300, s2;
	[dreg:$0x7] =	wrdreg s21  }
0x12: {  	s5 =	simm.s32 $0x3200;
	s2 =	sadd.s32 $0x400, s2;
	[dreg:$0x8] =	wrdreg s22  }
0x13: {  	s19 =	simm.s32 $0x3800;
	s23 =	sadd.s32 $0x14E00, s4;
	[dreg:$0x9] =	wrdreg s2  }
0x14: {  	s6 =	simm.s32 $0x3280;
	s25 =	sadd.s32 $0x4000, s7;
	[dreg:$0xa] =	wrdreg s23  }
0x15: {  	s8 =	simm.s32 $0x3300;
	s26 =	sadd.s32 $0x8000, s7;
	[dreg:$0xc] =	wrdreg s25  }
0x16: {  	s10 =	simm.s32 $0x3400;
	s28 =	sadd.s32 $0xC000, s7;
	[dreg:$0xd] =	wrdreg s26  }
0x17: {  	s30 =	sadd.s32 $0x10000, s7;
	s7 =	simm.s32 $0x3000;
	[dreg:$0xe] =	wrdreg s28  }
0x18: {  	s4 =	simm.s32 $0x3180;
	s18 =	simm.s32 $0x3700;
	[dreg:$0xf] =	wrdreg s30  }
0x19: {  	s2 =	simm.s32 $0x2800;
	s20 =	simm.s32 $0x5;
	s22 =	simm.s32 $0x80  }
0x1a: {  	v0 =	vimm.f32 $0.0e+00;
	s23 =	simm.s32 $0x4;
	s25 =	simm.s32 $0x7800;
	s26 =	simm.s32 $0x1  }
.LBB2_1:
0x1b: {  	s16 =	rddreg [dreg:$0x4]  }
0x1c: {  	[tilespmem:s24], [sflag:$0x3] =	stream.linear.gather [hbm4b:s16+s24], $0x2800, $0x38;
	[tilespmem:$0x1F800] =	vst v63  }
0x1d: {  	s30 =	rddreg [dreg:$0x5];
	s21 =	simm.s32 $0x200;
	s16 =	simm.s32 $0x0  }
0x1e: {  	[tilespmem:s2], [sflag:$0x4] =	stream.linear.gather [hbm4b:s30+s24], $0x800, $0x38;
	[tilespmem:$0x1F800] =	vst v63  }
.LBB2_2:
0x1f: {  	p0 =	sne.s32 s21, $0xFE00;
	[tilespmem:s16+$0x3870] =	vst v0  }
0x20: {  	[tilespmem:s16+$0x3800] =	vst v0  }
0x21: {  	[tilespmem:s16+$0x3810] =	vst v0  }
.Ltmp0:
0x22: {  	[tilespmem:s16+$0x3820] =	vst v0;
	(pc) =	sbr.rel @p0 .LBB2_2-.Ltmp0, $4  }
0x23: {  	[tilespmem:s16+$0x3830] =	vst v0  }
0x24: {  	[tilespmem:s16+$0x3840] =	vst v0  }
0x25: {  	[tilespmem:s16+$0x3850] =	vst v0  }
0x26: {  	[tilespmem:s16+$0x3860] =	vst v0;
	s16 =	sshra.s32 s21, $0x2;
	s21 =	sadd.s32 $0x200, s21  }
0x27: {  	[tilespmem:s16+$0x3870] =	vst v0  }
0x28: {  	[tilespmem:s16+$0x3800] =	vst v0  }
0x29: {  	[tilespmem:s16+$0x3810] =	vst v0  }
0x2a: {  	[tilespmem:s16+$0x3820] =	vst v0  }
0x2b: {  	[tilespmem:s16+$0x3830] =	vst v0  }
0x2c: {  	[tilespmem:s16+$0x3840] =	vst v0  }
0x2d: {  	[tilespmem:s16+$0x3850] =	vst v0  }
0x2e: {  	[tilespmem:s16+$0x3860] =	vst v0;
	s28 =	rddreg [dreg:$0x10]  }
0x2f: {  	[spmem:s28] =	stream.linear.scatter [tilespmem:s19], [sflag:$0x5], $0x4000, $0x38;
	[tilespmem:$0x1F800] =	vst v63  }
0x30: {  	_ =	swait.ge [sflag:s20], $0x4000  }
0x31: {  	[sflag:s20] =	ssyncset.done $0x0  }
0x32: {  	s21 =	rddreg [dreg:$0xc];
	[sflag:s20] =	ssyncadd.s32 $0xFFFFC000  }
0x33: {  	[spmem:s21] =	stream.linear.scatter [tilespmem:s19], [sflag:$0x5], $0x4000, $0x38;
	[tilespmem:$0x1F800] =	vst v63  }
0x34: {  	_ =	swait.ge [sflag:s20], $0x4000  }
0x35: {  	[sflag:s20] =	ssyncset.done $0x0  }
0x36: {  	s30 =	rddreg [dreg:$0xd];
	[sflag:s20] =	ssyncadd.s32 $0xFFFFC000  }
0x37: {  	[spmem:s30] =	stream.linear.scatter [tilespmem:s19], [sflag:$0x5], $0x4000, $0x38;
	[tilespmem:$0x1F800] =	vst v63  }
0x38: {  	_ =	swait.ge [sflag:s20], $0x4000  }
0x39: {  	[sflag:s20] =	ssyncset.done $0x0  }
0x3a: {  	s0 =	rddreg [dreg:$0xe];
	[sflag:s20] =	ssyncadd.s32 $0xFFFFC000  }
0x3b: {  	[spmem:s0] =	stream.linear.scatter [tilespmem:s19], [sflag:$0x5], $0x4000, $0x38;
	[tilespmem:$0x1F800] =	vst v63  }
0x3c: {  	_ =	swait.ge [sflag:s20], $0x4000  }
0x3d: {  	[sflag:s20] =	ssyncset.done $0x0  }
0x3e: {  	s21 =	rddreg [dreg:$0xf];
	[sflag:s20] =	ssyncadd.s32 $0xFFFFC000  }
0x3f: {  	[spmem:s21] =	stream.linear.scatter [tilespmem:s19], [sflag:$0x5], $0x4000, $0x38;
	[tilespmem:$0x1F800] =	vst v63  }
0x40: {  	_ =	swait.ge [sflag:s20], $0x4000  }
0x41: {  	[sflag:s20] =	ssyncset.done $0x0  }
0x42: {  	s30 =	simm.s32 $0x3;
	[sflag:s20] =	ssyncadd.s32 $0xFFFFC000  }
0x43: {  	_ =	swait.ge [sflag:s30], $0x2800  }
0x44: {  	[sflag:s30] =	ssyncset.done $0x0  }
0x45: {  	[sflag:s30] =	ssyncadd.s32 $0xFFFFD800  }
0x46: {  	[tilespmem:s19], [sflag:$0x1] =	stream.indirect.gather [hbm4b:s1+s22], $0x80, s24, s22, $0xb8;
	[tilespmem:$0x1F800] =	vst v63  }
0x47: {  	[bflag:$0x0] =	sbarrier.arrive $0xFFFF  }
0x48: {  	_ =	swait.ge [sflag:s23], $0x800  }
0x49: {  	[sflag:s23] =	ssyncset.done $0x0  }
0x4a: {  	s0 =	rddreg [dreg:$0x6];
	[sflag:s23] =	ssyncadd.s32 $0xFFFFF800  }
0x4b: {  	[tilespmem:s7], [sflag:$0x4] =	stream.linear.gather [hbm4b:s0+s24], $0x800, $0x38;
	[tilespmem:$0x1F800] =	vst v63  }
0x4c: {  	_ = 	snop  }
0x4d: {  	[tilespmem:s25], [sflag:$0x2] =	stream.indirect.gather [hbm4b:s1+s22], $0x80, s22, s22, $0xb8;
	[tilespmem:$0x1F800] =	vst v63  }
0x4e: {  	_ =	swait.ge [sflag:s26], $0x4000  }
0x4f: {  	[sflag:s26] =	ssyncset.done $0x0  }
0x50: {  	[sflag:s26] =	ssyncadd.s32 $0xFFFFC000  }
0x51: {  	[spmem:s3] =	stream.indirect.scatter.add.f32 [tilespmem:s19], [sflag:$0x5], $0x80, s2, s22, $0xb8;
	[tilespmem:$0x1F800] =	vst v63  }
0x52: {  	_ =	swait.ge [sflag:s20], $0x4000  }
0x53: {  	[sflag:s20] =	ssyncset.done $0x0  }
0x54: {  	s21 =	simm.s32 $0x100;
	[sflag:s20] =	ssyncadd.s32 $0xFFFFC000  }
0x55: {  	[tilespmem:s19], [sflag:$0x1] =	stream.indirect.gather [hbm4b:s1+s22], $0x80, s21, s22, $0xb8;
	[tilespmem:$0x1F800] =	vst v63  }
0x56: {  	_ =	swait.ge [sflag:s29], $0x4000  }
0x57: {  	[sflag:s29] =	ssyncset.done $0x0  }
0x58: {  	s0 =	simm.s32 $0x2880;
	[sflag:s29] =	ssyncadd.s32 $0xFFFFC000  }
0x59: {  	[spmem:s3] =	stream.indirect.scatter.add.f32 [tilespmem:s25], [sflag:$0x5], $0x80, s0, s22, $0xb8;
	[tilespmem:$0x1F800] =	vst v63  }
0x5a: {  	_ =	swait.ge [sflag:s20], $0x4000  }
0x5b: {  	[sflag:s20] =	ssyncset.done $0x0  }
0x5c: {  	s30 =	simm.s32 $0x180;
	[sflag:s20] =	ssyncadd.s32 $0xFFFFC000  }
0x5d: {  	[tilespmem:s25], [sflag:$0x2] =	stream.indirect.gather [hbm4b:s1+s22], $0x80, s30, s22, $0xb8;
	[tilespmem:$0x1F800] =	vst v63  }
0x5e: {  	_ =	swait.ge [sflag:s26], $0x4000  }
0x5f: {  	[sflag:s26] =	ssyncset.done $0x0  }
0x60: {  	[sflag:s26] =	ssyncadd.s32 $0xFFFFC000  }
0x61: {  	[spmem:s3] =	stream.indirect.scatter.add.f32 [tilespmem:s19], [sflag:$0x5], $0x80, s31, s22, $0xb8;
	[tilespmem:$0x1F800] =	vst v63  }
0x62: {  	_ =	swait.ge [sflag:s20], $0x4000  }
0x63: {  	[sflag:s20] =	ssyncset.done $0x0  }
0x64: {  	s0 =	simm.s32 $0x200;
	[sflag:s20] =	ssyncadd.s32 $0xFFFFC000  }
0x65: {  	[tilespmem:s19], [sflag:$0x1] =	stream.indirect.gather [hbm4b:s1+s22], $0x80, s0, s22, $0xb8;
	[tilespmem:$0x1F800] =	vst v63  }
0x66: {  	_ =	swait.ge [sflag:s29], $0x4000  }
0x67: {  	[sflag:s29] =	ssyncset.done $0x0  }
0x68: {  	s16 =	simm.s32 $0x2980;
	[sflag:s29] =	ssyncadd.s32 $0xFFFFC000  }
0x69: {  	[spmem:s3] =	stream.indirect.scatter.add.f32 [tilespmem:s25], [sflag:$0x5], $0x80, s16, s22, $0xb8;
	[tilespmem:$0x1F800] =	vst v63  }
0x6a: {  	_ =	swait.ge [sflag:s20], $0x4000  }
0x6b: {  	[sflag:s20] =	ssyncset.done $0x0  }
0x6c: {  	s21 =	simm.s32 $0x280;
	[sflag:s20] =	ssyncadd.s32 $0xFFFFC000  }
0x6d: {  	[tilespmem:s25], [sflag:$0x2] =	stream.indirect.gather [hbm4b:s1+s22], $0x80, s21, s22, $0xb8;
	[tilespmem:$0x1F800] =	vst v63  }
0x6e: {  	_ =	swait.ge [sflag:s26], $0x4000  }
0x6f: {  	[sflag:s26] =	ssyncset.done $0x0  }
0x70: {  	s30 =	simm.s32 $0x2A00;
	[sflag:s26] =	ssyncadd.s32 $0xFFFFC000  }
0x71: {  	[spmem:s3] =	stream.indirect.scatter.add.f32 [tilespmem:s19], [sflag:$0x5], $0x80, s30, s22, $0xb8;
	[tilespmem:$0x1F800] =	vst v63  }
0x72: {  	_ =	swait.ge [sflag:s20], $0x4000  }
0x73: {  	[sflag:s20] =	ssyncset.done $0x0  }
0x74: {  	s0 =	simm.s32 $0x300;
	[sflag:s20] =	ssyncadd.s32 $0xFFFFC000  }
0x75: {  	[tilespmem:s19], [sflag:$0x1] =	stream.indirect.gather [hbm4b:s1+s22], $0x80, s0, s22, $0xb8;
	[tilespmem:$0x1F800] =	vst v63  }
0x76: {  	_ =	swait.ge [sflag:s29], $0x4000  }
0x77: {  	[sflag:s29] =	ssyncset.done $0x0  }
0x78: {  	s16 =	simm.s32 $0x2A80;
	[sflag:s29] =	ssyncadd.s32 $0xFFFFC000  }
0x79: {  	[spmem:s3] =	stream.indirect.scatter.add.f32 [tilespmem:s25], [sflag:$0x5], $0x80, s16, s22, $0xb8;
	[tilespmem:$0x1F800] =	vst v63  }
0x7a: {  	_ =	swait.ge [sflag:s20], $0x4000  }
0x7b: {  	[sflag:s20] =	ssyncset.done $0x0  }
0x7c: {  	s21 =	simm.s32 $0x380;
	[sflag:s20] =	ssyncadd.s32 $0xFFFFC000  }
0x7d: {  	[tilespmem:s25], [sflag:$0x2] =	stream.indirect.gather [hbm4b:s1+s22], $0x80, s21, s22, $0xb8;
	[tilespmem:$0x1F800] =	vst v63  }
0x7e: {  	_ =	swait.ge [sflag:s26], $0x4000  }
0x7f: {  	[sflag:s26] =	ssyncset.done $0x0  }
0x80: {  	s30 =	simm.s32 $0x2B00;
	[sflag:s26] =	ssyncadd.s32 $0xFFFFC000  }
0x81: {  	[spmem:s3] =	stream.indirect.scatter.add.f32 [tilespmem:s19], [sflag:$0x5], $0x80, s30, s22, $0xb8;
	[tilespmem:$0x1F800] =	vst v63  }
0x82: {  	_ =	swait.ge [sflag:s20], $0x4000  }
0x83: {  	[sflag:s20] =	ssyncset.done $0x0  }
0x84: {  	s0 =	simm.s32 $0x400;
	[sflag:s20] =	ssyncadd.s32 $0xFFFFC000  }
0x85: {  	[tilespmem:s19], [sflag:$0x1] =	stream.indirect.gather [hbm4b:s1+s22], $0x80, s0, s22, $0xb8;
	[tilespmem:$0x1F800] =	vst v63  }
0x86: {  	_ =	swait.ge [sflag:s29], $0x4000  }
0x87: {  	[sflag:s29] =	ssyncset.done $0x0  }
0x88: {  	s16 =	simm.s32 $0x2B80;
	[sflag:s29] =	ssyncadd.s32 $0xFFFFC000  }
0x89: {  	[spmem:s3] =	stream.indirect.scatter.add.f32 [tilespmem:s25], [sflag:$0x5], $0x80, s16, s22, $0xb8;
	[tilespmem:$0x1F800] =	vst v63  }
0x8a: {  	_ =	swait.ge [sflag:s20], $0x4000  }
0x8b: {  	[sflag:s20] =	ssyncset.done $0x0  }
0x8c: {  	s21 =	simm.s32 $0x480;
	[sflag:s20] =	ssyncadd.s32 $0xFFFFC000  }
0x8d: {  	[tilespmem:s25], [sflag:$0x2] =	stream.indirect.gather [hbm4b:s1+s22], $0x80, s21, s22, $0xb8;
	[tilespmem:$0x1F800] =	vst v63  }
0x8e: {  	_ =	swait.ge [sflag:s26], $0x4000  }
0x8f: {  	[sflag:s26] =	ssyncset.done $0x0  }
0x90: {  	s30 =	simm.s32 $0x2C00;
	[sflag:s26] =	ssyncadd.s32 $0xFFFFC000  }
0x91: {  	[spmem:s3] =	stream.indirect.scatter.add.f32 [tilespmem:s19], [sflag:$0x5], $0x80, s30, s22, $0xb8;
	[tilespmem:$0x1F800] =	vst v63  }
0x92: {  	_ =	swait.ge [sflag:s20], $0x4000  }
0x93: {  	[sflag:s20] =	ssyncset.done $0x0  }
0x94: {  	s0 =	simm.s32 $0x500;
	[sflag:s20] =	ssyncadd.s32 $0xFFFFC000  }
0x95: {  	[tilespmem:s19], [sflag:$0x1] =	stream.indirect.gather [hbm4b:s1+s22], $0x80, s0, s22, $0xb8;
	[tilespmem:$0x1F800] =	vst v63  }
0x96: {  	_ =	swait.ge [sflag:s29], $0x4000  }
0x97: {  	[sflag:s29] =	ssyncset.done $0x0  }
0x98: {  	s16 =	simm.s32 $0x2C80;
	[sflag:s29] =	ssyncadd.s32 $0xFFFFC000  }
0x99: {  	[spmem:s3] =	stream.indirect.scatter.add.f32 [tilespmem:s25], [sflag:$0x5], $0x80, s16, s22, $0xb8;
	[tilespmem:$0x1F800] =	vst v63  }
0x9a: {  	_ =	swait.ge [sflag:s20], $0x4000  }
0x9b: {  	[sflag:s20] =	ssyncset.done $0x0  }
0x9c: {  	s21 =	simm.s32 $0x580;
	[sflag:s20] =	ssyncadd.s32 $0xFFFFC000  }
0x9d: {  	[tilespmem:s25], [sflag:$0x2] =	stream.indirect.gather [hbm4b:s1+s22], $0x80, s21, s22, $0xb8;
	[tilespmem:$0x1F800] =	vst v63  }
0x9e: {  	_ =	swait.ge [sflag:s26], $0x4000  }
0x9f: {  	[sflag:s26] =	ssyncset.done $0x0  }
0xa0: {  	s30 =	simm.s32 $0x2D00;
	[sflag:s26] =	ssyncadd.s32 $0xFFFFC000  }
0xa1: {  	[spmem:s3] =	stream.indirect.scatter.add.f32 [tilespmem:s19], [sflag:$0x5], $0x80, s30, s22, $0xb8;
	[tilespmem:$0x1F800] =	vst v63  }
0xa2: {  	_ =	swait.ge [sflag:s20], $0x4000  }
0xa3: {  	[sflag:s20] =	ssyncset.done $0x0  }
0xa4: {  	s0 =	simm.s32 $0x600;
	[sflag:s20] =	ssyncadd.s32 $0xFFFFC000  }
0xa5: {  	[tilespmem:s19], [sflag:$0x1] =	stream.indirect.gather [hbm4b:s1+s22], $0x80, s0, s22, $0xb8;
	[tilespmem:$0x1F800] =	vst v63  }
0xa6: {  	_ =	swait.ge [sflag:s29], $0x4000  }
0xa7: {  	[sflag:s29] =	ssyncset.done $0x0  }
0xa8: {  	s16 =	simm.s32 $0x2D80;
	[sflag:s29] =	ssyncadd.s32 $0xFFFFC000  }
0xa9: {  	[spmem:s3] =	stream.indirect.scatter.add.f32 [tilespmem:s25], [sflag:$0x5], $0x80, s16, s22, $0xb8;
	[tilespmem:$0x1F800] =	vst v63  }
0xaa: {  	_ =	swait.ge [sflag:s20], $0x4000  }
0xab: {  	[sflag:s20] =	ssyncset.done $0x0  }
0xac: {  	s21 =	simm.s32 $0x680;
	[sflag:s20] =	ssyncadd.s32 $0xFFFFC000  }
0xad: {  	[tilespmem:s25], [sflag:$0x2] =	stream.indirect.gather [hbm4b:s1+s22], $0x80, s21, s22, $0xb8;
	[tilespmem:$0x1F800] =	vst v63  }
0xae: {  	_ =	swait.ge [sflag:s26], $0x4000  }
0xaf: {  	[sflag:s26] =	ssyncset.done $0x0  }
0xb0: {  	s30 =	simm.s32 $0x2E00;
	[sflag:s26] =	ssyncadd.s32 $0xFFFFC000  }
0xb1: {  	[spmem:s3] =	stream.indirect.scatter.add.f32 [tilespmem:s19], [sflag:$0x5], $0x80, s30, s22, $0xb8;
	[tilespmem:$0x1F800] =	vst v63  }
0xb2: {  	_ =	swait.ge [sflag:s20], $0x4000  }
0xb3: {  	[sflag:s20] =	ssyncset.done $0x0  }
0xb4: {  	s0 =	simm.s32 $0x700;
	[sflag:s20] =	ssyncadd.s32 $0xFFFFC000  }
0xb5: {  	[tilespmem:s19], [sflag:$0x1] =	stream.indirect.gather [hbm4b:s1+s22], $0x80, s0, s22, $0xb8;
	[tilespmem:$0x1F800] =	vst v63  }
0xb6: {  	_ =	swait.ge [sflag:s29], $0x4000  }
0xb7: {  	[sflag:s29] =	ssyncset.done $0x0  }
0xb8: {  	s16 =	simm.s32 $0x2E80;
	[sflag:s29] =	ssyncadd.s32 $0xFFFFC000  }
0xb9: {  	[spmem:s3] =	stream.indirect.scatter.add.f32 [tilespmem:s25], [sflag:$0x5], $0x80, s16, s22, $0xb8;
	[tilespmem:$0x1F800] =	vst v63  }
0xba: {  	_ =	swait.ge [sflag:s20], $0x4000  }
0xbb: {  	[sflag:s20] =	ssyncset.done $0x0  }
0xbc: {  	s21 =	simm.s32 $0x780;
	[sflag:s20] =	ssyncadd.s32 $0xFFFFC000  }
0xbd: {  	[tilespmem:s25], [sflag:$0x2] =	stream.indirect.gather [hbm4b:s1+s22], $0x80, s21, s22, $0xb8;
	[tilespmem:$0x1F800] =	vst v63  }
0xbe: {  	_ =	swait.ge [sflag:s26], $0x4000  }
0xbf: {  	[sflag:s26] =	ssyncset.done $0x0  }
0xc0: {  	s30 =	simm.s32 $0x2F00;
	[sflag:s26] =	ssyncadd.s32 $0xFFFFC000  }
0xc1: {  	[spmem:s3] =	stream.indirect.scatter.add.f32 [tilespmem:s19], [sflag:$0x5], $0x80, s30, s22, $0xb8;
	[tilespmem:$0x1F800] =	vst v63  }
0xc2: {  	_ =	swait.ge [sflag:s20], $0x4000  }
0xc3: {  	[sflag:s20] =	ssyncset.done $0x0  }
0xc4: {  	s0 =	simm.s32 $0x800;
	[sflag:s20] =	ssyncadd.s32 $0xFFFFC000  }
0xc5: {  	[tilespmem:s19], [sflag:$0x1] =	stream.indirect.gather [hbm4b:s1+s22], $0x80, s0, s22, $0xb8;
	[tilespmem:$0x1F800] =	vst v63  }
0xc6: {  	_ =	swait.ge [sflag:s29], $0x4000  }
0xc7: {  	[sflag:s29] =	ssyncset.done $0x0  }
0xc8: {  	s16 =	simm.s32 $0x2F80;
	[sflag:s29] =	ssyncadd.s32 $0xFFFFC000  }
0xc9: {  	[spmem:s3] =	stream.indirect.scatter.add.f32 [tilespmem:s25], [sflag:$0x5], $0x80, s16, s22, $0xb8;
	[tilespmem:$0x1F800] =	vst v63  }
0xca: {  	_ =	swait.ge [sflag:s20], $0x4000  }
0xcb: {  	[sflag:s20] =	ssyncset.done $0x0  }
0xcc: {  	[sflag:s20] =	ssyncadd.s32 $0xFFFFC000  }
0xcd: {  	_ =	swait.ge [sflag:s23], $0x800  }
0xce: {  	[sflag:s23] =	ssyncset.done $0x0  }
0xcf: {  	s21 =	rddreg [dreg:$0x7];
	[sflag:s23] =	ssyncadd.s32 $0xFFFFF800  }
0xd0: {  	[tilespmem:s2], [sflag:$0x4] =	stream.linear.gather [hbm4b:s21+s24], $0x800, $0x38;
	[tilespmem:$0x1F800] =	vst v63  }
0xd1: {  	s30 =	simm.s32 $0x880  }
0xd2: {  	[tilespmem:s25], [sflag:$0x2] =	stream.indirect.gather [hbm4b:s1+s22], $0x80, s30, s22, $0xb8;
	[tilespmem:$0x1F800] =	vst v63  }
0xd3: {  	_ =	swait.ge [sflag:s26], $0x4000  }
0xd4: {  	[sflag:s26] =	ssyncset.done $0x0  }
0xd5: {  	[sflag:s26] =	ssyncadd.s32 $0xFFFFC000  }
0xd6: {  	[spmem:s3] =	stream.indirect.scatter.add.f32 [tilespmem:s19], [sflag:$0x5], $0x80, s7, s22, $0xb8;
	[tilespmem:$0x1F800] =	vst v63  }
0xd7: {  	_ =	swait.ge [sflag:s20], $0x4000  }
0xd8: {  	[sflag:s20] =	ssyncset.done $0x0  }
0xd9: {  	s0 =	simm.s32 $0x900;
	[sflag:s20] =	ssyncadd.s32 $0xFFFFC000  }
0xda: {  	[tilespmem:s19], [sflag:$0x1] =	stream.indirect.gather [hbm4b:s1+s22], $0x80, s0, s22, $0xb8;
	[tilespmem:$0x1F800] =	vst v63  }
0xdb: {  	_ =	swait.ge [sflag:s29], $0x4000  }
0xdc: {  	[sflag:s29] =	ssyncset.done $0x0  }
0xdd: {  	s30 =	simm.s32 $0x3080;
	[sflag:s29] =	ssyncadd.s32 $0xFFFFC000  }
0xde: {  	[spmem:s3] =	stream.indirect.scatter.add.f32 [tilespmem:s25], [sflag:$0x5], $0x80, s30, s22, $0xb8;
	[tilespmem:$0x1F800] =	vst v63  }
0xdf: {  	_ =	swait.ge [sflag:s20], $0x4000  }
0xe0: {  	[sflag:s20] =	ssyncset.done $0x0  }
0xe1: {  	s2 =	simm.s32 $0x980;
	[sflag:s20] =	ssyncadd.s32 $0xFFFFC000  }
0xe2: {  	[tilespmem:s25], [sflag:$0x2] =	stream.indirect.gather [hbm4b:s1+s22], $0x80, s2, s22, $0xb8;
	[tilespmem:$0x1F800] =	vst v63  }
0xe3: {  	_ =	swait.ge [sflag:s26], $0x4000  }
0xe4: {  	[sflag:s26] =	ssyncset.done $0x0  }
0xe5: {  	s2 =	simm.s32 $0x3100;
	[sflag:s26] =	ssyncadd.s32 $0xFFFFC000  }
0xe6: {  	[spmem:s3] =	stream.indirect.scatter.add.f32 [tilespmem:s19], [sflag:$0x5], $0x80, s2, s22, $0xb8;
	[tilespmem:$0x1F800] =	vst v63  }
0xe7: {  	_ =	swait.ge [sflag:s20], $0x4000  }
0xe8: {  	[sflag:s20] =	ssyncset.done $0x0  }
0xe9: {  	s21 =	simm.s32 $0xA00;
	[sflag:s20] =	ssyncadd.s32 $0xFFFFC000  }
0xea: {  	[tilespmem:s19], [sflag:$0x1] =	stream.indirect.gather [hbm4b:s1+s22], $0x80, s21, s22, $0xb8;
	[tilespmem:$0x1F800] =	vst v63  }
0xeb: {  	_ =	swait.ge [sflag:s29], $0x4000  }
0xec: {  	[sflag:s29] =	ssyncset.done $0x0  }
0xed: {  	[sflag:s29] =	ssyncadd.s32 $0xFFFFC000  }
0xee: {  	[spmem:s3] =	stream.indirect.scatter.add.f32 [tilespmem:s25], [sflag:$0x5], $0x80, s4, s22, $0xb8;
	[tilespmem:$0x1F800] =	vst v63  }
0xef: {  	_ =	swait.ge [sflag:s20], $0x4000  }
0xf0: {  	[sflag:s20] =	ssyncset.done $0x0  }
0xf1: {  	s21 =	simm.s32 $0xA80;
	[sflag:s20] =	ssyncadd.s32 $0xFFFFC000  }
0xf2: {  	[tilespmem:s25], [sflag:$0x2] =	stream.indirect.gather [hbm4b:s1+s22], $0x80, s21, s22, $0xb8;
	[tilespmem:$0x1F800] =	vst v63  }
0xf3: {  	_ =	swait.ge [sflag:s26], $0x4000  }
0xf4: {  	[sflag:s26] =	ssyncset.done $0x0  }
0xf5: {  	[sflag:s26] =	ssyncadd.s32 $0xFFFFC000  }
0xf6: {  	[spmem:s3] =	stream.indirect.scatter.add.f32 [tilespmem:s19], [sflag:$0x5], $0x80, s5, s22, $0xb8;
	[tilespmem:$0x1F800] =	vst v63  }
0xf7: {  	_ =	swait.ge [sflag:s20], $0x4000  }
0xf8: {  	[sflag:s20] =	ssyncset.done $0x0  }
0xf9: {  	s21 =	simm.s32 $0xB00;
	[sflag:s20] =	ssyncadd.s32 $0xFFFFC000  }
0xfa: {  	[tilespmem:s19], [sflag:$0x1] =	stream.indirect.gather [hbm4b:s1+s22], $0x80, s21, s22, $0xb8;
	[tilespmem:$0x1F800] =	vst v63  }
0xfb: {  	_ =	swait.ge [sflag:s29], $0x4000  }
0xfc: {  	[sflag:s29] =	ssyncset.done $0x0  }
0xfd: {  	[sflag:s29] =	ssyncadd.s32 $0xFFFFC000  }
0xfe: {  	[spmem:s3] =	stream.indirect.scatter.add.f32 [tilespmem:s25], [sflag:$0x5], $0x80, s6, s22, $0xb8;
	[tilespmem:$0x1F800] =	vst v63  }
0xff: {  	_ =	swait.ge [sflag:s20], $0x4000  }
0x100: {  	[sflag:s20] =	ssyncset.done $0x0  }
0x101: {  	s21 =	simm.s32 $0xB80;
	[sflag:s20] =	ssyncadd.s32 $0xFFFFC000  }
0x102: {  	[tilespmem:s25], [sflag:$0x2] =	stream.indirect.gather [hbm4b:s1+s22], $0x80, s21, s22, $0xb8;
	[tilespmem:$0x1F800] =	vst v63  }
0x103: {  	_ =	swait.ge [sflag:s26], $0x4000  }
0x104: {  	[sflag:s26] =	ssyncset.done $0x0  }
0x105: {  	[sflag:s26] =	ssyncadd.s32 $0xFFFFC000  }
0x106: {  	[spmem:s3] =	stream.indirect.scatter.add.f32 [tilespmem:s19], [sflag:$0x5], $0x80, s8, s22, $0xb8;
	[tilespmem:$0x1F800] =	vst v63  }
0x107: {  	_ =	swait.ge [sflag:s20], $0x4000  }
0x108: {  	[sflag:s20] =	ssyncset.done $0x0  }
0x109: {  	s21 =	simm.s32 $0xC00;
	[sflag:s20] =	ssyncadd.s32 $0xFFFFC000  }
0x10a: {  	[tilespmem:s19], [sflag:$0x1] =	stream.indirect.gather [hbm4b:s1+s22], $0x80, s21, s22, $0xb8;
	[tilespmem:$0x1F800] =	vst v63  }
0x10b: {  	_ =	swait.ge [sflag:s29], $0x4000  }
0x10c: {  	[sflag:s29] =	ssyncset.done $0x0  }
0x10d: {  	[sflag:s29] =	ssyncadd.s32 $0xFFFFC000  }
0x10e: {  	[spmem:s3] =	stream.indirect.scatter.add.f32 [tilespmem:s25], [sflag:$0x5], $0x80, s9, s22, $0xb8;
	[tilespmem:$0x1F800] =	vst v63  }
0x10f: {  	_ =	swait.ge [sflag:s20], $0x4000  }
0x110: {  	[sflag:s20] =	ssyncset.done $0x0  }
0x111: {  	s21 =	simm.s32 $0xC80;
	[sflag:s20] =	ssyncadd.s32 $0xFFFFC000  }
0x112: {  	[tilespmem:s25], [sflag:$0x2] =	stream.indirect.gather [hbm4b:s1+s22], $0x80, s21, s22, $0xb8;
	[tilespmem:$0x1F800] =	vst v63  }
0x113: {  	_ =	swait.ge [sflag:s26], $0x4000  }
0x114: {  	[sflag:s26] =	ssyncset.done $0x0  }
0x115: {  	[sflag:s26] =	ssyncadd.s32 $0xFFFFC000  }
0x116: {  	[spmem:s3] =	stream.indirect.scatter.add.f32 [tilespmem:s19], [sflag:$0x5], $0x80, s10, s22, $0xb8;
	[tilespmem:$0x1F800] =	vst v63  }
0x117: {  	_ =	swait.ge [sflag:s20], $0x4000  }
0x118: {  	[sflag:s20] =	ssyncset.done $0x0  }
0x119: {  	s21 =	simm.s32 $0xD00;
	[sflag:s20] =	ssyncadd.s32 $0xFFFFC000  }
0x11a: {  	[tilespmem:s19], [sflag:$0x1] =	stream.indirect.gather [hbm4b:s1+s22], $0x80, s21, s22, $0xb8;
	[tilespmem:$0x1F800] =	vst v63  }
0x11b: {  	_ =	swait.ge [sflag:s29], $0x4000  }
0x11c: {  	[sflag:s29] =	ssyncset.done $0x0  }
0x11d: {  	[sflag:s29] =	ssyncadd.s32 $0xFFFFC000  }
0x11e: {  	[spmem:s3] =	stream.indirect.scatter.add.f32 [tilespmem:s25], [sflag:$0x5], $0x80, s11, s22, $0xb8;
	[tilespmem:$0x1F800] =	vst v63  }
0x11f: {  	_ =	swait.ge [sflag:s20], $0x4000  }
0x120: {  	[sflag:s20] =	ssyncset.done $0x0  }
0x121: {  	s21 =	simm.s32 $0xD80;
	[sflag:s20] =	ssyncadd.s32 $0xFFFFC000  }
0x122: {  	[tilespmem:s25], [sflag:$0x2] =	stream.indirect.gather [hbm4b:s1+s22], $0x80, s21, s22, $0xb8;
	[tilespmem:$0x1F800] =	vst v63  }
0x123: {  	_ =	swait.ge [sflag:s26], $0x4000  }
0x124: {  	[sflag:s26] =	ssyncset.done $0x0  }
0x125: {  	[sflag:s26] =	ssyncadd.s32 $0xFFFFC000  }
0x126: {  	[spmem:s3] =	stream.indirect.scatter.add.f32 [tilespmem:s19], [sflag:$0x5], $0x80, s12, s22, $0xb8;
	[tilespmem:$0x1F800] =	vst v63  }
0x127: {  	_ =	swait.ge [sflag:s20], $0x4000  }
0x128: {  	[sflag:s20] =	ssyncset.done $0x0  }
0x129: {  	s21 =	simm.s32 $0xE00;
	[sflag:s20] =	ssyncadd.s32 $0xFFFFC000  }
0x12a: {  	[tilespmem:s19], [sflag:$0x1] =	stream.indirect.gather [hbm4b:s1+s22], $0x80, s21, s22, $0xb8;
	[tilespmem:$0x1F800] =	vst v63  }
0x12b: {  	_ =	swait.ge [sflag:s29], $0x4000  }
0x12c: {  	[sflag:s29] =	ssyncset.done $0x0  }
0x12d: {  	[sflag:s29] =	ssyncadd.s32 $0xFFFFC000  }
0x12e: {  	[spmem:s3] =	stream.indirect.scatter.add.f32 [tilespmem:s25], [sflag:$0x5], $0x80, s13, s22, $0xb8;
	[tilespmem:$0x1F800] =	vst v63  }
0x12f: {  	_ =	swait.ge [sflag:s20], $0x4000  }
0x130: {  	[sflag:s20] =	ssyncset.done $0x0  }
0x131: {  	s21 =	simm.s32 $0xE80;
	[sflag:s20] =	ssyncadd.s32 $0xFFFFC000  }
0x132: {  	[tilespmem:s25], [sflag:$0x2] =	stream.indirect.gather [hbm4b:s1+s22], $0x80, s21, s22, $0xb8;
	[tilespmem:$0x1F800] =	vst v63  }
0x133: {  	_ =	swait.ge [sflag:s26], $0x4000  }
0x134: {  	[sflag:s26] =	ssyncset.done $0x0  }
0x135: {  	[sflag:s26] =	ssyncadd.s32 $0xFFFFC000  }
0x136: {  	[spmem:s3] =	stream.indirect.scatter.add.f32 [tilespmem:s19], [sflag:$0x5], $0x80, s14, s22, $0xb8;
	[tilespmem:$0x1F800] =	vst v63  }
0x137: {  	_ =	swait.ge [sflag:s20], $0x4000  }
0x138: {  	[sflag:s20] =	ssyncset.done $0x0  }
0x139: {  	s21 =	simm.s32 $0xF00;
	[sflag:s20] =	ssyncadd.s32 $0xFFFFC000  }
0x13a: {  	[tilespmem:s19], [sflag:$0x1] =	stream.indirect.gather [hbm4b:s1+s22], $0x80, s21, s22, $0xb8;
	[tilespmem:$0x1F800] =	vst v63  }
0x13b: {  	_ =	swait.ge [sflag:s29], $0x4000  }
0x13c: {  	[sflag:s29] =	ssyncset.done $0x0  }
0x13d: {  	[sflag:s29] =	ssyncadd.s32 $0xFFFFC000  }
0x13e: {  	[spmem:s3] =	stream.indirect.scatter.add.f32 [tilespmem:s25], [sflag:$0x5], $0x80, s15, s22, $0xb8;
	[tilespmem:$0x1F800] =	vst v63  }
0x13f: {  	_ =	swait.ge [sflag:s20], $0x4000  }
0x140: {  	[sflag:s20] =	ssyncset.done $0x0  }
0x141: {  	s21 =	simm.s32 $0xF80;
	[sflag:s20] =	ssyncadd.s32 $0xFFFFC000  }
0x142: {  	[tilespmem:s25], [sflag:$0x2] =	stream.indirect.gather [hbm4b:s1+s22], $0x80, s21, s22, $0xb8;
	[tilespmem:$0x1F800] =	vst v63  }
0x143: {  	_ =	swait.ge [sflag:s26], $0x4000  }
0x144: {  	[sflag:s26] =	ssyncset.done $0x0  }
0x145: {  	[sflag:s26] =	ssyncadd.s32 $0xFFFFC000  }
0x146: {  	[spmem:s3] =	stream.indirect.scatter.add.f32 [tilespmem:s19], [sflag:$0x5], $0x80, s18, s22, $0xb8;
	[tilespmem:$0x1F800] =	vst v63  }
0x147: {  	_ =	swait.ge [sflag:s20], $0x4000  }
0x148: {  	[sflag:s20] =	ssyncset.done $0x0  }
0x149: {  	s21 =	simm.s32 $0x1000;
	[sflag:s20] =	ssyncadd.s32 $0xFFFFC000  }
0x14a: {  	[tilespmem:s19], [sflag:$0x1] =	stream.indirect.gather [hbm4b:s1+s22], $0x80, s21, s22, $0xb8;
	[tilespmem:$0x1F800] =	vst v63  }
0x14b: {  	_ =	swait.ge [sflag:s29], $0x4000  }
0x14c: {  	[sflag:s29] =	ssyncset.done $0x0  }
0x14d: {  	s21 =	simm.s32 $0x3780;
	[sflag:s29] =	ssyncadd.s32 $0xFFFFC000  }
0x14e: {  	[spmem:s3] =	stream.indirect.scatter.add.f32 [tilespmem:s25], [sflag:$0x5], $0x80, s21, s22, $0xb8;
	[tilespmem:$0x1F800] =	vst v63  }
0x14f: {  	_ =	swait.ge [sflag:s20], $0x4000  }
0x150: {  	[sflag:s20] =	ssyncset.done $0x0  }
0x151: {  	[sflag:s20] =	ssyncadd.s32 $0xFFFFC000  }
0x152: {  	_ =	swait.ge [sflag:s23], $0x800  }
0x153: {  	[sflag:s23] =	ssyncset.done $0x0  }
0x154: {  	s16 =	rddreg [dreg:$0x8];
	[sflag:s23] =	ssyncadd.s32 $0xFFFFF800  }
0x155: {  	[tilespmem:s7], [sflag:$0x4] =	stream.linear.gather [hbm4b:s16+s24], $0x800, $0x38;
	[tilespmem:$0x1F800] =	vst v63  }
0x156: {  	s16 =	simm.s32 $0x1080  }
0x157: {  	[tilespmem:s25], [sflag:$0x2] =	stream.indirect.gather [hbm4b:s1+s22], $0x80, s16, s22, $0xb8;
	[tilespmem:$0x1F800] =	vst v63  }
0x158: {  	_ =	swait.ge [sflag:s26], $0x4000  }
0x159: {  	[sflag:s26] =	ssyncset.done $0x0  }
0x15a: {  	s0 =	simm.s32 $0x2800;
	[sflag:s26] =	ssyncadd.s32 $0xFFFFC000  }
0x15b: {  	[spmem:s3] =	stream.indirect.scatter.add.f32 [tilespmem:s19], [sflag:$0x5], $0x80, s0, s22, $0xb8;
	[tilespmem:$0x1F800] =	vst v63  }
0x15c: {  	_ =	swait.ge [sflag:s20], $0x4000  }
0x15d: {  	[sflag:s20] =	ssyncset.done $0x0  }
0x15e: {  	s16 =	simm.s32 $0x1100;
	[sflag:s20] =	ssyncadd.s32 $0xFFFFC000  }
0x15f: {  	[tilespmem:s19], [sflag:$0x1] =	stream.indirect.gather [hbm4b:s1+s22], $0x80, s16, s22, $0xb8;
	[tilespmem:$0x1F800] =	vst v63  }
0x160: {  	_ =	swait.ge [sflag:s29], $0x4000  }
0x161: {  	[sflag:s29] =	ssyncset.done $0x0  }
0x162: {  	s16 =	simm.s32 $0x2880;
	[sflag:s29] =	ssyncadd.s32 $0xFFFFC000  }
0x163: {  	[spmem:s3] =	stream.indirect.scatter.add.f32 [tilespmem:s25], [sflag:$0x5], $0x80, s16, s22, $0xb8;
	[tilespmem:$0x1F800] =	vst v63  }
0x164: {  	_ =	swait.ge [sflag:s20], $0x4000  }
0x165: {  	[sflag:s20] =	ssyncset.done $0x0  }
0x166: {  	s16 =	simm.s32 $0x1180;
	[sflag:s20] =	ssyncadd.s32 $0xFFFFC000  }
0x167: {  	[tilespmem:s25], [sflag:$0x2] =	stream.indirect.gather [hbm4b:s1+s22], $0x80, s16, s22, $0xb8;
	[tilespmem:$0x1F800] =	vst v63  }
0x168: {  	_ =	swait.ge [sflag:s26], $0x4000  }
0x169: {  	[sflag:s26] =	ssyncset.done $0x0  }
0x16a: {  	[sflag:s26] =	ssyncadd.s32 $0xFFFFC000  }
0x16b: {  	[spmem:s3] =	stream.indirect.scatter.add.f32 [tilespmem:s19], [sflag:$0x5], $0x80, s31, s22, $0xb8;
	[tilespmem:$0x1F800] =	vst v63  }
0x16c: {  	_ =	swait.ge [sflag:s20], $0x4000  }
0x16d: {  	[sflag:s20] =	ssyncset.done $0x0  }
0x16e: {  	s16 =	simm.s32 $0x1200;
	[sflag:s20] =	ssyncadd.s32 $0xFFFFC000  }
0x16f: {  	[tilespmem:s19], [sflag:$0x1] =	stream.indirect.gather [hbm4b:s1+s22], $0x80, s16, s22, $0xb8;
	[tilespmem:$0x1F800] =	vst v63  }
0x170: {  	_ =	swait.ge [sflag:s29], $0x4000  }
0x171: {  	[sflag:s29] =	ssyncset.done $0x0  }
0x172: {  	s16 =	simm.s32 $0x2980;
	[sflag:s29] =	ssyncadd.s32 $0xFFFFC000  }
0x173: {  	[spmem:s3] =	stream.indirect.scatter.add.f32 [tilespmem:s25], [sflag:$0x5], $0x80, s16, s22, $0xb8;
	[tilespmem:$0x1F800] =	vst v63  }
0x174: {  	_ =	swait.ge [sflag:s20], $0x4000  }
0x175: {  	[sflag:s20] =	ssyncset.done $0x0  }
0x176: {  	s16 =	simm.s32 $0x1280;
	[sflag:s20] =	ssyncadd.s32 $0xFFFFC000  }
0x177: {  	[tilespmem:s25], [sflag:$0x2] =	stream.indirect.gather [hbm4b:s1+s22], $0x80, s16, s22, $0xb8;
	[tilespmem:$0x1F800] =	vst v63  }
0x178: {  	_ =	swait.ge [sflag:s26], $0x4000  }
0x179: {  	[sflag:s26] =	ssyncset.done $0x0  }
0x17a: {  	s16 =	simm.s32 $0x2A00;
	[sflag:s26] =	ssyncadd.s32 $0xFFFFC000  }
0x17b: {  	[spmem:s3] =	stream.indirect.scatter.add.f32 [tilespmem:s19], [sflag:$0x5], $0x80, s16, s22, $0xb8;
	[tilespmem:$0x1F800] =	vst v63  }
0x17c: {  	_ =	swait.ge [sflag:s20], $0x4000  }
0x17d: {  	[sflag:s20] =	ssyncset.done $0x0  }
0x17e: {  	s16 =	simm.s32 $0x1300;
	[sflag:s20] =	ssyncadd.s32 $0xFFFFC000  }
0x17f: {  	[tilespmem:s19], [sflag:$0x1] =	stream.indirect.gather [hbm4b:s1+s22], $0x80, s16, s22, $0xb8;
	[tilespmem:$0x1F800] =	vst v63  }
0x180: {  	_ =	swait.ge [sflag:s29], $0x4000  }
0x181: {  	[sflag:s29] =	ssyncset.done $0x0  }
0x182: {  	s16 =	simm.s32 $0x2A80;
	[sflag:s29] =	ssyncadd.s32 $0xFFFFC000  }
0x183: {  	[spmem:s3] =	stream.indirect.scatter.add.f32 [tilespmem:s25], [sflag:$0x5], $0x80, s16, s22, $0xb8;
	[tilespmem:$0x1F800] =	vst v63  }
0x184: {  	_ =	swait.ge [sflag:s20], $0x4000  }
0x185: {  	[sflag:s20] =	ssyncset.done $0x0  }
0x186: {  	s16 =	simm.s32 $0x1380;
	[sflag:s20] =	ssyncadd.s32 $0xFFFFC000  }
0x187: {  	[tilespmem:s25], [sflag:$0x2] =	stream.indirect.gather [hbm4b:s1+s22], $0x80, s16, s22, $0xb8;
	[tilespmem:$0x1F800] =	vst v63  }
0x188: {  	_ =	swait.ge [sflag:s26], $0x4000  }
0x189: {  	[sflag:s26] =	ssyncset.done $0x0  }
0x18a: {  	s16 =	simm.s32 $0x2B00;
	[sflag:s26] =	ssyncadd.s32 $0xFFFFC000  }
0x18b: {  	[spmem:s3] =	stream.indirect.scatter.add.f32 [tilespmem:s19], [sflag:$0x5], $0x80, s16, s22, $0xb8;
	[tilespmem:$0x1F800] =	vst v63  }
0x18c: {  	_ =	swait.ge [sflag:s20], $0x4000  }
0x18d: {  	[sflag:s20] =	ssyncset.done $0x0  }
0x18e: {  	s16 =	simm.s32 $0x1400;
	[sflag:s20] =	ssyncadd.s32 $0xFFFFC000  }
0x18f: {  	[tilespmem:s19], [sflag:$0x1] =	stream.indirect.gather [hbm4b:s1+s22], $0x80, s16, s22, $0xb8;
	[tilespmem:$0x1F800] =	vst v63  }
0x190: {  	_ =	swait.ge [sflag:s29], $0x4000  }
0x191: {  	[sflag:s29] =	ssyncset.done $0x0  }
0x192: {  	s16 =	simm.s32 $0x2B80;
	[sflag:s29] =	ssyncadd.s32 $0xFFFFC000  }
0x193: {  	[spmem:s3] =	stream.indirect.scatter.add.f32 [tilespmem:s25], [sflag:$0x5], $0x80, s16, s22, $0xb8;
	[tilespmem:$0x1F800] =	vst v63  }
0x194: {  	_ =	swait.ge [sflag:s20], $0x4000  }
0x195: {  	[sflag:s20] =	ssyncset.done $0x0  }
0x196: {  	s16 =	simm.s32 $0x1480;
	[sflag:s20] =	ssyncadd.s32 $0xFFFFC000  }
0x197: {  	[tilespmem:s25], [sflag:$0x2] =	stream.indirect.gather [hbm4b:s1+s22], $0x80, s16, s22, $0xb8;
	[tilespmem:$0x1F800] =	vst v63  }
0x198: {  	_ =	swait.ge [sflag:s26], $0x4000  }
0x199: {  	[sflag:s26] =	ssyncset.done $0x0  }
0x19a: {  	s16 =	simm.s32 $0x2C00;
	[sflag:s26] =	ssyncadd.s32 $0xFFFFC000  }
0x19b: {  	[spmem:s3] =	stream.indirect.scatter.add.f32 [tilespmem:s19], [sflag:$0x5], $0x80, s16, s22, $0xb8;
	[tilespmem:$0x1F800] =	vst v63  }
0x19c: {  	_ =	swait.ge [sflag:s20], $0x4000  }
0x19d: {  	[sflag:s20] =	ssyncset.done $0x0  }
0x19e: {  	s16 =	simm.s32 $0x1500;
	[sflag:s20] =	ssyncadd.s32 $0xFFFFC000  }
0x19f: {  	[tilespmem:s19], [sflag:$0x1] =	stream.indirect.gather [hbm4b:s1+s22], $0x80, s16, s22, $0xb8;
	[tilespmem:$0x1F800] =	vst v63  }
0x1a0: {  	_ =	swait.ge [sflag:s29], $0x4000  }
0x1a1: {  	[sflag:s29] =	ssyncset.done $0x0  }
0x1a2: {  	s16 =	simm.s32 $0x2C80;
	[sflag:s29] =	ssyncadd.s32 $0xFFFFC000  }
0x1a3: {  	[spmem:s3] =	stream.indirect.scatter.add.f32 [tilespmem:s25], [sflag:$0x5], $0x80, s16, s22, $0xb8;
	[tilespmem:$0x1F800] =	vst v63  }
0x1a4: {  	_ =	swait.ge [sflag:s20], $0x4000  }
0x1a5: {  	[sflag:s20] =	ssyncset.done $0x0  }
0x1a6: {  	s16 =	simm.s32 $0x1580;
	[sflag:s20] =	ssyncadd.s32 $0xFFFFC000  }
0x1a7: {  	[tilespmem:s25], [sflag:$0x2] =	stream.indirect.gather [hbm4b:s1+s22], $0x80, s16, s22, $0xb8;
	[tilespmem:$0x1F800] =	vst v63  }
0x1a8: {  	_ =	swait.ge [sflag:s26], $0x4000  }
0x1a9: {  	[sflag:s26] =	ssyncset.done $0x0  }
0x1aa: {  	s16 =	simm.s32 $0x2D00;
	[sflag:s26] =	ssyncadd.s32 $0xFFFFC000  }
0x1ab: {  	[spmem:s3] =	stream.indirect.scatter.add.f32 [tilespmem:s19], [sflag:$0x5], $0x80, s16, s22, $0xb8;
	[tilespmem:$0x1F800] =	vst v63  }
0x1ac: {  	_ =	swait.ge [sflag:s20], $0x4000  }
0x1ad: {  	[sflag:s20] =	ssyncset.done $0x0  }
0x1ae: {  	s16 =	simm.s32 $0x1600;
	[sflag:s20] =	ssyncadd.s32 $0xFFFFC000  }
0x1af: {  	[tilespmem:s19], [sflag:$0x1] =	stream.indirect.gather [hbm4b:s1+s22], $0x80, s16, s22, $0xb8;
	[tilespmem:$0x1F800] =	vst v63  }
0x1b0: {  	_ =	swait.ge [sflag:s29], $0x4000  }
0x1b1: {  	[sflag:s29] =	ssyncset.done $0x0  }
0x1b2: {  	s16 =	simm.s32 $0x2D80;
	[sflag:s29] =	ssyncadd.s32 $0xFFFFC000  }
0x1b3: {  	[spmem:s3] =	stream.indirect.scatter.add.f32 [tilespmem:s25], [sflag:$0x5], $0x80, s16, s22, $0xb8;
	[tilespmem:$0x1F800] =	vst v63  }
0x1b4: {  	_ =	swait.ge [sflag:s20], $0x4000  }
0x1b5: {  	[sflag:s20] =	ssyncset.done $0x0  }
0x1b6: {  	s16 =	simm.s32 $0x1680;
	[sflag:s20] =	ssyncadd.s32 $0xFFFFC000  }
0x1b7: {  	[tilespmem:s25], [sflag:$0x2] =	stream.indirect.gather [hbm4b:s1+s22], $0x80, s16, s22, $0xb8;
	[tilespmem:$0x1F800] =	vst v63  }
0x1b8: {  	_ =	swait.ge [sflag:s26], $0x4000  }
0x1b9: {  	[sflag:s26] =	ssyncset.done $0x0  }
0x1ba: {  	s16 =	simm.s32 $0x2E00;
	[sflag:s26] =	ssyncadd.s32 $0xFFFFC000  }
0x1bb: {  	[spmem:s3] =	stream.indirect.scatter.add.f32 [tilespmem:s19], [sflag:$0x5], $0x80, s16, s22, $0xb8;
	[tilespmem:$0x1F800] =	vst v63  }
0x1bc: {  	_ =	swait.ge [sflag:s20], $0x4000  }
0x1bd: {  	[sflag:s20] =	ssyncset.done $0x0  }
0x1be: {  	s16 =	simm.s32 $0x1700;
	[sflag:s20] =	ssyncadd.s32 $0xFFFFC000  }
0x1bf: {  	[tilespmem:s19], [sflag:$0x1] =	stream.indirect.gather [hbm4b:s1+s22], $0x80, s16, s22, $0xb8;
	[tilespmem:$0x1F800] =	vst v63  }
0x1c0: {  	_ =	swait.ge [sflag:s29], $0x4000  }
0x1c1: {  	[sflag:s29] =	ssyncset.done $0x0  }
0x1c2: {  	s16 =	simm.s32 $0x2E80;
	[sflag:s29] =	ssyncadd.s32 $0xFFFFC000  }
0x1c3: {  	[spmem:s3] =	stream.indirect.scatter.add.f32 [tilespmem:s25], [sflag:$0x5], $0x80, s16, s22, $0xb8;
	[tilespmem:$0x1F800] =	vst v63  }
0x1c4: {  	_ =	swait.ge [sflag:s20], $0x4000  }
0x1c5: {  	[sflag:s20] =	ssyncset.done $0x0  }
0x1c6: {  	s16 =	simm.s32 $0x1780;
	[sflag:s20] =	ssyncadd.s32 $0xFFFFC000  }
0x1c7: {  	[tilespmem:s25], [sflag:$0x2] =	stream.indirect.gather [hbm4b:s1+s22], $0x80, s16, s22, $0xb8;
	[tilespmem:$0x1F800] =	vst v63  }
0x1c8: {  	_ =	swait.ge [sflag:s26], $0x4000  }
0x1c9: {  	[sflag:s26] =	ssyncset.done $0x0  }
0x1ca: {  	s16 =	simm.s32 $0x2F00;
	[sflag:s26] =	ssyncadd.s32 $0xFFFFC000  }
0x1cb: {  	[spmem:s3] =	stream.indirect.scatter.add.f32 [tilespmem:s19], [sflag:$0x5], $0x80, s16, s22, $0xb8;
	[tilespmem:$0x1F800] =	vst v63  }
0x1cc: {  	_ =	swait.ge [sflag:s20], $0x4000  }
0x1cd: {  	[sflag:s20] =	ssyncset.done $0x0  }
0x1ce: {  	s16 =	simm.s32 $0x1800;
	[sflag:s20] =	ssyncadd.s32 $0xFFFFC000  }
0x1cf: {  	[tilespmem:s19], [sflag:$0x1] =	stream.indirect.gather [hbm4b:s1+s22], $0x80, s16, s22, $0xb8;
	[tilespmem:$0x1F800] =	vst v63  }
0x1d0: {  	_ =	swait.ge [sflag:s29], $0x4000  }
0x1d1: {  	[sflag:s29] =	ssyncset.done $0x0  }
0x1d2: {  	s16 =	simm.s32 $0x2F80;
	[sflag:s29] =	ssyncadd.s32 $0xFFFFC000  }
0x1d3: {  	[spmem:s3] =	stream.indirect.scatter.add.f32 [tilespmem:s25], [sflag:$0x5], $0x80, s16, s22, $0xb8;
	[tilespmem:$0x1F800] =	vst v63  }
0x1d4: {  	_ =	swait.ge [sflag:s20], $0x4000  }
0x1d5: {  	[sflag:s20] =	ssyncset.done $0x0  }
0x1d6: {  	[sflag:s20] =	ssyncadd.s32 $0xFFFFC000  }
0x1d7: {  	_ =	swait.ge [sflag:s23], $0x800  }
0x1d8: {  	[sflag:s23] =	ssyncset.done $0x0  }
0x1d9: {  	s16 =	rddreg [dreg:$0x9];
	[sflag:s23] =	ssyncadd.s32 $0xFFFFF800  }
0x1da: {  	[tilespmem:s0], [sflag:$0x4] =	stream.linear.gather [hbm4b:s16+s24], $0x800, $0x38;
	[tilespmem:$0x1F800] =	vst v63  }
0x1db: {  	s16 =	simm.s32 $0x1880  }
0x1dc: {  	[tilespmem:s25], [sflag:$0x2] =	stream.indirect.gather [hbm4b:s1+s22], $0x80, s16, s22, $0xb8;
	[tilespmem:$0x1F800] =	vst v63  }
0x1dd: {  	_ =	swait.ge [sflag:s26], $0x4000  }
0x1de: {  	[sflag:s26] =	ssyncset.done $0x0  }
0x1df: {  	[sflag:s26] =	ssyncadd.s32 $0xFFFFC000  }
0x1e0: {  	[spmem:s3] =	stream.indirect.scatter.add.f32 [tilespmem:s19], [sflag:$0x5], $0x80, s7, s22, $0xb8;
	[tilespmem:$0x1F800] =	vst v63  }
0x1e1: {  	_ =	swait.ge [sflag:s20], $0x4000  }
0x1e2: {  	[sflag:s20] =	ssyncset.done $0x0  }
0x1e3: {  	s16 =	simm.s32 $0x1900;
	[sflag:s20] =	ssyncadd.s32 $0xFFFFC000  }
0x1e4: {  	[tilespmem:s19], [sflag:$0x1] =	stream.indirect.gather [hbm4b:s1+s22], $0x80, s16, s22, $0xb8;
	[tilespmem:$0x1F800] =	vst v63  }
0x1e5: {  	_ =	swait.ge [sflag:s29], $0x4000  }
0x1e6: {  	[sflag:s29] =	ssyncset.done $0x0  }
0x1e7: {  	[sflag:s29] =	ssyncadd.s32 $0xFFFFC000  }
0x1e8: {  	[spmem:s3] =	stream.indirect.scatter.add.f32 [tilespmem:s25], [sflag:$0x5], $0x80, s30, s22, $0xb8;
	[tilespmem:$0x1F800] =	vst v63  }
0x1e9: {  	_ =	swait.ge [sflag:s20], $0x4000  }
0x1ea: {  	[sflag:s20] =	ssyncset.done $0x0  }
0x1eb: {  	s16 =	simm.s32 $0x1980;
	[sflag:s20] =	ssyncadd.s32 $0xFFFFC000  }
0x1ec: {  	[tilespmem:s25], [sflag:$0x2] =	stream.indirect.gather [hbm4b:s1+s22], $0x80, s16, s22, $0xb8;
	[tilespmem:$0x1F800] =	vst v63  }
0x1ed: {  	_ =	swait.ge [sflag:s26], $0x4000  }
0x1ee: {  	[sflag:s26] =	ssyncset.done $0x0  }
0x1ef: {  	[sflag:s26] =	ssyncadd.s32 $0xFFFFC000  }
0x1f0: {  	[spmem:s3] =	stream.indirect.scatter.add.f32 [tilespmem:s19], [sflag:$0x5], $0x80, s2, s22, $0xb8;
	[tilespmem:$0x1F800] =	vst v63  }
0x1f1: {  	_ =	swait.ge [sflag:s20], $0x4000  }
0x1f2: {  	[sflag:s20] =	ssyncset.done $0x0  }
0x1f3: {  	s30 =	simm.s32 $0x1A00;
	[sflag:s20] =	ssyncadd.s32 $0xFFFFC000  }
0x1f4: {  	[tilespmem:s19], [sflag:$0x1] =	stream.indirect.gather [hbm4b:s1+s22], $0x80, s30, s22, $0xb8;
	[tilespmem:$0x1F800] =	vst v63  }
0x1f5: {  	_ =	swait.ge [sflag:s29], $0x4000  }
0x1f6: {  	[sflag:s29] =	ssyncset.done $0x0  }
0x1f7: {  	[sflag:s29] =	ssyncadd.s32 $0xFFFFC000  }
0x1f8: {  	[spmem:s3] =	stream.indirect.scatter.add.f32 [tilespmem:s25], [sflag:$0x5], $0x80, s4, s22, $0xb8;
	[tilespmem:$0x1F800] =	vst v63  }
0x1f9: {  	_ =	swait.ge [sflag:s20], $0x4000  }
0x1fa: {  	[sflag:s20] =	ssyncset.done $0x0  }
0x1fb: {  	s16 =	simm.s32 $0x1A80;
	[sflag:s20] =	ssyncadd.s32 $0xFFFFC000  }
0x1fc: {  	[tilespmem:s25], [sflag:$0x2] =	stream.indirect.gather [hbm4b:s1+s22], $0x80, s16, s22, $0xb8;
	[tilespmem:$0x1F800] =	vst v63  }
0x1fd: {  	_ =	swait.ge [sflag:s26], $0x4000  }
0x1fe: {  	[sflag:s26] =	ssyncset.done $0x0  }
0x1ff: {  	[sflag:s26] =	ssyncadd.s32 $0xFFFFC000  }
0x200: {  	[spmem:s3] =	stream.indirect.scatter.add.f32 [tilespmem:s19], [sflag:$0x5], $0x80, s5, s22, $0xb8;
	[tilespmem:$0x1F800] =	vst v63  }
0x201: {  	_ =	swait.ge [sflag:s20], $0x4000  }
0x202: {  	[sflag:s20] =	ssyncset.done $0x0  }
0x203: {  	s30 =	simm.s32 $0x1B00;
	[sflag:s20] =	ssyncadd.s32 $0xFFFFC000  }
0x204: {  	[tilespmem:s19], [sflag:$0x1] =	stream.indirect.gather [hbm4b:s1+s22], $0x80, s30, s22, $0xb8;
	[tilespmem:$0x1F800] =	vst v63  }
0x205: {  	_ =	swait.ge [sflag:s29], $0x4000  }
0x206: {  	[sflag:s29] =	ssyncset.done $0x0  }
0x207: {  	[sflag:s29] =	ssyncadd.s32 $0xFFFFC000  }
0x208: {  	[spmem:s3] =	stream.indirect.scatter.add.f32 [tilespmem:s25], [sflag:$0x5], $0x80, s6, s22, $0xb8;
	[tilespmem:$0x1F800] =	vst v63  }
0x209: {  	_ =	swait.ge [sflag:s20], $0x4000  }
0x20a: {  	[sflag:s20] =	ssyncset.done $0x0  }
0x20b: {  	s16 =	simm.s32 $0x1B80;
	[sflag:s20] =	ssyncadd.s32 $0xFFFFC000  }
0x20c: {  	[tilespmem:s25], [sflag:$0x2] =	stream.indirect.gather [hbm4b:s1+s22], $0x80, s16, s22, $0xb8;
	[tilespmem:$0x1F800] =	vst v63  }
0x20d: {  	_ =	swait.ge [sflag:s26], $0x4000  }
0x20e: {  	[sflag:s26] =	ssyncset.done $0x0  }
0x20f: {  	[sflag:s26] =	ssyncadd.s32 $0xFFFFC000  }
0x210: {  	[spmem:s3] =	stream.indirect.scatter.add.f32 [tilespmem:s19], [sflag:$0x5], $0x80, s8, s22, $0xb8;
	[tilespmem:$0x1F800] =	vst v63  }
0x211: {  	_ =	swait.ge [sflag:s20], $0x4000  }
0x212: {  	[sflag:s20] =	ssyncset.done $0x0  }
0x213: {  	s30 =	simm.s32 $0x1C00;
	[sflag:s20] =	ssyncadd.s32 $0xFFFFC000  }
0x214: {  	[tilespmem:s19], [sflag:$0x1] =	stream.indirect.gather [hbm4b:s1+s22], $0x80, s30, s22, $0xb8;
	[tilespmem:$0x1F800] =	vst v63  }
0x215: {  	_ =	swait.ge [sflag:s29], $0x4000  }
0x216: {  	[sflag:s29] =	ssyncset.done $0x0  }
0x217: {  	[sflag:s29] =	ssyncadd.s32 $0xFFFFC000  }
0x218: {  	[spmem:s3] =	stream.indirect.scatter.add.f32 [tilespmem:s25], [sflag:$0x5], $0x80, s9, s22, $0xb8;
	[tilespmem:$0x1F800] =	vst v63  }
0x219: {  	_ =	swait.ge [sflag:s20], $0x4000  }
0x21a: {  	[sflag:s20] =	ssyncset.done $0x0  }
0x21b: {  	s16 =	simm.s32 $0x1C80;
	[sflag:s20] =	ssyncadd.s32 $0xFFFFC000  }
0x21c: {  	[tilespmem:s25], [sflag:$0x2] =	stream.indirect.gather [hbm4b:s1+s22], $0x80, s16, s22, $0xb8;
	[tilespmem:$0x1F800] =	vst v63  }
0x21d: {  	_ =	swait.ge [sflag:s26], $0x4000  }
0x21e: {  	[sflag:s26] =	ssyncset.done $0x0  }
0x21f: {  	[sflag:s26] =	ssyncadd.s32 $0xFFFFC000  }
0x220: {  	[spmem:s3] =	stream.indirect.scatter.add.f32 [tilespmem:s19], [sflag:$0x5], $0x80, s10, s22, $0xb8;
	[tilespmem:$0x1F800] =	vst v63  }
0x221: {  	_ =	swait.ge [sflag:s20], $0x4000  }
0x222: {  	[sflag:s20] =	ssyncset.done $0x0  }
0x223: {  	s30 =	simm.s32 $0x1D00;
	[sflag:s20] =	ssyncadd.s32 $0xFFFFC000  }
0x224: {  	[tilespmem:s19], [sflag:$0x1] =	stream.indirect.gather [hbm4b:s1+s22], $0x80, s30, s22, $0xb8;
	[tilespmem:$0x1F800] =	vst v63  }
0x225: {  	_ =	swait.ge [sflag:s29], $0x4000  }
0x226: {  	[sflag:s29] =	ssyncset.done $0x0  }
0x227: {  	[sflag:s29] =	ssyncadd.s32 $0xFFFFC000  }
0x228: {  	[spmem:s3] =	stream.indirect.scatter.add.f32 [tilespmem:s25], [sflag:$0x5], $0x80, s11, s22, $0xb8;
	[tilespmem:$0x1F800] =	vst v63  }
0x229: {  	_ =	swait.ge [sflag:s20], $0x4000  }
0x22a: {  	[sflag:s20] =	ssyncset.done $0x0  }
0x22b: {  	s16 =	simm.s32 $0x1D80;
	[sflag:s20] =	ssyncadd.s32 $0xFFFFC000  }
0x22c: {  	[tilespmem:s25], [sflag:$0x2] =	stream.indirect.gather [hbm4b:s1+s22], $0x80, s16, s22, $0xb8;
	[tilespmem:$0x1F800] =	vst v63  }
0x22d: {  	_ =	swait.ge [sflag:s26], $0x4000  }
0x22e: {  	[sflag:s26] =	ssyncset.done $0x0  }
0x22f: {  	[sflag:s26] =	ssyncadd.s32 $0xFFFFC000  }
0x230: {  	[spmem:s3] =	stream.indirect.scatter.add.f32 [tilespmem:s19], [sflag:$0x5], $0x80, s12, s22, $0xb8;
	[tilespmem:$0x1F800] =	vst v63  }
0x231: {  	_ =	swait.ge [sflag:s20], $0x4000  }
0x232: {  	[sflag:s20] =	ssyncset.done $0x0  }
0x233: {  	s30 =	simm.s32 $0x1E00;
	[sflag:s20] =	ssyncadd.s32 $0xFFFFC000  }
0x234: {  	[tilespmem:s19], [sflag:$0x1] =	stream.indirect.gather [hbm4b:s1+s22], $0x80, s30, s22, $0xb8;
	[tilespmem:$0x1F800] =	vst v63  }
0x235: {  	_ =	swait.ge [sflag:s29], $0x4000  }
0x236: {  	[sflag:s29] =	ssyncset.done $0x0  }
0x237: {  	[sflag:s29] =	ssyncadd.s32 $0xFFFFC000  }
0x238: {  	[spmem:s3] =	stream.indirect.scatter.add.f32 [tilespmem:s25], [sflag:$0x5], $0x80, s13, s22, $0xb8;
	[tilespmem:$0x1F800] =	vst v63  }
0x239: {  	_ =	swait.ge [sflag:s20], $0x4000  }
0x23a: {  	[sflag:s20] =	ssyncset.done $0x0  }
0x23b: {  	s16 =	simm.s32 $0x1E80;
	[sflag:s20] =	ssyncadd.s32 $0xFFFFC000  }
0x23c: {  	[tilespmem:s25], [sflag:$0x2] =	stream.indirect.gather [hbm4b:s1+s22], $0x80, s16, s22, $0xb8;
	[tilespmem:$0x1F800] =	vst v63  }
0x23d: {  	_ =	swait.ge [sflag:s26], $0x4000  }
0x23e: {  	[sflag:s26] =	ssyncset.done $0x0  }
0x23f: {  	[sflag:s26] =	ssyncadd.s32 $0xFFFFC000  }
0x240: {  	[spmem:s3] =	stream.indirect.scatter.add.f32 [tilespmem:s19], [sflag:$0x5], $0x80, s14, s22, $0xb8;
	[tilespmem:$0x1F800] =	vst v63  }
0x241: {  	_ =	swait.ge [sflag:s20], $0x4000  }
0x242: {  	[sflag:s20] =	ssyncset.done $0x0  }
0x243: {  	s30 =	simm.s32 $0x1F00;
	[sflag:s20] =	ssyncadd.s32 $0xFFFFC000  }
0x244: {  	[tilespmem:s19], [sflag:$0x1] =	stream.indirect.gather [hbm4b:s1+s22], $0x80, s30, s22, $0xb8;
	[tilespmem:$0x1F800] =	vst v63  }
0x245: {  	_ =	swait.ge [sflag:s29], $0x4000  }
0x246: {  	[sflag:s29] =	ssyncset.done $0x0  }
0x247: {  	[sflag:s29] =	ssyncadd.s32 $0xFFFFC000  }
0x248: {  	[spmem:s3] =	stream.indirect.scatter.add.f32 [tilespmem:s25], [sflag:$0x5], $0x80, s15, s22, $0xb8;
	[tilespmem:$0x1F800] =	vst v63  }
0x249: {  	_ =	swait.ge [sflag:s20], $0x4000  }
0x24a: {  	[sflag:s20] =	ssyncset.done $0x0  }
0x24b: {  	s16 =	simm.s32 $0x1F80;
	[sflag:s20] =	ssyncadd.s32 $0xFFFFC000  }
0x24c: {  	[tilespmem:s25], [sflag:$0x2] =	stream.indirect.gather [hbm4b:s1+s22], $0x80, s16, s22, $0xb8;
	[tilespmem:$0x1F800] =	vst v63  }
0x24d: {  	_ =	swait.ge [sflag:s26], $0x4000  }
0x24e: {  	[sflag:s26] =	ssyncset.done $0x0  }
0x24f: {  	[sflag:s26] =	ssyncadd.s32 $0xFFFFC000  }
0x250: {  	[spmem:s3] =	stream.indirect.scatter.add.f32 [tilespmem:s19], [sflag:$0x5], $0x80, s18, s22, $0xb8;
	[tilespmem:$0x1F800] =	vst v63  }
0x251: {  	_ =	swait.ge [sflag:s20], $0x4000  }
0x252: {  	[sflag:s20] =	ssyncset.done $0x0  }
0x253: {  	s30 =	simm.s32 $0x2000;
	[sflag:s20] =	ssyncadd.s32 $0xFFFFC000  }
0x254: {  	[tilespmem:s19], [sflag:$0x1] =	stream.indirect.gather [hbm4b:s1+s22], $0x80, s30, s22, $0xb8;
	[tilespmem:$0x1F800] =	vst v63  }
0x255: {  	_ =	swait.ge [sflag:s29], $0x4000  }
0x256: {  	[sflag:s29] =	ssyncset.done $0x0  }
0x257: {  	[sflag:s29] =	ssyncadd.s32 $0xFFFFC000  }
0x258: {  	[spmem:s3] =	stream.indirect.scatter.add.f32 [tilespmem:s25], [sflag:$0x5], $0x80, s21, s22, $0xb8;
	[tilespmem:$0x1F800] =	vst v63  }
0x259: {  	_ =	swait.ge [sflag:s20], $0x4000  }
0x25a: {  	[sflag:s20] =	ssyncset.done $0x0  }
0x25b: {  	[sflag:s20] =	ssyncadd.s32 $0xFFFFC000  }
0x25c: {  	_ =	swait.ge [sflag:s23], $0x800  }
0x25d: {  	[sflag:s23] =	ssyncset.done $0x0  }
0x25e: {  	s16 =	simm.s32 $0x2080;
	[sflag:s23] =	ssyncadd.s32 $0xFFFFF800  }
0x25f: {  	[tilespmem:s25], [sflag:$0x2] =	stream.indirect.gather [hbm4b:s1+s22], $0x80, s16, s22, $0xb8;
	[tilespmem:$0x1F800] =	vst v63  }
0x260: {  	_ =	swait.ge [sflag:s26], $0x4000  }
0x261: {  	[sflag:s26] =	ssyncset.done $0x0  }
0x262: {  	s2 =	simm.s32 $0x2800;
	[sflag:s26] =	ssyncadd.s32 $0xFFFFC000  }
0x263: {  	[spmem:s3] =	stream.indirect.scatter.add.f32 [tilespmem:s19], [sflag:$0x5], $0x80, s2, s22, $0xb8;
	[tilespmem:$0x1F800] =	vst v63  }
0x264: {  	_ =	swait.ge [sflag:s20], $0x4000  }
0x265: {  	[sflag:s20] =	ssyncset.done $0x0  }
0x266: {  	s21 =	simm.s32 $0x2100;
	[sflag:s20] =	ssyncadd.s32 $0xFFFFC000  }
0x267: {  	[tilespmem:s19], [sflag:$0x1] =	stream.indirect.gather [hbm4b:s1+s22], $0x80, s21, s22, $0xb8;
	[tilespmem:$0x1F800] =	vst v63  }
0x268: {  	_ =	swait.ge [sflag:s29], $0x4000  }
0x269: {  	[sflag:s29] =	ssyncset.done $0x0  }
0x26a: {  	s30 =	simm.s32 $0x2880;
	[sflag:s29] =	ssyncadd.s32 $0xFFFFC000  }
0x26b: {  	[spmem:s3] =	stream.indirect.scatter.add.f32 [tilespmem:s25], [sflag:$0x5], $0x80, s30, s22, $0xb8;
	[tilespmem:$0x1F800] =	vst v63  }
0x26c: {  	_ =	swait.ge [sflag:s20], $0x4000  }
0x26d: {  	[sflag:s20] =	ssyncset.done $0x0  }
0x26e: {  	s16 =	simm.s32 $0x2180;
	[sflag:s20] =	ssyncadd.s32 $0xFFFFC000  }
0x26f: {  	[tilespmem:s25], [sflag:$0x2] =	stream.indirect.gather [hbm4b:s1+s22], $0x80, s16, s22, $0xb8;
	[tilespmem:$0x1F800] =	vst v63  }
0x270: {  	_ =	swait.ge [sflag:s26], $0x4000  }
0x271: {  	[sflag:s26] =	ssyncset.done $0x0  }
0x272: {  	[sflag:s26] =	ssyncadd.s32 $0xFFFFC000  }
0x273: {  	[spmem:s3] =	stream.indirect.scatter.add.f32 [tilespmem:s19], [sflag:$0x5], $0x80, s31, s22, $0xb8;
	[tilespmem:$0x1F800] =	vst v63  }
0x274: {  	_ =	swait.ge [sflag:s20], $0x4000  }
0x275: {  	[sflag:s20] =	ssyncset.done $0x0  }
0x276: {  	s21 =	simm.s32 $0x2200;
	[sflag:s20] =	ssyncadd.s32 $0xFFFFC000  }
0x277: {  	[tilespmem:s19], [sflag:$0x1] =	stream.indirect.gather [hbm4b:s1+s22], $0x80, s21, s22, $0xb8;
	[tilespmem:$0x1F800] =	vst v63  }
0x278: {  	_ =	swait.ge [sflag:s29], $0x4000  }
0x279: {  	[sflag:s29] =	ssyncset.done $0x0  }
0x27a: {  	s30 =	simm.s32 $0x2980;
	[sflag:s29] =	ssyncadd.s32 $0xFFFFC000  }
0x27b: {  	[spmem:s3] =	stream.indirect.scatter.add.f32 [tilespmem:s25], [sflag:$0x5], $0x80, s30, s22, $0xb8;
	[tilespmem:$0x1F800] =	vst v63  }
0x27c: {  	_ =	swait.ge [sflag:s20], $0x4000  }
0x27d: {  	[sflag:s20] =	ssyncset.done $0x0  }
0x27e: {  	s16 =	simm.s32 $0x2280;
	[sflag:s20] =	ssyncadd.s32 $0xFFFFC000  }
0x27f: {  	[tilespmem:s25], [sflag:$0x2] =	stream.indirect.gather [hbm4b:s1+s22], $0x80, s16, s22, $0xb8;
	[tilespmem:$0x1F800] =	vst v63  }
0x280: {  	_ =	swait.ge [sflag:s26], $0x4000  }
0x281: {  	[sflag:s26] =	ssyncset.done $0x0  }
0x282: {  	s21 =	simm.s32 $0x2A00;
	[sflag:s26] =	ssyncadd.s32 $0xFFFFC000  }
0x283: {  	[spmem:s3] =	stream.indirect.scatter.add.f32 [tilespmem:s19], [sflag:$0x5], $0x80, s21, s22, $0xb8;
	[tilespmem:$0x1F800] =	vst v63  }
0x284: {  	_ =	swait.ge [sflag:s20], $0x4000  }
0x285: {  	[sflag:s20] =	ssyncset.done $0x0  }
0x286: {  	s30 =	simm.s32 $0x2300;
	[sflag:s20] =	ssyncadd.s32 $0xFFFFC000  }
0x287: {  	[tilespmem:s19], [sflag:$0x1] =	stream.indirect.gather [hbm4b:s1+s22], $0x80, s30, s22, $0xb8;
	[tilespmem:$0x1F800] =	vst v63  }
0x288: {  	_ =	swait.ge [sflag:s29], $0x4000  }
0x289: {  	[sflag:s29] =	ssyncset.done $0x0  }
0x28a: {  	s16 =	simm.s32 $0x2A80;
	[sflag:s29] =	ssyncadd.s32 $0xFFFFC000  }
0x28b: {  	[spmem:s3] =	stream.indirect.scatter.add.f32 [tilespmem:s25], [sflag:$0x5], $0x80, s16, s22, $0xb8;
	[tilespmem:$0x1F800] =	vst v63  }
0x28c: {  	_ =	swait.ge [sflag:s20], $0x4000  }
0x28d: {  	[sflag:s20] =	ssyncset.done $0x0  }
0x28e: {  	s21 =	simm.s32 $0x2380;
	[sflag:s20] =	ssyncadd.s32 $0xFFFFC000  }
0x28f: {  	[tilespmem:s25], [sflag:$0x2] =	stream.indirect.gather [hbm4b:s1+s22], $0x80, s21, s22, $0xb8;
	[tilespmem:$0x1F800] =	vst v63  }
0x290: {  	_ =	swait.ge [sflag:s26], $0x4000  }
0x291: {  	[sflag:s26] =	ssyncset.done $0x0  }
0x292: {  	s30 =	simm.s32 $0x2B00;
	[sflag:s26] =	ssyncadd.s32 $0xFFFFC000  }
0x293: {  	[spmem:s3] =	stream.indirect.scatter.add.f32 [tilespmem:s19], [sflag:$0x5], $0x80, s30, s22, $0xb8;
	[tilespmem:$0x1F800] =	vst v63  }
0x294: {  	_ =	swait.ge [sflag:s20], $0x4000  }
0x295: {  	[sflag:s20] =	ssyncset.done $0x0  }
0x296: {  	s16 =	simm.s32 $0x2400;
	[sflag:s20] =	ssyncadd.s32 $0xFFFFC000  }
0x297: {  	[tilespmem:s19], [sflag:$0x1] =	stream.indirect.gather [hbm4b:s1+s22], $0x80, s16, s22, $0xb8;
	[tilespmem:$0x1F800] =	vst v63  }
0x298: {  	_ =	swait.ge [sflag:s29], $0x4000  }
0x299: {  	[sflag:s29] =	ssyncset.done $0x0  }
0x29a: {  	s21 =	simm.s32 $0x2B80;
	[sflag:s29] =	ssyncadd.s32 $0xFFFFC000  }
0x29b: {  	[spmem:s3] =	stream.indirect.scatter.add.f32 [tilespmem:s25], [sflag:$0x5], $0x80, s21, s22, $0xb8;
	[tilespmem:$0x1F800] =	vst v63  }
0x29c: {  	_ =	swait.ge [sflag:s20], $0x4000  }
0x29d: {  	[sflag:s20] =	ssyncset.done $0x0  }
0x29e: {  	s30 =	simm.s32 $0x2480;
	[sflag:s20] =	ssyncadd.s32 $0xFFFFC000  }
0x29f: {  	[tilespmem:s25], [sflag:$0x2] =	stream.indirect.gather [hbm4b:s1+s22], $0x80, s30, s22, $0xb8;
	[tilespmem:$0x1F800] =	vst v63  }
0x2a0: {  	_ =	swait.ge [sflag:s26], $0x4000  }
0x2a1: {  	[sflag:s26] =	ssyncset.done $0x0  }
0x2a2: {  	s16 =	simm.s32 $0x2C00;
	[sflag:s26] =	ssyncadd.s32 $0xFFFFC000  }
0x2a3: {  	[spmem:s3] =	stream.indirect.scatter.add.f32 [tilespmem:s19], [sflag:$0x5], $0x80, s16, s22, $0xb8;
	[tilespmem:$0x1F800] =	vst v63  }
0x2a4: {  	_ =	swait.ge [sflag:s20], $0x4000  }
0x2a5: {  	[sflag:s20] =	ssyncset.done $0x0  }
0x2a6: {  	s21 =	simm.s32 $0x2500;
	[sflag:s20] =	ssyncadd.s32 $0xFFFFC000  }
0x2a7: {  	[tilespmem:s19], [sflag:$0x1] =	stream.indirect.gather [hbm4b:s1+s22], $0x80, s21, s22, $0xb8;
	[tilespmem:$0x1F800] =	vst v63  }
0x2a8: {  	_ =	swait.ge [sflag:s29], $0x4000  }
0x2a9: {  	[sflag:s29] =	ssyncset.done $0x0  }
0x2aa: {  	s30 =	simm.s32 $0x2C80;
	[sflag:s29] =	ssyncadd.s32 $0xFFFFC000  }
0x2ab: {  	[spmem:s3] =	stream.indirect.scatter.add.f32 [tilespmem:s25], [sflag:$0x5], $0x80, s30, s22, $0xb8;
	[tilespmem:$0x1F800] =	vst v63  }
0x2ac: {  	_ =	swait.ge [sflag:s20], $0x4000  }
0x2ad: {  	[sflag:s20] =	ssyncset.done $0x0  }
0x2ae: {  	s16 =	simm.s32 $0x2580;
	[sflag:s20] =	ssyncadd.s32 $0xFFFFC000  }
0x2af: {  	[tilespmem:s25], [sflag:$0x2] =	stream.indirect.gather [hbm4b:s1+s22], $0x80, s16, s22, $0xb8;
	[tilespmem:$0x1F800] =	vst v63  }
0x2b0: {  	_ =	swait.ge [sflag:s26], $0x4000  }
0x2b1: {  	[sflag:s26] =	ssyncset.done $0x0  }
0x2b2: {  	s21 =	simm.s32 $0x2D00;
	[sflag:s26] =	ssyncadd.s32 $0xFFFFC000  }
0x2b3: {  	[spmem:s3] =	stream.indirect.scatter.add.f32 [tilespmem:s19], [sflag:$0x5], $0x80, s21, s22, $0xb8;
	[tilespmem:$0x1F800] =	vst v63  }
0x2b4: {  	_ =	swait.ge [sflag:s20], $0x4000  }
0x2b5: {  	[sflag:s20] =	ssyncset.done $0x0  }
0x2b6: {  	s30 =	simm.s32 $0x2600;
	[sflag:s20] =	ssyncadd.s32 $0xFFFFC000  }
0x2b7: {  	[tilespmem:s19], [sflag:$0x1] =	stream.indirect.gather [hbm4b:s1+s22], $0x80, s30, s22, $0xb8;
	[tilespmem:$0x1F800] =	vst v63  }
0x2b8: {  	_ =	swait.ge [sflag:s29], $0x4000  }
0x2b9: {  	[sflag:s29] =	ssyncset.done $0x0  }
0x2ba: {  	s16 =	simm.s32 $0x2D80;
	[sflag:s29] =	ssyncadd.s32 $0xFFFFC000  }
0x2bb: {  	[spmem:s3] =	stream.indirect.scatter.add.f32 [tilespmem:s25], [sflag:$0x5], $0x80, s16, s22, $0xb8;
	[tilespmem:$0x1F800] =	vst v63  }
0x2bc: {  	_ =	swait.ge [sflag:s20], $0x4000  }
0x2bd: {  	[sflag:s20] =	ssyncset.done $0x0  }
0x2be: {  	s21 =	simm.s32 $0x2680;
	[sflag:s20] =	ssyncadd.s32 $0xFFFFC000  }
0x2bf: {  	[tilespmem:s25], [sflag:$0x2] =	stream.indirect.gather [hbm4b:s1+s22], $0x80, s21, s22, $0xb8;
	[tilespmem:$0x1F800] =	vst v63  }
0x2c0: {  	_ =	swait.ge [sflag:s26], $0x4000  }
0x2c1: {  	[sflag:s26] =	ssyncset.done $0x0  }
0x2c2: {  	s30 =	simm.s32 $0x2E00;
	[sflag:s26] =	ssyncadd.s32 $0xFFFFC000  }
0x2c3: {  	[spmem:s3] =	stream.indirect.scatter.add.f32 [tilespmem:s19], [sflag:$0x5], $0x80, s30, s22, $0xb8;
	[tilespmem:$0x1F800] =	vst v63  }
0x2c4: {  	_ =	swait.ge [sflag:s20], $0x4000  }
0x2c5: {  	[sflag:s20] =	ssyncset.done $0x0  }
0x2c6: {  	s16 =	simm.s32 $0x2700;
	[sflag:s20] =	ssyncadd.s32 $0xFFFFC000  }
0x2c7: {  	[tilespmem:s19], [sflag:$0x1] =	stream.indirect.gather [hbm4b:s1+s22], $0x80, s16, s22, $0xb8;
	[tilespmem:$0x1F800] =	vst v63  }
0x2c8: {  	_ =	swait.ge [sflag:s29], $0x4000  }
0x2c9: {  	[sflag:s29] =	ssyncset.done $0x0  }
0x2ca: {  	s21 =	simm.s32 $0x2E80;
	[sflag:s29] =	ssyncadd.s32 $0xFFFFC000  }
0x2cb: {  	[spmem:s3] =	stream.indirect.scatter.add.f32 [tilespmem:s25], [sflag:$0x5], $0x80, s21, s22, $0xb8;
	[tilespmem:$0x1F800] =	vst v63  }
0x2cc: {  	_ =	swait.ge [sflag:s20], $0x4000  }
0x2cd: {  	[sflag:s20] =	ssyncset.done $0x0  }
0x2ce: {  	s30 =	simm.s32 $0x2780;
	[sflag:s20] =	ssyncadd.s32 $0xFFFFC000  }
0x2cf: {  	[tilespmem:s25], [sflag:$0x2] =	stream.indirect.gather [hbm4b:s1+s22], $0x80, s30, s22, $0xb8;
	[tilespmem:$0x1F800] =	vst v63  }
0x2d0: {  	_ =	swait.ge [sflag:s26], $0x4000  }
0x2d1: {  	[sflag:s26] =	ssyncset.done $0x0  }
0x2d2: {  	s16 =	simm.s32 $0x2F00;
	[sflag:s26] =	ssyncadd.s32 $0xFFFFC000  }
0x2d3: {  	[spmem:s3] =	stream.indirect.scatter.add.f32 [tilespmem:s19], [sflag:$0x5], $0x80, s16, s22, $0xb8;
	[tilespmem:$0x1F800] =	vst v63  }
0x2d4: {  	_ =	swait.ge [sflag:s20], $0x4000  }
0x2d5: {  	[sflag:s20] =	ssyncset.done $0x0  }
0x2d6: {  	[sflag:s20] =	ssyncadd.s32 $0xFFFFC000  }
0x2d7: {  	[tilespmem:s19], [sflag:$0x1] =	stream.indirect.gather [hbm4b:s1+s22], $0x80, s24, s22, $0xb8;
	[tilespmem:$0x1F800] =	vst v63  }
0x2d8: {  	_ =	swait.ge [sflag:s29], $0x4000  }
0x2d9: {  	[sflag:s29] =	ssyncset.done $0x0  }
0x2da: {  	s21 =	simm.s32 $0x2F80;
	[sflag:s29] =	ssyncadd.s32 $0xFFFFC000  }
0x2db: {  	[spmem:s3] =	stream.indirect.scatter.add.f32 [tilespmem:s25], [sflag:$0x5], $0x80, s21, s22, $0xb8;
	[tilespmem:$0x1F800] =	vst v63  }
0x2dc: {  	_ =	swait.ge [sflag:s20], $0x4000  }
0x2dd: {  	[sflag:s20] =	ssyncset.done $0x0  }
0x2de: {  	[sflag:s20] =	ssyncadd.s32 $0xFFFFC000  }
0x2df: {  	_ =	swait.ge [sflag:s26], $0x4000  }
0x2e0: {  	[sflag:s26] =	ssyncset.done $0x0  }
0x2e1: {  	s30 =	stileid.u32;
	[sflag:s26] =	ssyncadd.s32 $0xFFFFC000  }
0x2e2: {  	s16 =	sshll.u32 s30, $0x6;
	[bflag:$0x0] =	sbarrier.arrive $0xFFFF  }
0x2e3: {  	s0 =	sshrl.u32 s28, $0x3;
	s16 =	sor.u32 $0x1C05, s16;
	s28 =	rddreg [dreg:$0xa]  }
0x2e4: {  	[hbm:s28], [sflag:s16] =	dma.local [spmem:s0], $0x2800  }
0x2e5: {  	_ =	swait.ge [sflag:s20], $0x2800  }
0x2e6: {  	s17 =	sadd.s32 $0x1, s17;
	s30 =	rddreg [dreg:$0xb]  }
0x2e7: {  	p0 =	sne.s32 s17, s30  }
.Ltmp1:
0x2e8: {  	_ = 	snop;
	(pc) =	sbr.rel @p0 .LBB2_1-.Ltmp1, $3  }
0x2e9: {  	_ =	sdelay $0x1  }
0x2ea: {  	[sflag:s20] =	ssyncset.done $0x0  }
0x2eb: {  	[sflag:s20] =	ssyncadd.s32 $0xFFFFD800  }
0x2ec: {  	_ =	sfence.sel $0x180000  }
0x2ed: {  	[bflag:$0x0] =	sbarrier.arrive $0xFFFF  }
0x2ee: {  	_ =	strace $0x90000047  }
0x2ef: {  	s0 =	stileid.u32;
	[bflag:$0x2] =	sbarrier.arrive $0xFFFF  }
0x2f0: {  	p0 =	sne.s32 s0, $0x0;
	s0 =	rddreg [dreg:$0x3]  }
0x2f1: {  	s0 =	sadd.s32 @!p0 $0x100000, s0  }
0x2f2: {  	[sflag:s0] =	ssyncadd.tile.s32 @!p0 $0x1;
	_ =	shalt  }
.Lfunc_end2:
_tile_overlayer_lowered:
.L_overlay_start_2:
0x2f3: {  	(tag) =	ssettag $0x2  }
0x2f4: {  	s0 =	rddreg [dreg:$0x0];
	s2 =	stileid.u32  }
0x2f5: {  	s1 =	rddreg [dreg:$0x1];
	p0 =	sne.s32 s2, $0x0  }
0x2f6: {  	s3 =	rddreg [dreg:$0x2];
	[bflag:$0x3] =	sbarrier.arrive $0xFFFF;
	s2 =	simm.s32 @!p0 $0x1C05  }
0x2f7: {  	[timem:s3], [sflag:s2] =	dma.local @!p0 [hbm:s0], s1  }
0x2f8: {  	s0 =	simm.s32 @!p0 $0x5  }
0x2f9: {  	_ =	swait.ge @!p0 [sflag:s0], s1  }
0x2fa: {  	s1 =	ssub.s32 @!p0 $0x0, s1;
	[sflag:s0] =	ssyncset.done @!p0 $0x0  }
0x2fb: {  	[sflag:s0] =	ssyncadd.s32 @!p0 s1  }
0x2fc: {  	[bflag:$0x3] =	sbarrier.arrive $0xFFFF  }
0x2fd: {  	_ =	shalt  }

// kernel: kernel.9.cloned.1.call-start
scs
__scs_entry_jumppad:
0x0: {  	(pc) =	sbr.rel $0x88, $3  }
0x1: {  	(tag) =	ssettag $0x0;
	lr =	simm.s32 $0x1  }
0x2: {  	[smem:$0x3F99] =	sst lr;
	_ =	strace $0xD0000000  }
0x3: {  	_ = 	snop  }
0x4: {  	_ = 	snop  }
0x5: {  	_ = 	snop  }
0x6: {  	_ = 	snop  }
0x7: {  	_ = 	snop  }
__scs_overlays_trampoline_lowered:
0x8: {  	[smem:$0x3FA8] =	sst s0  }
0x9: {  	[smem:$0x3FA9] =	sst s1  }
0xa: {  	[smem:$0x3FAA] =	sst s2  }
0xb: {  	[smem:$0x3FAB] =	sst s3  }
0xc: {  	[smem:$0x3FAC] =	sst s4  }
0xd: {  	[smem:$0x3FAD] =	sst s5  }
0xe: {  	[smem:$0x3FAE] =	sst s6  }
0xf: {  	[smem:$0x3FAF] =	sst s7  }
0x10: {  	[smem:$0x3FB0] =	sst s8  }
0x11: {  	[smem:$0x3FB1] =	sst s9;
	s0 =	simm.s32 @!p0 $0x0  }
0x12: {  	s1 =	sld [smem:$0x3F97];
	s0 =	simm.s32 @p0 $0x1  }
0x13: {  	[smem:$0x3FB2] =	sst s0;
	s0 =	simm.s32 @!p1 $0x0  }
0x14: {  	s2 =	sld [smem:$0x3F96];
	s0 =	simm.s32 @p1 $0x1  }
0x15: {  	[smem:$0x3FB3] =	sst s0;
	s0 =	simm.s32 @!p2 $0x0  }
0x16: {  	s3 =	sld [smem:$0x3FDB];
	s0 =	simm.s32 @p2 $0x1  }
0x17: {  	s4 =	simm.s32 $0x1BF5;
	[smem:$0x3FB5] =	sst s0  }
0x18: {  	s0 =	sld [smem:$0x3F98];
	_ =	swait.ge [sflag:s4], $0x0  }
0x19: {  	s7 =	sld [smem:$0x3F99]  }
0x1a: {  	s8 =	sadd.s32 $0xFFFFE003, lr  }
0x1b: {  	s9 =	sadd.s32 $0xFFFFFEF7, lr;
	s5 =	simm.s32 $0xFFFFFFFF;
	p2 =	slt.u32 s8, $0xFFFFF086  }
0x1c: {  	p1 =	slt.u32 s9, $0xF7A;
	s5 =	simm.s32 @!p2 $0x0  }
0x1d: {  	s5 =	simm.s32 @p1 $0x1;
	p0 =	seq.s32 s7, s2  }
0x1e: {  	s7 =	smul.u32 @!p0 $0xF7A, s2;
	p2 =	seq.s32 @!p0 s5, $0x0  }
0x1f: {  	s9 =	smul.u32 $0xF7A, s1;
	s8 =	simm.s32 @!p0 $0x1BF5;
	p2 =	por !p2, p0  }
0x20: {  	[sflag:s8] =	ssyncset.s32 @!p0 $0xFFFFF086;
	s6 =	sadd.s32 @!p0 s3, s7;
	s7 =	simm.s32 @!p0 $0x108  }
0x21: {  	s3 =	sadd.s32 s3, s9;
	s6 =	sadd.s32 @!p0 $0x88, s6;
	s7 =	simm.s32 @p2 $0x1082  }
0x22: {  	[simem:s7], [sflag:s8] =	dma.local @!p0 [hbm:s6], $0xF7A  }
0x23: {  	s9 =	sor.u32 $0xD0000000, s2;
	s6 =	simm.s32 $0x108;
	_ =	swait.ge @!p0 [sflag:s8], $0x0  }
0x24: {  	s3 =	sadd.s32 $0x88, s3;
	s6 =	simm.s32 @!p1 $0x1082;
	[sflag:s4] =	ssyncset.s32 $0xFFFFF086  }
0x25: {  	[simem:s6], [sflag:s4] =	dma.local [hbm:s3], $0xF7A  }
0x26: {  	[smem:$0x3F99] =	sst s1;
	(tag) =	ssettag s2;
	_ =	strace s9  }
0x27: {  	s1 =	sld [smem:$0x3FA9]  }
0x28: {  	s2 =	sld [smem:$0x3FAA]  }
0x29: {  	s4 =	sld [smem:$0x3FAC]  }
0x2a: {  	p0 =	seq.s32 s5, $0x0;
	s5 =	sld [smem:$0x3FAD]  }
0x2b: {  	s6 =	sld [smem:$0x3FAE]  }
0x2c: {  	s7 =	sld [smem:$0x3FAF]  }
0x2d: {  	s3 =	simm.s32 $0x108;
	s8 =	sld [smem:$0x3FB0]  }
0x2e: {  	s3 =	simm.s32 @!p0 $0x1082;
	s9 =	sld [smem:$0x3FB1]  }
0x2f: {  	lr =	sadd.s32 s0, s3;
	s0 =	sld [smem:$0x3FA8]  }
0x30: {  	s3 =	sld [smem:$0x3FAB]  }
0x31: {  	[smem:$0x3FB4] =	sst s10  }
0x32: {  	s10 =	sld [smem:$0x3FB2];
	_ =	sdelay $0x3  }
0x33: {  	p0 =	seq.s32 s10, $0x1;
	s10 =	sld [smem:$0x3FB4];
	_ =	sdelay $0x3  }
0x34: {  	[smem:$0x3FB4] =	sst s10  }
0x35: {  	s10 =	sld [smem:$0x3FB3];
	_ =	sdelay $0x3  }
0x36: {  	p1 =	seq.s32 s10, $0x1;
	s10 =	sld [smem:$0x3FB4];
	_ =	sdelay $0x3  }
0x37: {  	[smem:$0x3FB4] =	sst s10  }
0x38: {  	s10 =	sld [smem:$0x3FB5]  }
0x39: {  	_ = 	snop;
	(pc) =	sbr.ind lr, $3  }
0x3a: {  	_ = 	snop  }
0x3b: {  	_ = 	snop  }
0x3c: {  	p2 =	seq.s32 s10, $0x1;
	s10 =	sld [smem:$0x3FB4]  }
0x3d: {  	_ =	shalt  }
0x3e: {  	_ =	shalt  }
0x3f: {  	_ =	shalt  }
0x40: {  	_ =	shalt  }
0x41: {  	_ =	shalt  }
0x42: {  	_ =	shalt  }
0x43: {  	_ =	shalt  }
0x44: {  	_ =	shalt  }
0x45: {  	_ =	shalt  }
0x46: {  	_ =	shalt  }
0x47: {  	_ =	shalt  }
0x48: {  	_ =	shalt  }
0x49: {  	_ =	shalt  }
0x4a: {  	_ =	shalt  }
0x4b: {  	_ =	shalt  }
0x4c: {  	_ =	shalt  }
0x4d: {  	_ =	shalt  }
0x4e: {  	_ =	shalt  }
0x4f: {  	_ =	shalt  }
0x50: {  	_ =	shalt  }
0x51: {  	_ =	shalt  }
0x52: {  	_ =	shalt  }
0x53: {  	_ =	shalt  }
0x54: {  	_ =	shalt  }
0x55: {  	_ =	shalt  }
0x56: {  	_ =	shalt  }
0x57: {  	_ =	shalt  }
0x58: {  	_ =	shalt  }
0x59: {  	_ =	shalt  }
0x5a: {  	_ =	shalt  }
0x5b: {  	_ =	shalt  }
0x5c: {  	_ =	shalt  }
0x5d: {  	_ =	shalt  }
0x5e: {  	_ =	shalt  }
0x5f: {  	_ =	shalt  }
0x60: {  	_ =	shalt  }
0x61: {  	_ =	shalt  }
0x62: {  	_ =	shalt  }
0x63: {  	_ =	shalt  }
0x64: {  	_ =	shalt  }
0x65: {  	_ =	shalt  }
0x66: {  	_ =	shalt  }
0x67: {  	_ =	shalt  }
0x68: {  	_ =	shalt  }
0x69: {  	_ =	shalt  }
0x6a: {  	_ =	shalt  }
0x6b: {  	_ =	shalt  }
0x6c: {  	_ =	shalt  }
0x6d: {  	_ =	shalt  }
0x6e: {  	_ =	shalt  }
0x6f: {  	_ =	shalt  }
0x70: {  	_ =	shalt  }
0x71: {  	_ =	shalt  }
0x72: {  	_ =	shalt  }
0x73: {  	_ =	shalt  }
0x74: {  	_ =	shalt  }
0x75: {  	_ =	shalt  }
0x76: {  	_ =	shalt  }
0x77: {  	_ =	shalt  }
0x78: {  	_ =	shalt  }
0x79: {  	_ =	shalt  }
0x7a: {  	_ =	shalt  }
0x7b: {  	_ =	shalt  }
0x7c: {  	_ =	shalt  }
0x7d: {  	_ =	shalt  }
0x7e: {  	_ =	shalt  }
0x7f: {  	_ =	shalt  }
0x80: {  	_ =	shalt  }
0x81: {  	_ =	shalt  }
0x82: {  	_ =	shalt  }
0x83: {  	_ =	shalt  }
0x84: {  	_ =	shalt  }
0x85: {  	_ =	shalt  }
0x86: {  	_ =	shalt  }
0x87: {  	_ =	shalt  }
.Lfunc_end0:
.L_simem_size_0:
called_computation.1_lowered:
.L_overlay_start_0:
0x88: {  	s2 =	sld [smem:$0x3FD9]  }
0x89: {  	s3 =	sld [smem:$0x3FFE];
	_ =	sdelay $0x1  }
0x8a: {  	s1 =	srdreg.scid  }
0x8b: {  	s0 =	sand.u32 $0x1, s1  }
0x8c: {  	s16 =	sshll.u32 s0, $0xA;
	s2 =	sadd.s32 s3, s2  }
0x8d: {  	s2 =	sadd.s32 s2, s16  }
0x8e: {  	[smem:$0x3FC0] =	sst s2  }
0x8f: {  	_ = 	snop  }
0x90: {  	(tm) =	ssettm $0x1  }
0x91: {  	s17 =	sld [smem:$0x3FFB];
	_ =	sdelay $0x3  }
0x92: {  	_ =	strace s17  }
0x93: {  	s2 =	sld [smem:$0x3FFC];
	_ =	sdelay $0x3  }
0x94: {  	_ =	strace s2  }
0x95: {  	s2 =	sld [smem:$0x3FFD];
	_ =	sdelay $0x3  }
0x96: {  	_ =	strace s2  }
0x97: {  	_ =	strace $0x8FFFFFFF  }
0x98: {  	s18 =	sld [smem:$0x3FDB];
	_ =	sdelay $0x1  }
0x99: {  	s19 =	simm.s32 $_scs_section_size  }
0x9a: {  	s4 =	simm.s32 $_size__tile_overlayer_lowered;
	s5 =	simm.s32 $_tile_overlayer_lowered  }
0x9b: {  	s22 =	simm.s32 $0x1BFF;
	s21 =	sshll.u32 s5, $0x1;
	s2 =	sadd.s32 s19, s18  }
0x9c: {  	s6 =	simm.s32 $0x0;
	s20 =	sshll.u32 s4, $0x1;
	s4 =	sadd.s32 s21, s2  }
0x9d: {  	[timem:s6], [sflag:s22] =	dma.local [hbm:s4], s20  }
0x9e: {  	_ =	swait.ge [sflag:s22], s20  }
0x9f: {  	s3 =	ssub.s32 $0x0, s20;
	[sflag:s22] =	ssyncset.done $0x0  }
0xa0: {  	[sflag:s22] =	ssyncadd.s32 s3;
	_ =	sdelay $0x1  }
0xa1: {  	s23 =	simm.s32 $0x1B8B  }
0xa2: {  	_ =	swait.ge [sflag:s23], $0x1  }
0xa3: {  	[sflag:s23] =	ssyncset.done $0x0  }
0xa4: {  	s25 =	simm.s32 $0x1B8E;
	s24 =	sld [smem:$0x3FFE];
	[sflag:s23] =	ssyncadd.s32 $0xFFFFFFFF  }
0xa5: {  	s26 =	simm.s32 $execute0_lowered;
	[smem:$0x3FD2] =	sst s25  }
0xa6: {  	s4 =	sshll.u32 s26, $0x1;
	_ =	strace $0x80000049;
	[dreg:$0x1] =	wrdreg $0xFFFFFFFF  }
0xa7: {  	s28 =	simm.s32 $_size_execute0_lowered;
	s2 =	sadd.s32 s2, s4;
	[dreg:$0x0] =	wrdreg $0x0  }
0xa8: {  	s4 =	sshll.u32 s28, $0x1;
	[dreg:$0x2] =	wrdreg s2  }
0xa9: {  	[dreg:$0x3] =	wrdreg s4  }
0xaa: {  	[dreg:$0x4] =	wrdreg $0xC0  }
0xab: {  	_ =	task [dreg:s6], $0x5FFFF  }
0xac: {  	[dreg:$0x1] =	wrdreg $0xFFFFFFFF  }
0xad: {  	[dreg:$0x0] =	wrdreg $0x60  }
0xae: {  	[dreg:$0x2] =	wrdreg s24  }
0xaf: {  	[dreg:$0x3] =	wrdreg $0xB8000  }
0xb0: {  	[dreg:$0x4] =	wrdreg $0x9  }
0xb1: {  	_ =	task.clear_ibuf [dreg:s6], $0x5FFFF;
	_ =	strace $0x90000049  }
0xb2: {  	s29 =	simm.s32 $0x9;
	_ =	strace $0x8000004B  }
0xb3: {  	_ =	swait.ge [sflag:s29], $0x1  }
0xb4: {  	[sflag:s29] =	ssyncadd.s32 $0xFFFFFFFF  }
0xb5: {  	_ =	strace $0x9000004B  }
0xb6: {  	_ =	sfence  }
0xb7: {  	s30 =	sld [smem:$0x0];
	_ =	sdelay $0x2  }
0xb8: {  	s31 =	sshll.u32 s1, $0xD;
	s1 =	sshrl.u32 s1, $0x2  }
0xb9: {  	s3 =	sand.u32 $0x4000, s31;
	s1 =	sadd.s32 s1, s30  }
0xba: {  	s0 =	sor.u32 s3, s0;
	s1 =	sshll.u32 s1, $0x11  }
0xbb: {  	s0 =	sor.u32 s1, s0  }
0xbc: {  	s0 =	sadd.s32 $0x8F2B, s0  }
0xbd: {  	[sflag:s0] =	ssyncadd.remote.s32 $0x1  }
0xbe: {  	_ =	sfence.sel $0xFFFF  }
0xbf: {  	[dreg:$0x0] =	wrdreg $0xFFFFFFFF;
	(pc) =	sbr.abs _section_cstart, $3  }
0xc0: {  	[dreg:$0x1] =	wrdreg $0xFFFFFFFF  }
0xc1: {  	_ =	task.clear_ibuf [dreg:s6], $0x2FFFF;
	_ =	strace $0x9FFFFFFF  }
0xc2: {  	(tm) =	ssettm $0x7FFFFFFF  }
0xc3: {  	_ =	shalt  }
tec
execute0_lowered:
.L_overlay_start_1:
0x0: {  	(tag) =	ssettag $0x1  }
0x1: {  	s0 =	srdreg.scid;
	s3 =	rddreg [dreg:$0x0]  }
0x2: {  	s9 =	stileid.u32;
	s2 =	rddreg [dreg:$0x1]  }
0x3: {  	s24 =	simm.s32 $0x0;
	s29 =	simm.s32 $0x2;
	s31 =	simm.s32 $0x2900  }
0x4: {  	s11 =	simm.s32 $0x3480;
	s12 =	simm.s32 $0x3500;
	s13 =	simm.s32 $0x3580  }
0x5: {  	s14 =	simm.s32 $0x3600;
	s0 =	sand.u32 $0x1, s0;
	s5 =	smul.u32 $0x14000, s9  }
0x6: {  	s1 =	sshll.u32 s9, $0x1;
	[smem:$0x7FF] =	sst s24;
	s16 =	smul.u32 $0x50000, s9  }
0x7: {  	s4 =	sadd.s32 $0x14E00, s3;
	s1 =	sor.u32 s0, s1;
	s7 =	smul.u32 $0x140000, s0  }
0x8: {  	s10 =	sadd.s32 $0xAE00, s3;
	s0 =	ssub.s32 $0x2, s0;
	s6 =	smul.u32 $0x500, s1  }
0x9: {  	_ =	strace $0x8000004A;
	s17 =	sshrl.u32 s0, $0x1;
	s1 =	smul.u32 $0x2800, s1  }
0xa: {  	s19 =	sshrl.u32 s16, $0x2;
	s7 =	sadd.s32 s5, s7;
	s0 =	ssub.s32 s0, s17  }
0xb: {  	s8 =	sadd.s32 s6, s3;
	s7 =	sshrl.u32 s7, $0x3;
	s6 =	sadd.s32 s10, s6  }
0xc: {  	s1 =	sshrl.u32 s1, $0x3;
	s0 =	smax.u32 s0, $0x1;
	[dreg:$0x4] =	wrdreg s6  }
0xd: {  	s3 =	sadd.s32 s7, s3;
	s18 =	sadd.s32 $0xE00, s8;
	[dreg:$0xa] =	wrdreg s0  }
0xe: {  	s7 =	sadd.s32 s19, s2;
	s1 =	sadd.s32 s10, s1;
	[dreg:$0x3] =	wrdreg s18  }
0xf: {  	s15 =	simm.s32 $0x3680;
	s20 =	sadd.s32 $0x100, s1;
	[dreg:$0xf] =	wrdreg s7  }
0x10: {  	s9 =	simm.s32 $0x3380;
	s21 =	sadd.s32 $0x200, s1;
	[dreg:$0x5] =	wrdreg s20  }
0x11: {  	s17 =	simm.s32 $0x0;
	s22 =	sadd.s32 $0x300, s1;
	[dreg:$0x6] =	wrdreg s21  }
0x12: {  	s5 =	simm.s32 $0x3200;
	s1 =	sadd.s32 $0x400, s1;
	[dreg:$0x7] =	wrdreg s22  }
0x13: {  	s19 =	simm.s32 $0x3800;
	s23 =	sadd.s32 $0x3CE00, s3;
	[dreg:$0x8] =	wrdreg s1  }
0x14: {  	s6 =	simm.s32 $0x3280;
	s25 =	sadd.s32 $0x4000, s7;
	[dreg:$0x9] =	wrdreg s23  }
0x15: {  	s8 =	simm.s32 $0x3300;
	s26 =	sadd.s32 $0x8000, s7;
	[dreg:$0xb] =	wrdreg s25  }
0x16: {  	s10 =	simm.s32 $0x3400;
	s28 =	sadd.s32 $0xC000, s7;
	[dreg:$0xc] =	wrdreg s26  }
0x17: {  	s30 =	sadd.s32 $0x10000, s7;
	s7 =	simm.s32 $0x3000;
	[dreg:$0xd] =	wrdreg s28  }
0x18: {  	s3 =	simm.s32 $0x3180;
	s18 =	simm.s32 $0x3700;
	[dreg:$0xe] =	wrdreg s30  }
0x19: {  	s1 =	simm.s32 $0x2800;
	s20 =	simm.s32 $0x5;
	s22 =	simm.s32 $0x80  }
0x1a: {  	v0 =	vimm.f32 $0.0e+00;
	s23 =	simm.s32 $0x4;
	s25 =	simm.s32 $0x7800;
	s26 =	simm.s32 $0x1  }
.LBB2_1:
0x1b: {  	s16 =	rddreg [dreg:$0x3]  }
0x1c: {  	[tilespmem:s24], [sflag:$0x3] =	stream.linear.gather [hbm4b:s16+s24], $0x2800, $0x38;
	[tilespmem:$0x1F800] =	vst v63  }
0x1d: {  	s30 =	rddreg [dreg:$0x4];
	s21 =	simm.s32 $0x200;
	s16 =	simm.s32 $0x0  }
0x1e: {  	[tilespmem:s1], [sflag:$0x4] =	stream.linear.gather [hbm4b:s30+s24], $0x800, $0x38;
	[tilespmem:$0x1F800] =	vst v63  }
.LBB2_2:
0x1f: {  	p0 =	sne.s32 s21, $0xFE00;
	[tilespmem:s16+$0x3870] =	vst v0  }
0x20: {  	[tilespmem:s16+$0x3800] =	vst v0  }
0x21: {  	[tilespmem:s16+$0x3810] =	vst v0  }
.Ltmp0:
0x22: {  	[tilespmem:s16+$0x3820] =	vst v0;
	(pc) =	sbr.rel @p0 .LBB2_2-.Ltmp0, $4  }
0x23: {  	[tilespmem:s16+$0x3830] =	vst v0  }
0x24: {  	[tilespmem:s16+$0x3840] =	vst v0  }
0x25: {  	[tilespmem:s16+$0x3850] =	vst v0  }
0x26: {  	[tilespmem:s16+$0x3860] =	vst v0;
	s16 =	sshra.s32 s21, $0x2;
	s21 =	sadd.s32 $0x200, s21  }
0x27: {  	[tilespmem:s16+$0x3870] =	vst v0  }
0x28: {  	[tilespmem:s16+$0x3800] =	vst v0  }
0x29: {  	[tilespmem:s16+$0x3810] =	vst v0  }
0x2a: {  	[tilespmem:s16+$0x3820] =	vst v0  }
0x2b: {  	[tilespmem:s16+$0x3830] =	vst v0  }
0x2c: {  	[tilespmem:s16+$0x3840] =	vst v0  }
0x2d: {  	[tilespmem:s16+$0x3850] =	vst v0  }
0x2e: {  	[tilespmem:s16+$0x3860] =	vst v0;
	s28 =	rddreg [dreg:$0xf]  }
0x2f: {  	[spmem:s28] =	stream.linear.scatter [tilespmem:s19], [sflag:$0x5], $0x4000, $0x38;
	[tilespmem:$0x1F800] =	vst v63  }
0x30: {  	_ =	swait.ge [sflag:s20], $0x4000  }
0x31: {  	[sflag:s20] =	ssyncset.done $0x0  }
0x32: {  	s21 =	rddreg [dreg:$0xb];
	[sflag:s20] =	ssyncadd.s32 $0xFFFFC000  }
0x33: {  	[spmem:s21] =	stream.linear.scatter [tilespmem:s19], [sflag:$0x5], $0x4000, $0x38;
	[tilespmem:$0x1F800] =	vst v63  }
0x34: {  	_ =	swait.ge [sflag:s20], $0x4000  }
0x35: {  	[sflag:s20] =	ssyncset.done $0x0  }
0x36: {  	s30 =	rddreg [dreg:$0xc];
	[sflag:s20] =	ssyncadd.s32 $0xFFFFC000  }
0x37: {  	[spmem:s30] =	stream.linear.scatter [tilespmem:s19], [sflag:$0x5], $0x4000, $0x38;
	[tilespmem:$0x1F800] =	vst v63  }
0x38: {  	_ =	swait.ge [sflag:s20], $0x4000  }
0x39: {  	[sflag:s20] =	ssyncset.done $0x0  }
0x3a: {  	s0 =	rddreg [dreg:$0xd];
	[sflag:s20] =	ssyncadd.s32 $0xFFFFC000  }
0x3b: {  	[spmem:s0] =	stream.linear.scatter [tilespmem:s19], [sflag:$0x5], $0x4000, $0x38;
	[tilespmem:$0x1F800] =	vst v63  }
0x3c: {  	_ =	swait.ge [sflag:s20], $0x4000  }
0x3d: {  	[sflag:s20] =	ssyncset.done $0x0  }
0x3e: {  	s21 =	rddreg [dreg:$0xe];
	[sflag:s20] =	ssyncadd.s32 $0xFFFFC000  }
0x3f: {  	[spmem:s21] =	stream.linear.scatter [tilespmem:s19], [sflag:$0x5], $0x4000, $0x38;
	[tilespmem:$0x1F800] =	vst v63  }
0x40: {  	_ =	swait.ge [sflag:s20], $0x4000  }
0x41: {  	[sflag:s20] =	ssyncset.done $0x0  }
0x42: {  	s30 =	simm.s32 $0x3;
	[sflag:s20] =	ssyncadd.s32 $0xFFFFC000  }
0x43: {  	_ =	swait.ge [sflag:s30], $0x2800  }
0x44: {  	[sflag:s30] =	ssyncset.done $0x0  }
0x45: {  	[sflag:s30] =	ssyncadd.s32 $0xFFFFD800  }
0x46: {  	[tilespmem:s19], [sflag:$0x1] =	stream.indirect.gather [hbm4b:s4+s22], $0x80, s24, s22, $0xb8;
	[tilespmem:$0x1F800] =	vst v63  }
0x47: {  	[bflag:$0x0] =	sbarrier.arrive $0xFFFF  }
0x48: {  	_ =	swait.ge [sflag:s23], $0x800  }
0x49: {  	[sflag:s23] =	ssyncset.done $0x0  }
0x4a: {  	s0 =	rddreg [dreg:$0x5];
	[sflag:s23] =	ssyncadd.s32 $0xFFFFF800  }
0x4b: {  	[tilespmem:s7], [sflag:$0x4] =	stream.linear.gather [hbm4b:s0+s24], $0x800, $0x38;
	[tilespmem:$0x1F800] =	vst v63  }
0x4c: {  	_ = 	snop  }
0x4d: {  	[tilespmem:s25], [sflag:$0x2] =	stream.indirect.gather [hbm4b:s4+s22], $0x80, s22, s22, $0xb8;
	[tilespmem:$0x1F800] =	vst v63  }
0x4e: {  	_ =	swait.ge [sflag:s26], $0x4000  }
0x4f: {  	[sflag:s26] =	ssyncset.done $0x0  }
0x50: {  	[sflag:s26] =	ssyncadd.s32 $0xFFFFC000  }
0x51: {  	[spmem:s2] =	stream.indirect.scatter.add.f32 [tilespmem:s19], [sflag:$0x5], $0x80, s1, s22, $0xb8;
	[tilespmem:$0x1F800] =	vst v63  }
0x52: {  	_ =	swait.ge [sflag:s20], $0x4000  }
0x53: {  	[sflag:s20] =	ssyncset.done $0x0  }
0x54: {  	s21 =	simm.s32 $0x100;
	[sflag:s20] =	ssyncadd.s32 $0xFFFFC000  }
0x55: {  	[tilespmem:s19], [sflag:$0x1] =	stream.indirect.gather [hbm4b:s4+s22], $0x80, s21, s22, $0xb8;
	[tilespmem:$0x1F800] =	vst v63  }
0x56: {  	_ =	swait.ge [sflag:s29], $0x4000  }
0x57: {  	[sflag:s29] =	ssyncset.done $0x0  }
0x58: {  	s0 =	simm.s32 $0x2880;
	[sflag:s29] =	ssyncadd.s32 $0xFFFFC000  }
0x59: {  	[spmem:s2] =	stream.indirect.scatter.add.f32 [tilespmem:s25], [sflag:$0x5], $0x80, s0, s22, $0xb8;
	[tilespmem:$0x1F800] =	vst v63  }
0x5a: {  	_ =	swait.ge [sflag:s20], $0x4000  }
0x5b: {  	[sflag:s20] =	ssyncset.done $0x0  }
0x5c: {  	s30 =	simm.s32 $0x180;
	[sflag:s20] =	ssyncadd.s32 $0xFFFFC000  }
0x5d: {  	[tilespmem:s25], [sflag:$0x2] =	stream.indirect.gather [hbm4b:s4+s22], $0x80, s30, s22, $0xb8;
	[tilespmem:$0x1F800] =	vst v63  }
0x5e: {  	_ =	swait.ge [sflag:s26], $0x4000  }
0x5f: {  	[sflag:s26] =	ssyncset.done $0x0  }
0x60: {  	[sflag:s26] =	ssyncadd.s32 $0xFFFFC000  }
0x61: {  	[spmem:s2] =	stream.indirect.scatter.add.f32 [tilespmem:s19], [sflag:$0x5], $0x80, s31, s22, $0xb8;
	[tilespmem:$0x1F800] =	vst v63  }
0x62: {  	_ =	swait.ge [sflag:s20], $0x4000  }
0x63: {  	[sflag:s20] =	ssyncset.done $0x0  }
0x64: {  	s0 =	simm.s32 $0x200;
	[sflag:s20] =	ssyncadd.s32 $0xFFFFC000  }
0x65: {  	[tilespmem:s19], [sflag:$0x1] =	stream.indirect.gather [hbm4b:s4+s22], $0x80, s0, s22, $0xb8;
	[tilespmem:$0x1F800] =	vst v63  }
0x66: {  	_ =	swait.ge [sflag:s29], $0x4000  }
0x67: {  	[sflag:s29] =	ssyncset.done $0x0  }
0x68: {  	s16 =	simm.s32 $0x2980;
	[sflag:s29] =	ssyncadd.s32 $0xFFFFC000  }
0x69: {  	[spmem:s2] =	stream.indirect.scatter.add.f32 [tilespmem:s25], [sflag:$0x5], $0x80, s16, s22, $0xb8;
	[tilespmem:$0x1F800] =	vst v63  }
0x6a: {  	_ =	swait.ge [sflag:s20], $0x4000  }
0x6b: {  	[sflag:s20] =	ssyncset.done $0x0  }
0x6c: {  	s21 =	simm.s32 $0x280;
	[sflag:s20] =	ssyncadd.s32 $0xFFFFC000  }
0x6d: {  	[tilespmem:s25], [sflag:$0x2] =	stream.indirect.gather [hbm4b:s4+s22], $0x80, s21, s22, $0xb8;
	[tilespmem:$0x1F800] =	vst v63  }
0x6e: {  	_ =	swait.ge [sflag:s26], $0x4000  }
0x6f: {  	[sflag:s26] =	ssyncset.done $0x0  }
0x70: {  	s30 =	simm.s32 $0x2A00;
	[sflag:s26] =	ssyncadd.s32 $0xFFFFC000  }
0x71: {  	[spmem:s2] =	stream.indirect.scatter.add.f32 [tilespmem:s19], [sflag:$0x5], $0x80, s30, s22, $0xb8;
	[tilespmem:$0x1F800] =	vst v63  }
0x72: {  	_ =	swait.ge [sflag:s20], $0x4000  }
0x73: {  	[sflag:s20] =	ssyncset.done $0x0  }
0x74: {  	s0 =	simm.s32 $0x300;
	[sflag:s20] =	ssyncadd.s32 $0xFFFFC000  }
0x75: {  	[tilespmem:s19], [sflag:$0x1] =	stream.indirect.gather [hbm4b:s4+s22], $0x80, s0, s22, $0xb8;
	[tilespmem:$0x1F800] =	vst v63  }
0x76: {  	_ =	swait.ge [sflag:s29], $0x4000  }
0x77: {  	[sflag:s29] =	ssyncset.done $0x0  }
0x78: {  	s16 =	simm.s32 $0x2A80;
	[sflag:s29] =	ssyncadd.s32 $0xFFFFC000  }
0x79: {  	[spmem:s2] =	stream.indirect.scatter.add.f32 [tilespmem:s25], [sflag:$0x5], $0x80, s16, s22, $0xb8;
	[tilespmem:$0x1F800] =	vst v63  }
0x7a: {  	_ =	swait.ge [sflag:s20], $0x4000  }
0x7b: {  	[sflag:s20] =	ssyncset.done $0x0  }
0x7c: {  	s21 =	simm.s32 $0x380;
	[sflag:s20] =	ssyncadd.s32 $0xFFFFC000  }
0x7d: {  	[tilespmem:s25], [sflag:$0x2] =	stream.indirect.gather [hbm4b:s4+s22], $0x80, s21, s22, $0xb8;
	[tilespmem:$0x1F800] =	vst v63  }
0x7e: {  	_ =	swait.ge [sflag:s26], $0x4000  }
0x7f: {  	[sflag:s26] =	ssyncset.done $0x0  }
0x80: {  	s30 =	simm.s32 $0x2B00;
	[sflag:s26] =	ssyncadd.s32 $0xFFFFC000  }
0x81: {  	[spmem:s2] =	stream.indirect.scatter.add.f32 [tilespmem:s19], [sflag:$0x5], $0x80, s30, s22, $0xb8;
	[tilespmem:$0x1F800] =	vst v63  }
0x82: {  	_ =	swait.ge [sflag:s20], $0x4000  }
0x83: {  	[sflag:s20] =	ssyncset.done $0x0  }
0x84: {  	s0 =	simm.s32 $0x400;
	[sflag:s20] =	ssyncadd.s32 $0xFFFFC000  }
0x85: {  	[tilespmem:s19], [sflag:$0x1] =	stream.indirect.gather [hbm4b:s4+s22], $0x80, s0, s22, $0xb8;
	[tilespmem:$0x1F800] =	vst v63  }
0x86: {  	_ =	swait.ge [sflag:s29], $0x4000  }
0x87: {  	[sflag:s29] =	ssyncset.done $0x0  }
0x88: {  	s16 =	simm.s32 $0x2B80;
	[sflag:s29] =	ssyncadd.s32 $0xFFFFC000  }
0x89: {  	[spmem:s2] =	stream.indirect.scatter.add.f32 [tilespmem:s25], [sflag:$0x5], $0x80, s16, s22, $0xb8;
	[tilespmem:$0x1F800] =	vst v63  }
0x8a: {  	_ =	swait.ge [sflag:s20], $0x4000  }
0x8b: {  	[sflag:s20] =	ssyncset.done $0x0  }
0x8c: {  	s21 =	simm.s32 $0x480;
	[sflag:s20] =	ssyncadd.s32 $0xFFFFC000  }
0x8d: {  	[tilespmem:s25], [sflag:$0x2] =	stream.indirect.gather [hbm4b:s4+s22], $0x80, s21, s22, $0xb8;
	[tilespmem:$0x1F800] =	vst v63  }
0x8e: {  	_ =	swait.ge [sflag:s26], $0x4000  }
0x8f: {  	[sflag:s26] =	ssyncset.done $0x0  }
0x90: {  	s30 =	simm.s32 $0x2C00;
	[sflag:s26] =	ssyncadd.s32 $0xFFFFC000  }
0x91: {  	[spmem:s2] =	stream.indirect.scatter.add.f32 [tilespmem:s19], [sflag:$0x5], $0x80, s30, s22, $0xb8;
	[tilespmem:$0x1F800] =	vst v63  }
0x92: {  	_ =	swait.ge [sflag:s20], $0x4000  }
0x93: {  	[sflag:s20] =	ssyncset.done $0x0  }
0x94: {  	s0 =	simm.s32 $0x500;
	[sflag:s20] =	ssyncadd.s32 $0xFFFFC000  }
0x95: {  	[tilespmem:s19], [sflag:$0x1] =	stream.indirect.gather [hbm4b:s4+s22], $0x80, s0, s22, $0xb8;
	[tilespmem:$0x1F800] =	vst v63  }
0x96: {  	_ =	swait.ge [sflag:s29], $0x4000  }
0x97: {  	[sflag:s29] =	ssyncset.done $0x0  }
0x98: {  	s16 =	simm.s32 $0x2C80;
	[sflag:s29] =	ssyncadd.s32 $0xFFFFC000  }
0x99: {  	[spmem:s2] =	stream.indirect.scatter.add.f32 [tilespmem:s25], [sflag:$0x5], $0x80, s16, s22, $0xb8;
	[tilespmem:$0x1F800] =	vst v63  }
0x9a: {  	_ =	swait.ge [sflag:s20], $0x4000  }
0x9b: {  	[sflag:s20] =	ssyncset.done $0x0  }
0x9c: {  	s21 =	simm.s32 $0x580;
	[sflag:s20] =	ssyncadd.s32 $0xFFFFC000  }
0x9d: {  	[tilespmem:s25], [sflag:$0x2] =	stream.indirect.gather [hbm4b:s4+s22], $0x80, s21, s22, $0xb8;
	[tilespmem:$0x1F800] =	vst v63  }
0x9e: {  	_ =	swait.ge [sflag:s26], $0x4000  }
0x9f: {  	[sflag:s26] =	ssyncset.done $0x0  }
0xa0: {  	s30 =	simm.s32 $0x2D00;
	[sflag:s26] =	ssyncadd.s32 $0xFFFFC000  }
0xa1: {  	[spmem:s2] =	stream.indirect.scatter.add.f32 [tilespmem:s19], [sflag:$0x5], $0x80, s30, s22, $0xb8;
	[tilespmem:$0x1F800] =	vst v63  }
0xa2: {  	_ =	swait.ge [sflag:s20], $0x4000  }
0xa3: {  	[sflag:s20] =	ssyncset.done $0x0  }
0xa4: {  	s0 =	simm.s32 $0x600;
	[sflag:s20] =	ssyncadd.s32 $0xFFFFC000  }
0xa5: {  	[tilespmem:s19], [sflag:$0x1] =	stream.indirect.gather [hbm4b:s4+s22], $0x80, s0, s22, $0xb8;
	[tilespmem:$0x1F800] =	vst v63  }
0xa6: {  	_ =	swait.ge [sflag:s29], $0x4000  }
0xa7: {  	[sflag:s29] =	ssyncset.done $0x0  }
0xa8: {  	s16 =	simm.s32 $0x2D80;
	[sflag:s29] =	ssyncadd.s32 $0xFFFFC000  }
0xa9: {  	[spmem:s2] =	stream.indirect.scatter.add.f32 [tilespmem:s25], [sflag:$0x5], $0x80, s16, s22, $0xb8;
	[tilespmem:$0x1F800] =	vst v63  }
0xaa: {  	_ =	swait.ge [sflag:s20], $0x4000  }
0xab: {  	[sflag:s20] =	ssyncset.done $0x0  }
0xac: {  	s21 =	simm.s32 $0x680;
	[sflag:s20] =	ssyncadd.s32 $0xFFFFC000  }
0xad: {  	[tilespmem:s25], [sflag:$0x2] =	stream.indirect.gather [hbm4b:s4+s22], $0x80, s21, s22, $0xb8;
	[tilespmem:$0x1F800] =	vst v63  }
0xae: {  	_ =	swait.ge [sflag:s26], $0x4000  }
0xaf: {  	[sflag:s26] =	ssyncset.done $0x0  }
0xb0: {  	s30 =	simm.s32 $0x2E00;
	[sflag:s26] =	ssyncadd.s32 $0xFFFFC000  }
0xb1: {  	[spmem:s2] =	stream.indirect.scatter.add.f32 [tilespmem:s19], [sflag:$0x5], $0x80, s30, s22, $0xb8;
	[tilespmem:$0x1F800] =	vst v63  }
0xb2: {  	_ =	swait.ge [sflag:s20], $0x4000  }
0xb3: {  	[sflag:s20] =	ssyncset.done $0x0  }
0xb4: {  	s0 =	simm.s32 $0x700;
	[sflag:s20] =	ssyncadd.s32 $0xFFFFC000  }
0xb5: {  	[tilespmem:s19], [sflag:$0x1] =	stream.indirect.gather [hbm4b:s4+s22], $0x80, s0, s22, $0xb8;
	[tilespmem:$0x1F800] =	vst v63  }
0xb6: {  	_ =	swait.ge [sflag:s29], $0x4000  }
0xb7: {  	[sflag:s29] =	ssyncset.done $0x0  }
0xb8: {  	s16 =	simm.s32 $0x2E80;
	[sflag:s29] =	ssyncadd.s32 $0xFFFFC000  }
0xb9: {  	[spmem:s2] =	stream.indirect.scatter.add.f32 [tilespmem:s25], [sflag:$0x5], $0x80, s16, s22, $0xb8;
	[tilespmem:$0x1F800] =	vst v63  }
0xba: {  	_ =	swait.ge [sflag:s20], $0x4000  }
0xbb: {  	[sflag:s20] =	ssyncset.done $0x0  }
0xbc: {  	s21 =	simm.s32 $0x780;
	[sflag:s20] =	ssyncadd.s32 $0xFFFFC000  }
0xbd: {  	[tilespmem:s25], [sflag:$0x2] =	stream.indirect.gather [hbm4b:s4+s22], $0x80, s21, s22, $0xb8;
	[tilespmem:$0x1F800] =	vst v63  }
0xbe: {  	_ =	swait.ge [sflag:s26], $0x4000  }
0xbf: {  	[sflag:s26] =	ssyncset.done $0x0  }
0xc0: {  	s30 =	simm.s32 $0x2F00;
	[sflag:s26] =	ssyncadd.s32 $0xFFFFC000  }
0xc1: {  	[spmem:s2] =	stream.indirect.scatter.add.f32 [tilespmem:s19], [sflag:$0x5], $0x80, s30, s22, $0xb8;
	[tilespmem:$0x1F800] =	vst v63  }
0xc2: {  	_ =	swait.ge [sflag:s20], $0x4000  }
0xc3: {  	[sflag:s20] =	ssyncset.done $0x0  }
0xc4: {  	s0 =	simm.s32 $0x800;
	[sflag:s20] =	ssyncadd.s32 $0xFFFFC000  }
0xc5: {  	[tilespmem:s19], [sflag:$0x1] =	stream.indirect.gather [hbm4b:s4+s22], $0x80, s0, s22, $0xb8;
	[tilespmem:$0x1F800] =	vst v63  }
0xc6: {  	_ =	swait.ge [sflag:s29], $0x4000  }
0xc7: {  	[sflag:s29] =	ssyncset.done $0x0  }
0xc8: {  	s16 =	simm.s32 $0x2F80;
	[sflag:s29] =	ssyncadd.s32 $0xFFFFC000  }
0xc9: {  	[spmem:s2] =	stream.indirect.scatter.add.f32 [tilespmem:s25], [sflag:$0x5], $0x80, s16, s22, $0xb8;
	[tilespmem:$0x1F800] =	vst v63  }
0xca: {  	_ =	swait.ge [sflag:s20], $0x4000  }
0xcb: {  	[sflag:s20] =	ssyncset.done $0x0  }
0xcc: {  	[sflag:s20] =	ssyncadd.s32 $0xFFFFC000  }
0xcd: {  	_ =	swait.ge [sflag:s23], $0x800  }
0xce: {  	[sflag:s23] =	ssyncset.done $0x0  }
0xcf: {  	s21 =	rddreg [dreg:$0x6];
	[sflag:s23] =	ssyncadd.s32 $0xFFFFF800  }
0xd0: {  	[tilespmem:s1], [sflag:$0x4] =	stream.linear.gather [hbm4b:s21+s24], $0x800, $0x38;
	[tilespmem:$0x1F800] =	vst v63  }
0xd1: {  	s30 =	simm.s32 $0x880  }
0xd2: {  	[tilespmem:s25], [sflag:$0x2] =	stream.indirect.gather [hbm4b:s4+s22], $0x80, s30, s22, $0xb8;
	[tilespmem:$0x1F800] =	vst v63  }
0xd3: {  	_ =	swait.ge [sflag:s26], $0x4000  }
0xd4: {  	[sflag:s26] =	ssyncset.done $0x0  }
0xd5: {  	[sflag:s26] =	ssyncadd.s32 $0xFFFFC000  }
0xd6: {  	[spmem:s2] =	stream.indirect.scatter.add.f32 [tilespmem:s19], [sflag:$0x5], $0x80, s7, s22, $0xb8;
	[tilespmem:$0x1F800] =	vst v63  }
0xd7: {  	_ =	swait.ge [sflag:s20], $0x4000  }
0xd8: {  	[sflag:s20] =	ssyncset.done $0x0  }
0xd9: {  	s0 =	simm.s32 $0x900;
	[sflag:s20] =	ssyncadd.s32 $0xFFFFC000  }
0xda: {  	[tilespmem:s19], [sflag:$0x1] =	stream.indirect.gather [hbm4b:s4+s22], $0x80, s0, s22, $0xb8;
	[tilespmem:$0x1F800] =	vst v63  }
0xdb: {  	_ =	swait.ge [sflag:s29], $0x4000  }
0xdc: {  	[sflag:s29] =	ssyncset.done $0x0  }
0xdd: {  	s30 =	simm.s32 $0x3080;
	[sflag:s29] =	ssyncadd.s32 $0xFFFFC000  }
0xde: {  	[spmem:s2] =	stream.indirect.scatter.add.f32 [tilespmem:s25], [sflag:$0x5], $0x80, s30, s22, $0xb8;
	[tilespmem:$0x1F800] =	vst v63  }
0xdf: {  	_ =	swait.ge [sflag:s20], $0x4000  }
0xe0: {  	[sflag:s20] =	ssyncset.done $0x0  }
0xe1: {  	s1 =	simm.s32 $0x980;
	[sflag:s20] =	ssyncadd.s32 $0xFFFFC000  }
0xe2: {  	[tilespmem:s25], [sflag:$0x2] =	stream.indirect.gather [hbm4b:s4+s22], $0x80, s1, s22, $0xb8;
	[tilespmem:$0x1F800] =	vst v63  }
0xe3: {  	_ =	swait.ge [sflag:s26], $0x4000  }
0xe4: {  	[sflag:s26] =	ssyncset.done $0x0  }
0xe5: {  	s1 =	simm.s32 $0x3100;
	[sflag:s26] =	ssyncadd.s32 $0xFFFFC000  }
0xe6: {  	[spmem:s2] =	stream.indirect.scatter.add.f32 [tilespmem:s19], [sflag:$0x5], $0x80, s1, s22, $0xb8;
	[tilespmem:$0x1F800] =	vst v63  }
0xe7: {  	_ =	swait.ge [sflag:s20], $0x4000  }
0xe8: {  	[sflag:s20] =	ssyncset.done $0x0  }
0xe9: {  	s21 =	simm.s32 $0xA00;
	[sflag:s20] =	ssyncadd.s32 $0xFFFFC000  }
0xea: {  	[tilespmem:s19], [sflag:$0x1] =	stream.indirect.gather [hbm4b:s4+s22], $0x80, s21, s22, $0xb8;
	[tilespmem:$0x1F800] =	vst v63  }
0xeb: {  	_ =	swait.ge [sflag:s29], $0x4000  }
0xec: {  	[sflag:s29] =	ssyncset.done $0x0  }
0xed: {  	[sflag:s29] =	ssyncadd.s32 $0xFFFFC000  }
0xee: {  	[spmem:s2] =	stream.indirect.scatter.add.f32 [tilespmem:s25], [sflag:$0x5], $0x80, s3, s22, $0xb8;
	[tilespmem:$0x1F800] =	vst v63  }
0xef: {  	_ =	swait.ge [sflag:s20], $0x4000  }
0xf0: {  	[sflag:s20] =	ssyncset.done $0x0  }
0xf1: {  	s21 =	simm.s32 $0xA80;
	[sflag:s20] =	ssyncadd.s32 $0xFFFFC000  }
0xf2: {  	[tilespmem:s25], [sflag:$0x2] =	stream.indirect.gather [hbm4b:s4+s22], $0x80, s21, s22, $0xb8;
	[tilespmem:$0x1F800] =	vst v63  }
0xf3: {  	_ =	swait.ge [sflag:s26], $0x4000  }
0xf4: {  	[sflag:s26] =	ssyncset.done $0x0  }
0xf5: {  	[sflag:s26] =	ssyncadd.s32 $0xFFFFC000  }
0xf6: {  	[spmem:s2] =	stream.indirect.scatter.add.f32 [tilespmem:s19], [sflag:$0x5], $0x80, s5, s22, $0xb8;
	[tilespmem:$0x1F800] =	vst v63  }
0xf7: {  	_ =	swait.ge [sflag:s20], $0x4000  }
0xf8: {  	[sflag:s20] =	ssyncset.done $0x0  }
0xf9: {  	s21 =	simm.s32 $0xB00;
	[sflag:s20] =	ssyncadd.s32 $0xFFFFC000  }
0xfa: {  	[tilespmem:s19], [sflag:$0x1] =	stream.indirect.gather [hbm4b:s4+s22], $0x80, s21, s22, $0xb8;
	[tilespmem:$0x1F800] =	vst v63  }
0xfb: {  	_ =	swait.ge [sflag:s29], $0x4000  }
0xfc: {  	[sflag:s29] =	ssyncset.done $0x0  }
0xfd: {  	[sflag:s29] =	ssyncadd.s32 $0xFFFFC000  }
0xfe: {  	[spmem:s2] =	stream.indirect.scatter.add.f32 [tilespmem:s25], [sflag:$0x5], $0x80, s6, s22, $0xb8;
	[tilespmem:$0x1F800] =	vst v63  }
0xff: {  	_ =	swait.ge [sflag:s20], $0x4000  }
0x100: {  	[sflag:s20] =	ssyncset.done $0x0  }
0x101: {  	s21 =	simm.s32 $0xB80;
	[sflag:s20] =	ssyncadd.s32 $0xFFFFC000  }
0x102: {  	[tilespmem:s25], [sflag:$0x2] =	stream.indirect.gather [hbm4b:s4+s22], $0x80, s21, s22, $0xb8;
	[tilespmem:$0x1F800] =	vst v63  }
0x103: {  	_ =	swait.ge [sflag:s26], $0x4000  }
0x104: {  	[sflag:s26] =	ssyncset.done $0x0  }
0x105: {  	[sflag:s26] =	ssyncadd.s32 $0xFFFFC000  }
0x106: {  	[spmem:s2] =	stream.indirect.scatter.add.f32 [tilespmem:s19], [sflag:$0x5], $0x80, s8, s22, $0xb8;
	[tilespmem:$0x1F800] =	vst v63  }
0x107: {  	_ =	swait.ge [sflag:s20], $0x4000  }
0x108: {  	[sflag:s20] =	ssyncset.done $0x0  }
0x109: {  	s21 =	simm.s32 $0xC00;
	[sflag:s20] =	ssyncadd.s32 $0xFFFFC000  }
0x10a: {  	[tilespmem:s19], [sflag:$0x1] =	stream.indirect.gather [hbm4b:s4+s22], $0x80, s21, s22, $0xb8;
	[tilespmem:$0x1F800] =	vst v63  }
0x10b: {  	_ =	swait.ge [sflag:s29], $0x4000  }
0x10c: {  	[sflag:s29] =	ssyncset.done $0x0  }
0x10d: {  	[sflag:s29] =	ssyncadd.s32 $0xFFFFC000  }
0x10e: {  	[spmem:s2] =	stream.indirect.scatter.add.f32 [tilespmem:s25], [sflag:$0x5], $0x80, s9, s22, $0xb8;
	[tilespmem:$0x1F800] =	vst v63  }
0x10f: {  	_ =	swait.ge [sflag:s20], $0x4000  }
0x110: {  	[sflag:s20] =	ssyncset.done $0x0  }
0x111: {  	s21 =	simm.s32 $0xC80;
	[sflag:s20] =	ssyncadd.s32 $0xFFFFC000  }
0x112: {  	[tilespmem:s25], [sflag:$0x2] =	stream.indirect.gather [hbm4b:s4+s22], $0x80, s21, s22, $0xb8;
	[tilespmem:$0x1F800] =	vst v63  }
0x113: {  	_ =	swait.ge [sflag:s26], $0x4000  }
0x114: {  	[sflag:s26] =	ssyncset.done $0x0  }
0x115: {  	[sflag:s26] =	ssyncadd.s32 $0xFFFFC000  }
0x116: {  	[spmem:s2] =	stream.indirect.scatter.add.f32 [tilespmem:s19], [sflag:$0x5], $0x80, s10, s22, $0xb8;
	[tilespmem:$0x1F800] =	vst v63  }
0x117: {  	_ =	swait.ge [sflag:s20], $0x4000  }
0x118: {  	[sflag:s20] =	ssyncset.done $0x0  }
0x119: {  	s21 =	simm.s32 $0xD00;
	[sflag:s20] =	ssyncadd.s32 $0xFFFFC000  }
0x11a: {  	[tilespmem:s19], [sflag:$0x1] =	stream.indirect.gather [hbm4b:s4+s22], $0x80, s21, s22, $0xb8;
	[tilespmem:$0x1F800] =	vst v63  }
0x11b: {  	_ =	swait.ge [sflag:s29], $0x4000  }
0x11c: {  	[sflag:s29] =	ssyncset.done $0x0  }
0x11d: {  	[sflag:s29] =	ssyncadd.s32 $0xFFFFC000  }
0x11e: {  	[spmem:s2] =	stream.indirect.scatter.add.f32 [tilespmem:s25], [sflag:$0x5], $0x80, s11, s22, $0xb8;
	[tilespmem:$0x1F800] =	vst v63  }
0x11f: {  	_ =	swait.ge [sflag:s20], $0x4000  }
0x120: {  	[sflag:s20] =	ssyncset.done $0x0  }
0x121: {  	s21 =	simm.s32 $0xD80;
	[sflag:s20] =	ssyncadd.s32 $0xFFFFC000  }
0x122: {  	[tilespmem:s25], [sflag:$0x2] =	stream.indirect.gather [hbm4b:s4+s22], $0x80, s21, s22, $0xb8;
	[tilespmem:$0x1F800] =	vst v63  }
0x123: {  	_ =	swait.ge [sflag:s26], $0x4000  }
0x124: {  	[sflag:s26] =	ssyncset.done $0x0  }
0x125: {  	[sflag:s26] =	ssyncadd.s32 $0xFFFFC000  }
0x126: {  	[spmem:s2] =	stream.indirect.scatter.add.f32 [tilespmem:s19], [sflag:$0x5], $0x80, s12, s22, $0xb8;
	[tilespmem:$0x1F800] =	vst v63  }
0x127: {  	_ =	swait.ge [sflag:s20], $0x4000  }
0x128: {  	[sflag:s20] =	ssyncset.done $0x0  }
0x129: {  	s21 =	simm.s32 $0xE00;
	[sflag:s20] =	ssyncadd.s32 $0xFFFFC000  }
0x12a: {  	[tilespmem:s19], [sflag:$0x1] =	stream.indirect.gather [hbm4b:s4+s22], $0x80, s21, s22, $0xb8;
	[tilespmem:$0x1F800] =	vst v63  }
0x12b: {  	_ =	swait.ge [sflag:s29], $0x4000  }
0x12c: {  	[sflag:s29] =	ssyncset.done $0x0  }
0x12d: {  	[sflag:s29] =	ssyncadd.s32 $0xFFFFC000  }
0x12e: {  	[spmem:s2] =	stream.indirect.scatter.add.f32 [tilespmem:s25], [sflag:$0x5], $0x80, s13, s22, $0xb8;
	[tilespmem:$0x1F800] =	vst v63  }
0x12f: {  	_ =	swait.ge [sflag:s20], $0x4000  }
0x130: {  	[sflag:s20] =	ssyncset.done $0x0  }
0x131: {  	s21 =	simm.s32 $0xE80;
	[sflag:s20] =	ssyncadd.s32 $0xFFFFC000  }
0x132: {  	[tilespmem:s25], [sflag:$0x2] =	stream.indirect.gather [hbm4b:s4+s22], $0x80, s21, s22, $0xb8;
	[tilespmem:$0x1F800] =	vst v63  }
0x133: {  	_ =	swait.ge [sflag:s26], $0x4000  }
0x134: {  	[sflag:s26] =	ssyncset.done $0x0  }
0x135: {  	[sflag:s26] =	ssyncadd.s32 $0xFFFFC000  }
0x136: {  	[spmem:s2] =	stream.indirect.scatter.add.f32 [tilespmem:s19], [sflag:$0x5], $0x80, s14, s22, $0xb8;
	[tilespmem:$0x1F800] =	vst v63  }
0x137: {  	_ =	swait.ge [sflag:s20], $0x4000  }
0x138: {  	[sflag:s20] =	ssyncset.done $0x0  }
0x139: {  	s21 =	simm.s32 $0xF00;
	[sflag:s20] =	ssyncadd.s32 $0xFFFFC000  }
0x13a: {  	[tilespmem:s19], [sflag:$0x1] =	stream.indirect.gather [hbm4b:s4+s22], $0x80, s21, s22, $0xb8;
	[tilespmem:$0x1F800] =	vst v63  }
0x13b: {  	_ =	swait.ge [sflag:s29], $0x4000  }
0x13c: {  	[sflag:s29] =	ssyncset.done $0x0  }
0x13d: {  	[sflag:s29] =	ssyncadd.s32 $0xFFFFC000  }
0x13e: {  	[spmem:s2] =	stream.indirect.scatter.add.f32 [tilespmem:s25], [sflag:$0x5], $0x80, s15, s22, $0xb8;
	[tilespmem:$0x1F800] =	vst v63  }
0x13f: {  	_ =	swait.ge [sflag:s20], $0x4000  }
0x140: {  	[sflag:s20] =	ssyncset.done $0x0  }
0x141: {  	s21 =	simm.s32 $0xF80;
	[sflag:s20] =	ssyncadd.s32 $0xFFFFC000  }
0x142: {  	[tilespmem:s25], [sflag:$0x2] =	stream.indirect.gather [hbm4b:s4+s22], $0x80, s21, s22, $0xb8;
	[tilespmem:$0x1F800] =	vst v63  }
0x143: {  	_ =	swait.ge [sflag:s26], $0x4000  }
0x144: {  	[sflag:s26] =	ssyncset.done $0x0  }
0x145: {  	[sflag:s26] =	ssyncadd.s32 $0xFFFFC000  }
0x146: {  	[spmem:s2] =	stream.indirect.scatter.add.f32 [tilespmem:s19], [sflag:$0x5], $0x80, s18, s22, $0xb8;
	[tilespmem:$0x1F800] =	vst v63  }
0x147: {  	_ =	swait.ge [sflag:s20], $0x4000  }
0x148: {  	[sflag:s20] =	ssyncset.done $0x0  }
0x149: {  	s21 =	simm.s32 $0x1000;
	[sflag:s20] =	ssyncadd.s32 $0xFFFFC000  }
0x14a: {  	[tilespmem:s19], [sflag:$0x1] =	stream.indirect.gather [hbm4b:s4+s22], $0x80, s21, s22, $0xb8;
	[tilespmem:$0x1F800] =	vst v63  }
0x14b: {  	_ =	swait.ge [sflag:s29], $0x4000  }
0x14c: {  	[sflag:s29] =	ssyncset.done $0x0  }
0x14d: {  	s21 =	simm.s32 $0x3780;
	[sflag:s29] =	ssyncadd.s32 $0xFFFFC000  }
0x14e: {  	[spmem:s2] =	stream.indirect.scatter.add.f32 [tilespmem:s25], [sflag:$0x5], $0x80, s21, s22, $0xb8;
	[tilespmem:$0x1F800] =	vst v63  }
0x14f: {  	_ =	swait.ge [sflag:s20], $0x4000  }
0x150: {  	[sflag:s20] =	ssyncset.done $0x0  }
0x151: {  	[sflag:s20] =	ssyncadd.s32 $0xFFFFC000  }
0x152: {  	_ =	swait.ge [sflag:s23], $0x800  }
0x153: {  	[sflag:s23] =	ssyncset.done $0x0  }
0x154: {  	s16 =	rddreg [dreg:$0x7];
	[sflag:s23] =	ssyncadd.s32 $0xFFFFF800  }
0x155: {  	[tilespmem:s7], [sflag:$0x4] =	stream.linear.gather [hbm4b:s16+s24], $0x800, $0x38;
	[tilespmem:$0x1F800] =	vst v63  }
0x156: {  	s16 =	simm.s32 $0x1080  }
0x157: {  	[tilespmem:s25], [sflag:$0x2] =	stream.indirect.gather [hbm4b:s4+s22], $0x80, s16, s22, $0xb8;
	[tilespmem:$0x1F800] =	vst v63  }
0x158: {  	_ =	swait.ge [sflag:s26], $0x4000  }
0x159: {  	[sflag:s26] =	ssyncset.done $0x0  }
0x15a: {  	s0 =	simm.s32 $0x2800;
	[sflag:s26] =	ssyncadd.s32 $0xFFFFC000  }
0x15b: {  	[spmem:s2] =	stream.indirect.scatter.add.f32 [tilespmem:s19], [sflag:$0x5], $0x80, s0, s22, $0xb8;
	[tilespmem:$0x1F800] =	vst v63  }
0x15c: {  	_ =	swait.ge [sflag:s20], $0x4000  }
0x15d: {  	[sflag:s20] =	ssyncset.done $0x0  }
0x15e: {  	s16 =	simm.s32 $0x1100;
	[sflag:s20] =	ssyncadd.s32 $0xFFFFC000  }
0x15f: {  	[tilespmem:s19], [sflag:$0x1] =	stream.indirect.gather [hbm4b:s4+s22], $0x80, s16, s22, $0xb8;
	[tilespmem:$0x1F800] =	vst v63  }
0x160: {  	_ =	swait.ge [sflag:s29], $0x4000  }
0x161: {  	[sflag:s29] =	ssyncset.done $0x0  }
0x162: {  	s16 =	simm.s32 $0x2880;
	[sflag:s29] =	ssyncadd.s32 $0xFFFFC000  }
0x163: {  	[spmem:s2] =	stream.indirect.scatter.add.f32 [tilespmem:s25], [sflag:$0x5], $0x80, s16, s22, $0xb8;
	[tilespmem:$0x1F800] =	vst v63  }
0x164: {  	_ =	swait.ge [sflag:s20], $0x4000  }
0x165: {  	[sflag:s20] =	ssyncset.done $0x0  }
0x166: {  	s16 =	simm.s32 $0x1180;
	[sflag:s20] =	ssyncadd.s32 $0xFFFFC000  }
0x167: {  	[tilespmem:s25], [sflag:$0x2] =	stream.indirect.gather [hbm4b:s4+s22], $0x80, s16, s22, $0xb8;
	[tilespmem:$0x1F800] =	vst v63  }
0x168: {  	_ =	swait.ge [sflag:s26], $0x4000  }
0x169: {  	[sflag:s26] =	ssyncset.done $0x0  }
0x16a: {  	[sflag:s26] =	ssyncadd.s32 $0xFFFFC000  }
0x16b: {  	[spmem:s2] =	stream.indirect.scatter.add.f32 [tilespmem:s19], [sflag:$0x5], $0x80, s31, s22, $0xb8;
	[tilespmem:$0x1F800] =	vst v63  }
0x16c: {  	_ =	swait.ge [sflag:s20], $0x4000  }
0x16d: {  	[sflag:s20] =	ssyncset.done $0x0  }
0x16e: {  	s16 =	simm.s32 $0x1200;
	[sflag:s20] =	ssyncadd.s32 $0xFFFFC000  }
0x16f: {  	[tilespmem:s19], [sflag:$0x1] =	stream.indirect.gather [hbm4b:s4+s22], $0x80, s16, s22, $0xb8;
	[tilespmem:$0x1F800] =	vst v63  }
0x170: {  	_ =	swait.ge [sflag:s29], $0x4000  }
0x171: {  	[sflag:s29] =	ssyncset.done $0x0  }
0x172: {  	s16 =	simm.s32 $0x2980;
	[sflag:s29] =	ssyncadd.s32 $0xFFFFC000  }
0x173: {  	[spmem:s2] =	stream.indirect.scatter.add.f32 [tilespmem:s25], [sflag:$0x5], $0x80, s16, s22, $0xb8;
	[tilespmem:$0x1F800] =	vst v63  }
0x174: {  	_ =	swait.ge [sflag:s20], $0x4000  }
0x175: {  	[sflag:s20] =	ssyncset.done $0x0  }
0x176: {  	s16 =	simm.s32 $0x1280;
	[sflag:s20] =	ssyncadd.s32 $0xFFFFC000  }
0x177: {  	[tilespmem:s25], [sflag:$0x2] =	stream.indirect.gather [hbm4b:s4+s22], $0x80, s16, s22, $0xb8;
	[tilespmem:$0x1F800] =	vst v63  }
0x178: {  	_ =	swait.ge [sflag:s26], $0x4000  }
0x179: {  	[sflag:s26] =	ssyncset.done $0x0  }
0x17a: {  	s16 =	simm.s32 $0x2A00;
	[sflag:s26] =	ssyncadd.s32 $0xFFFFC000  }
0x17b: {  	[spmem:s2] =	stream.indirect.scatter.add.f32 [tilespmem:s19], [sflag:$0x5], $0x80, s16, s22, $0xb8;
	[tilespmem:$0x1F800] =	vst v63  }
0x17c: {  	_ =	swait.ge [sflag:s20], $0x4000  }
0x17d: {  	[sflag:s20] =	ssyncset.done $0x0  }
0x17e: {  	s16 =	simm.s32 $0x1300;
	[sflag:s20] =	ssyncadd.s32 $0xFFFFC000  }
0x17f: {  	[tilespmem:s19], [sflag:$0x1] =	stream.indirect.gather [hbm4b:s4+s22], $0x80, s16, s22, $0xb8;
	[tilespmem:$0x1F800] =	vst v63  }
0x180: {  	_ =	swait.ge [sflag:s29], $0x4000  }
0x181: {  	[sflag:s29] =	ssyncset.done $0x0  }
0x182: {  	s16 =	simm.s32 $0x2A80;
	[sflag:s29] =	ssyncadd.s32 $0xFFFFC000  }
0x183: {  	[spmem:s2] =	stream.indirect.scatter.add.f32 [tilespmem:s25], [sflag:$0x5], $0x80, s16, s22, $0xb8;
	[tilespmem:$0x1F800] =	vst v63  }
0x184: {  	_ =	swait.ge [sflag:s20], $0x4000  }
0x185: {  	[sflag:s20] =	ssyncset.done $0x0  }
0x186: {  	s16 =	simm.s32 $0x1380;
	[sflag:s20] =	ssyncadd.s32 $0xFFFFC000  }
0x187: {  	[tilespmem:s25], [sflag:$0x2] =	stream.indirect.gather [hbm4b:s4+s22], $0x80, s16, s22, $0xb8;
	[tilespmem:$0x1F800] =	vst v63  }
0x188: {  	_ =	swait.ge [sflag:s26], $0x4000  }
0x189: {  	[sflag:s26] =	ssyncset.done $0x0  }
0x18a: {  	s16 =	simm.s32 $0x2B00;
	[sflag:s26] =	ssyncadd.s32 $0xFFFFC000  }
0x18b: {  	[spmem:s2] =	stream.indirect.scatter.add.f32 [tilespmem:s19], [sflag:$0x5], $0x80, s16, s22, $0xb8;
	[tilespmem:$0x1F800] =	vst v63  }
0x18c: {  	_ =	swait.ge [sflag:s20], $0x4000  }
0x18d: {  	[sflag:s20] =	ssyncset.done $0x0  }
0x18e: {  	s16 =	simm.s32 $0x1400;
	[sflag:s20] =	ssyncadd.s32 $0xFFFFC000  }
0x18f: {  	[tilespmem:s19], [sflag:$0x1] =	stream.indirect.gather [hbm4b:s4+s22], $0x80, s16, s22, $0xb8;
	[tilespmem:$0x1F800] =	vst v63  }
0x190: {  	_ =	swait.ge [sflag:s29], $0x4000  }
0x191: {  	[sflag:s29] =	ssyncset.done $0x0  }
0x192: {  	s16 =	simm.s32 $0x2B80;
	[sflag:s29] =	ssyncadd.s32 $0xFFFFC000  }
0x193: {  	[spmem:s2] =	stream.indirect.scatter.add.f32 [tilespmem:s25], [sflag:$0x5], $0x80, s16, s22, $0xb8;
	[tilespmem:$0x1F800] =	vst v63  }
0x194: {  	_ =	swait.ge [sflag:s20], $0x4000  }
0x195: {  	[sflag:s20] =	ssyncset.done $0x0  }
0x196: {  	s16 =	simm.s32 $0x1480;
	[sflag:s20] =	ssyncadd.s32 $0xFFFFC000  }
0x197: {  	[tilespmem:s25], [sflag:$0x2] =	stream.indirect.gather [hbm4b:s4+s22], $0x80, s16, s22, $0xb8;
	[tilespmem:$0x1F800] =	vst v63  }
0x198: {  	_ =	swait.ge [sflag:s26], $0x4000  }
0x199: {  	[sflag:s26] =	ssyncset.done $0x0  }
0x19a: {  	s16 =	simm.s32 $0x2C00;
	[sflag:s26] =	ssyncadd.s32 $0xFFFFC000  }
0x19b: {  	[spmem:s2] =	stream.indirect.scatter.add.f32 [tilespmem:s19], [sflag:$0x5], $0x80, s16, s22, $0xb8;
	[tilespmem:$0x1F800] =	vst v63  }
0x19c: {  	_ =	swait.ge [sflag:s20], $0x4000  }
0x19d: {  	[sflag:s20] =	ssyncset.done $0x0  }
0x19e: {  	s16 =	simm.s32 $0x1500;
	[sflag:s20] =	ssyncadd.s32 $0xFFFFC000  }
0x19f: {  	[tilespmem:s19], [sflag:$0x1] =	stream.indirect.gather [hbm4b:s4+s22], $0x80, s16, s22, $0xb8;
	[tilespmem:$0x1F800] =	vst v63  }
0x1a0: {  	_ =	swait.ge [sflag:s29], $0x4000  }
0x1a1: {  	[sflag:s29] =	ssyncset.done $0x0  }
0x1a2: {  	s16 =	simm.s32 $0x2C80;
	[sflag:s29] =	ssyncadd.s32 $0xFFFFC000  }
0x1a3: {  	[spmem:s2] =	stream.indirect.scatter.add.f32 [tilespmem:s25], [sflag:$0x5], $0x80, s16, s22, $0xb8;
	[tilespmem:$0x1F800] =	vst v63  }
0x1a4: {  	_ =	swait.ge [sflag:s20], $0x4000  }
0x1a5: {  	[sflag:s20] =	ssyncset.done $0x0  }
0x1a6: {  	s16 =	simm.s32 $0x1580;
	[sflag:s20] =	ssyncadd.s32 $0xFFFFC000  }
0x1a7: {  	[tilespmem:s25], [sflag:$0x2] =	stream.indirect.gather [hbm4b:s4+s22], $0x80, s16, s22, $0xb8;
	[tilespmem:$0x1F800] =	vst v63  }
0x1a8: {  	_ =	swait.ge [sflag:s26], $0x4000  }
0x1a9: {  	[sflag:s26] =	ssyncset.done $0x0  }
0x1aa: {  	s16 =	simm.s32 $0x2D00;
	[sflag:s26] =	ssyncadd.s32 $0xFFFFC000  }
0x1ab: {  	[spmem:s2] =	stream.indirect.scatter.add.f32 [tilespmem:s19], [sflag:$0x5], $0x80, s16, s22, $0xb8;
	[tilespmem:$0x1F800] =	vst v63  }
0x1ac: {  	_ =	swait.ge [sflag:s20], $0x4000  }
0x1ad: {  	[sflag:s20] =	ssyncset.done $0x0  }
0x1ae: {  	s16 =	simm.s32 $0x1600;
	[sflag:s20] =	ssyncadd.s32 $0xFFFFC000  }
0x1af: {  	[tilespmem:s19], [sflag:$0x1] =	stream.indirect.gather [hbm4b:s4+s22], $0x80, s16, s22, $0xb8;
	[tilespmem:$0x1F800] =	vst v63  }
0x1b0: {  	_ =	swait.ge [sflag:s29], $0x4000  }
0x1b1: {  	[sflag:s29] =	ssyncset.done $0x0  }
0x1b2: {  	s16 =	simm.s32 $0x2D80;
	[sflag:s29] =	ssyncadd.s32 $0xFFFFC000  }
0x1b3: {  	[spmem:s2] =	stream.indirect.scatter.add.f32 [tilespmem:s25], [sflag:$0x5], $0x80, s16, s22, $0xb8;
	[tilespmem:$0x1F800] =	vst v63  }
0x1b4: {  	_ =	swait.ge [sflag:s20], $0x4000  }
0x1b5: {  	[sflag:s20] =	ssyncset.done $0x0  }
0x1b6: {  	s16 =	simm.s32 $0x1680;
	[sflag:s20] =	ssyncadd.s32 $0xFFFFC000  }
0x1b7: {  	[tilespmem:s25], [sflag:$0x2] =	stream.indirect.gather [hbm4b:s4+s22], $0x80, s16, s22, $0xb8;
	[tilespmem:$0x1F800] =	vst v63  }
0x1b8: {  	_ =	swait.ge [sflag:s26], $0x4000  }
0x1b9: {  	[sflag:s26] =	ssyncset.done $0x0  }
0x1ba: {  	s16 =	simm.s32 $0x2E00;
	[sflag:s26] =	ssyncadd.s32 $0xFFFFC000  }
0x1bb: {  	[spmem:s2] =	stream.indirect.scatter.add.f32 [tilespmem:s19], [sflag:$0x5], $0x80, s16, s22, $0xb8;
	[tilespmem:$0x1F800] =	vst v63  }
0x1bc: {  	_ =	swait.ge [sflag:s20], $0x4000  }
0x1bd: {  	[sflag:s20] =	ssyncset.done $0x0  }
0x1be: {  	s16 =	simm.s32 $0x1700;
	[sflag:s20] =	ssyncadd.s32 $0xFFFFC000  }
0x1bf: {  	[tilespmem:s19], [sflag:$0x1] =	stream.indirect.gather [hbm4b:s4+s22], $0x80, s16, s22, $0xb8;
	[tilespmem:$0x1F800] =	vst v63  }
0x1c0: {  	_ =	swait.ge [sflag:s29], $0x4000  }
0x1c1: {  	[sflag:s29] =	ssyncset.done $0x0  }
0x1c2: {  	s16 =	simm.s32 $0x2E80;
	[sflag:s29] =	ssyncadd.s32 $0xFFFFC000  }
0x1c3: {  	[spmem:s2] =	stream.indirect.scatter.add.f32 [tilespmem:s25], [sflag:$0x5], $0x80, s16, s22, $0xb8;
	[tilespmem:$0x1F800] =	vst v63  }
0x1c4: {  	_ =	swait.ge [sflag:s20], $0x4000  }
0x1c5: {  	[sflag:s20] =	ssyncset.done $0x0  }
0x1c6: {  	s16 =	simm.s32 $0x1780;
	[sflag:s20] =	ssyncadd.s32 $0xFFFFC000  }
0x1c7: {  	[tilespmem:s25], [sflag:$0x2] =	stream.indirect.gather [hbm4b:s4+s22], $0x80, s16, s22, $0xb8;
	[tilespmem:$0x1F800] =	vst v63  }
0x1c8: {  	_ =	swait.ge [sflag:s26], $0x4000  }
0x1c9: {  	[sflag:s26] =	ssyncset.done $0x0  }
0x1ca: {  	s16 =	simm.s32 $0x2F00;
	[sflag:s26] =	ssyncadd.s32 $0xFFFFC000  }
0x1cb: {  	[spmem:s2] =	stream.indirect.scatter.add.f32 [tilespmem:s19], [sflag:$0x5], $0x80, s16, s22, $0xb8;
	[tilespmem:$0x1F800] =	vst v63  }
0x1cc: {  	_ =	swait.ge [sflag:s20], $0x4000  }
0x1cd: {  	[sflag:s20] =	ssyncset.done $0x0  }
0x1ce: {  	s16 =	simm.s32 $0x1800;
	[sflag:s20] =	ssyncadd.s32 $0xFFFFC000  }
0x1cf: {  	[tilespmem:s19], [sflag:$0x1] =	stream.indirect.gather [hbm4b:s4+s22], $0x80, s16, s22, $0xb8;
	[tilespmem:$0x1F800] =	vst v63  }
0x1d0: {  	_ =	swait.ge [sflag:s29], $0x4000  }
0x1d1: {  	[sflag:s29] =	ssyncset.done $0x0  }
0x1d2: {  	s16 =	simm.s32 $0x2F80;
	[sflag:s29] =	ssyncadd.s32 $0xFFFFC000  }
0x1d3: {  	[spmem:s2] =	stream.indirect.scatter.add.f32 [tilespmem:s25], [sflag:$0x5], $0x80, s16, s22, $0xb8;
	[tilespmem:$0x1F800] =	vst v63  }
0x1d4: {  	_ =	swait.ge [sflag:s20], $0x4000  }
0x1d5: {  	[sflag:s20] =	ssyncset.done $0x0  }
0x1d6: {  	[sflag:s20] =	ssyncadd.s32 $0xFFFFC000  }
0x1d7: {  	_ =	swait.ge [sflag:s23], $0x800  }
0x1d8: {  	[sflag:s23] =	ssyncset.done $0x0  }
0x1d9: {  	s16 =	rddreg [dreg:$0x8];
	[sflag:s23] =	ssyncadd.s32 $0xFFFFF800  }
0x1da: {  	[tilespmem:s0], [sflag:$0x4] =	stream.linear.gather [hbm4b:s16+s24], $0x800, $0x38;
	[tilespmem:$0x1F800] =	vst v63  }
0x1db: {  	s16 =	simm.s32 $0x1880  }
0x1dc: {  	[tilespmem:s25], [sflag:$0x2] =	stream.indirect.gather [hbm4b:s4+s22], $0x80, s16, s22, $0xb8;
	[tilespmem:$0x1F800] =	vst v63  }
0x1dd: {  	_ =	swait.ge [sflag:s26], $0x4000  }
0x1de: {  	[sflag:s26] =	ssyncset.done $0x0  }
0x1df: {  	[sflag:s26] =	ssyncadd.s32 $0xFFFFC000  }
0x1e0: {  	[spmem:s2] =	stream.indirect.scatter.add.f32 [tilespmem:s19], [sflag:$0x5], $0x80, s7, s22, $0xb8;
	[tilespmem:$0x1F800] =	vst v63  }
0x1e1: {  	_ =	swait.ge [sflag:s20], $0x4000  }
0x1e2: {  	[sflag:s20] =	ssyncset.done $0x0  }
0x1e3: {  	s16 =	simm.s32 $0x1900;
	[sflag:s20] =	ssyncadd.s32 $0xFFFFC000  }
0x1e4: {  	[tilespmem:s19], [sflag:$0x1] =	stream.indirect.gather [hbm4b:s4+s22], $0x80, s16, s22, $0xb8;
	[tilespmem:$0x1F800] =	vst v63  }
0x1e5: {  	_ =	swait.ge [sflag:s29], $0x4000  }
0x1e6: {  	[sflag:s29] =	ssyncset.done $0x0  }
0x1e7: {  	[sflag:s29] =	ssyncadd.s32 $0xFFFFC000  }
0x1e8: {  	[spmem:s2] =	stream.indirect.scatter.add.f32 [tilespmem:s25], [sflag:$0x5], $0x80, s30, s22, $0xb8;
	[tilespmem:$0x1F800] =	vst v63  }
0x1e9: {  	_ =	swait.ge [sflag:s20], $0x4000  }
0x1ea: {  	[sflag:s20] =	ssyncset.done $0x0  }
0x1eb: {  	s16 =	simm.s32 $0x1980;
	[sflag:s20] =	ssyncadd.s32 $0xFFFFC000  }
0x1ec: {  	[tilespmem:s25], [sflag:$0x2] =	stream.indirect.gather [hbm4b:s4+s22], $0x80, s16, s22, $0xb8;
	[tilespmem:$0x1F800] =	vst v63  }
0x1ed: {  	_ =	swait.ge [sflag:s26], $0x4000  }
0x1ee: {  	[sflag:s26] =	ssyncset.done $0x0  }
0x1ef: {  	[sflag:s26] =	ssyncadd.s32 $0xFFFFC000  }
0x1f0: {  	[spmem:s2] =	stream.indirect.scatter.add.f32 [tilespmem:s19], [sflag:$0x5], $0x80, s1, s22, $0xb8;
	[tilespmem:$0x1F800] =	vst v63  }
0x1f1: {  	_ =	swait.ge [sflag:s20], $0x4000  }
0x1f2: {  	[sflag:s20] =	ssyncset.done $0x0  }
0x1f3: {  	s30 =	simm.s32 $0x1A00;
	[sflag:s20] =	ssyncadd.s32 $0xFFFFC000  }
0x1f4: {  	[tilespmem:s19], [sflag:$0x1] =	stream.indirect.gather [hbm4b:s4+s22], $0x80, s30, s22, $0xb8;
	[tilespmem:$0x1F800] =	vst v63  }
0x1f5: {  	_ =	swait.ge [sflag:s29], $0x4000  }
0x1f6: {  	[sflag:s29] =	ssyncset.done $0x0  }
0x1f7: {  	[sflag:s29] =	ssyncadd.s32 $0xFFFFC000  }
0x1f8: {  	[spmem:s2] =	stream.indirect.scatter.add.f32 [tilespmem:s25], [sflag:$0x5], $0x80, s3, s22, $0xb8;
	[tilespmem:$0x1F800] =	vst v63  }
0x1f9: {  	_ =	swait.ge [sflag:s20], $0x4000  }
0x1fa: {  	[sflag:s20] =	ssyncset.done $0x0  }
0x1fb: {  	s16 =	simm.s32 $0x1A80;
	[sflag:s20] =	ssyncadd.s32 $0xFFFFC000  }
0x1fc: {  	[tilespmem:s25], [sflag:$0x2] =	stream.indirect.gather [hbm4b:s4+s22], $0x80, s16, s22, $0xb8;
	[tilespmem:$0x1F800] =	vst v63  }
0x1fd: {  	_ =	swait.ge [sflag:s26], $0x4000  }
0x1fe: {  	[sflag:s26] =	ssyncset.done $0x0  }
0x1ff: {  	[sflag:s26] =	ssyncadd.s32 $0xFFFFC000  }
0x200: {  	[spmem:s2] =	stream.indirect.scatter.add.f32 [tilespmem:s19], [sflag:$0x5], $0x80, s5, s22, $0xb8;
	[tilespmem:$0x1F800] =	vst v63  }
0x201: {  	_ =	swait.ge [sflag:s20], $0x4000  }
0x202: {  	[sflag:s20] =	ssyncset.done $0x0  }
0x203: {  	s30 =	simm.s32 $0x1B00;
	[sflag:s20] =	ssyncadd.s32 $0xFFFFC000  }
0x204: {  	[tilespmem:s19], [sflag:$0x1] =	stream.indirect.gather [hbm4b:s4+s22], $0x80, s30, s22, $0xb8;
	[tilespmem:$0x1F800] =	vst v63  }
0x205: {  	_ =	swait.ge [sflag:s29], $0x4000  }
0x206: {  	[sflag:s29] =	ssyncset.done $0x0  }
0x207: {  	[sflag:s29] =	ssyncadd.s32 $0xFFFFC000  }
0x208: {  	[spmem:s2] =	stream.indirect.scatter.add.f32 [tilespmem:s25], [sflag:$0x5], $0x80, s6, s22, $0xb8;
	[tilespmem:$0x1F800] =	vst v63  }
0x209: {  	_ =	swait.ge [sflag:s20], $0x4000  }
0x20a: {  	[sflag:s20] =	ssyncset.done $0x0  }
0x20b: {  	s16 =	simm.s32 $0x1B80;
	[sflag:s20] =	ssyncadd.s32 $0xFFFFC000  }
0x20c: {  	[tilespmem:s25], [sflag:$0x2] =	stream.indirect.gather [hbm4b:s4+s22], $0x80, s16, s22, $0xb8;
	[tilespmem:$0x1F800] =	vst v63  }
0x20d: {  	_ =	swait.ge [sflag:s26], $0x4000  }
0x20e: {  	[sflag:s26] =	ssyncset.done $0x0  }
0x20f: {  	[sflag:s26] =	ssyncadd.s32 $0xFFFFC000  }
0x210: {  	[spmem:s2] =	stream.indirect.scatter.add.f32 [tilespmem:s19], [sflag:$0x5], $0x80, s8, s22, $0xb8;
	[tilespmem:$0x1F800] =	vst v63  }
0x211: {  	_ =	swait.ge [sflag:s20], $0x4000  }
0x212: {  	[sflag:s20] =	ssyncset.done $0x0  }
0x213: {  	s30 =	simm.s32 $0x1C00;
	[sflag:s20] =	ssyncadd.s32 $0xFFFFC000  }
0x214: {  	[tilespmem:s19], [sflag:$0x1] =	stream.indirect.gather [hbm4b:s4+s22], $0x80, s30, s22, $0xb8;
	[tilespmem:$0x1F800] =	vst v63  }
0x215: {  	_ =	swait.ge [sflag:s29], $0x4000  }
0x216: {  	[sflag:s29] =	ssyncset.done $0x0  }
0x217: {  	[sflag:s29] =	ssyncadd.s32 $0xFFFFC000  }
0x218: {  	[spmem:s2] =	stream.indirect.scatter.add.f32 [tilespmem:s25], [sflag:$0x5], $0x80, s9, s22, $0xb8;
	[tilespmem:$0x1F800] =	vst v63  }
0x219: {  	_ =	swait.ge [sflag:s20], $0x4000  }
0x21a: {  	[sflag:s20] =	ssyncset.done $0x0  }
0x21b: {  	s16 =	simm.s32 $0x1C80;
	[sflag:s20] =	ssyncadd.s32 $0xFFFFC000  }
0x21c: {  	[tilespmem:s25], [sflag:$0x2] =	stream.indirect.gather [hbm4b:s4+s22], $0x80, s16, s22, $0xb8;
	[tilespmem:$0x1F800] =	vst v63  }
0x21d: {  	_ =	swait.ge [sflag:s26], $0x4000  }
0x21e: {  	[sflag:s26] =	ssyncset.done $0x0  }
0x21f: {  	[sflag:s26] =	ssyncadd.s32 $0xFFFFC000  }
0x220: {  	[spmem:s2] =	stream.indirect.scatter.add.f32 [tilespmem:s19], [sflag:$0x5], $0x80, s10, s22, $0xb8;
	[tilespmem:$0x1F800] =	vst v63  }
0x221: {  	_ =	swait.ge [sflag:s20], $0x4000  }
0x222: {  	[sflag:s20] =	ssyncset.done $0x0  }
0x223: {  	s30 =	simm.s32 $0x1D00;
	[sflag:s20] =	ssyncadd.s32 $0xFFFFC000  }
0x224: {  	[tilespmem:s19], [sflag:$0x1] =	stream.indirect.gather [hbm4b:s4+s22], $0x80, s30, s22, $0xb8;
	[tilespmem:$0x1F800] =	vst v63  }
0x225: {  	_ =	swait.ge [sflag:s29], $0x4000  }
0x226: {  	[sflag:s29] =	ssyncset.done $0x0  }
0x227: {  	[sflag:s29] =	ssyncadd.s32 $0xFFFFC000  }
0x228: {  	[spmem:s2] =	stream.indirect.scatter.add.f32 [tilespmem:s25], [sflag:$0x5], $0x80, s11, s22, $0xb8;
	[tilespmem:$0x1F800] =	vst v63  }
0x229: {  	_ =	swait.ge [sflag:s20], $0x4000  }
0x22a: {  	[sflag:s20] =	ssyncset.done $0x0  }
0x22b: {  	s16 =	simm.s32 $0x1D80;
	[sflag:s20] =	ssyncadd.s32 $0xFFFFC000  }
0x22c: {  	[tilespmem:s25], [sflag:$0x2] =	stream.indirect.gather [hbm4b:s4+s22], $0x80, s16, s22, $0xb8;
	[tilespmem:$0x1F800] =	vst v63  }
0x22d: {  	_ =	swait.ge [sflag:s26], $0x4000  }
0x22e: {  	[sflag:s26] =	ssyncset.done $0x0  }
0x22f: {  	[sflag:s26] =	ssyncadd.s32 $0xFFFFC000  }
0x230: {  	[spmem:s2] =	stream.indirect.scatter.add.f32 [tilespmem:s19], [sflag:$0x5], $0x80, s12, s22, $0xb8;
	[tilespmem:$0x1F800] =	vst v63  }
0x231: {  	_ =	swait.ge [sflag:s20], $0x4000  }
0x232: {  	[sflag:s20] =	ssyncset.done $0x0  }
0x233: {  	s30 =	simm.s32 $0x1E00;
	[sflag:s20] =	ssyncadd.s32 $0xFFFFC000  }
0x234: {  	[tilespmem:s19], [sflag:$0x1] =	stream.indirect.gather [hbm4b:s4+s22], $0x80, s30, s22, $0xb8;
	[tilespmem:$0x1F800] =	vst v63  }
0x235: {  	_ =	swait.ge [sflag:s29], $0x4000  }
0x236: {  	[sflag:s29] =	ssyncset.done $0x0  }
0x237: {  	[sflag:s29] =	ssyncadd.s32 $0xFFFFC000  }
0x238: {  	[spmem:s2] =	stream.indirect.scatter.add.f32 [tilespmem:s25], [sflag:$0x5], $0x80, s13, s22, $0xb8;
	[tilespmem:$0x1F800] =	vst v63  }
0x239: {  	_ =	swait.ge [sflag:s20], $0x4000  }
0x23a: {  	[sflag:s20] =	ssyncset.done $0x0  }
0x23b: {  	s16 =	simm.s32 $0x1E80;
	[sflag:s20] =	ssyncadd.s32 $0xFFFFC000  }
0x23c: {  	[tilespmem:s25], [sflag:$0x2] =	stream.indirect.gather [hbm4b:s4+s22], $0x80, s16, s22, $0xb8;
	[tilespmem:$0x1F800] =	vst v63  }
0x23d: {  	_ =	swait.ge [sflag:s26], $0x4000  }
0x23e: {  	[sflag:s26] =	ssyncset.done $0x0  }
0x23f: {  	[sflag:s26] =	ssyncadd.s32 $0xFFFFC000  }
0x240: {  	[spmem:s2] =	stream.indirect.scatter.add.f32 [tilespmem:s19], [sflag:$0x5], $0x80, s14, s22, $0xb8;
	[tilespmem:$0x1F800] =	vst v63  }
0x241: {  	_ =	swait.ge [sflag:s20], $0x4000  }
0x242: {  	[sflag:s20] =	ssyncset.done $0x0  }
0x243: {  	s30 =	simm.s32 $0x1F00;
	[sflag:s20] =	ssyncadd.s32 $0xFFFFC000  }
0x244: {  	[tilespmem:s19], [sflag:$0x1] =	stream.indirect.gather [hbm4b:s4+s22], $0x80, s30, s22, $0xb8;
	[tilespmem:$0x1F800] =	vst v63  }
0x245: {  	_ =	swait.ge [sflag:s29], $0x4000  }
0x246: {  	[sflag:s29] =	ssyncset.done $0x0  }
0x247: {  	[sflag:s29] =	ssyncadd.s32 $0xFFFFC000  }
0x248: {  	[spmem:s2] =	stream.indirect.scatter.add.f32 [tilespmem:s25], [sflag:$0x5], $0x80, s15, s22, $0xb8;
	[tilespmem:$0x1F800] =	vst v63  }
0x249: {  	_ =	swait.ge [sflag:s20], $0x4000  }
0x24a: {  	[sflag:s20] =	ssyncset.done $0x0  }
0x24b: {  	s16 =	simm.s32 $0x1F80;
	[sflag:s20] =	ssyncadd.s32 $0xFFFFC000  }
0x24c: {  	[tilespmem:s25], [sflag:$0x2] =	stream.indirect.gather [hbm4b:s4+s22], $0x80, s16, s22, $0xb8;
	[tilespmem:$0x1F800] =	vst v63  }
0x24d: {  	_ =	swait.ge [sflag:s26], $0x4000  }
0x24e: {  	[sflag:s26] =	ssyncset.done $0x0  }
0x24f: {  	[sflag:s26] =	ssyncadd.s32 $0xFFFFC000  }
0x250: {  	[spmem:s2] =	stream.indirect.scatter.add.f32 [tilespmem:s19], [sflag:$0x5], $0x80, s18, s22, $0xb8;
	[tilespmem:$0x1F800] =	vst v63  }
0x251: {  	_ =	swait.ge [sflag:s20], $0x4000  }
0x252: {  	[sflag:s20] =	ssyncset.done $0x0  }
0x253: {  	s30 =	simm.s32 $0x2000;
	[sflag:s20] =	ssyncadd.s32 $0xFFFFC000  }
0x254: {  	[tilespmem:s19], [sflag:$0x1] =	stream.indirect.gather [hbm4b:s4+s22], $0x80, s30, s22, $0xb8;
	[tilespmem:$0x1F800] =	vst v63  }
0x255: {  	_ =	swait.ge [sflag:s29], $0x4000  }
0x256: {  	[sflag:s29] =	ssyncset.done $0x0  }
0x257: {  	[sflag:s29] =	ssyncadd.s32 $0xFFFFC000  }
0x258: {  	[spmem:s2] =	stream.indirect.scatter.add.f32 [tilespmem:s25], [sflag:$0x5], $0x80, s21, s22, $0xb8;
	[tilespmem:$0x1F800] =	vst v63  }
0x259: {  	_ =	swait.ge [sflag:s20], $0x4000  }
0x25a: {  	[sflag:s20] =	ssyncset.done $0x0  }
0x25b: {  	[sflag:s20] =	ssyncadd.s32 $0xFFFFC000  }
0x25c: {  	_ =	swait.ge [sflag:s23], $0x800  }
0x25d: {  	[sflag:s23] =	ssyncset.done $0x0  }
0x25e: {  	s16 =	simm.s32 $0x2080;
	[sflag:s23] =	ssyncadd.s32 $0xFFFFF800  }
0x25f: {  	[tilespmem:s25], [sflag:$0x2] =	stream.indirect.gather [hbm4b:s4+s22], $0x80, s16, s22, $0xb8;
	[tilespmem:$0x1F800] =	vst v63  }
0x260: {  	_ =	swait.ge [sflag:s26], $0x4000  }
0x261: {  	[sflag:s26] =	ssyncset.done $0x0  }
0x262: {  	s1 =	simm.s32 $0x2800;
	[sflag:s26] =	ssyncadd.s32 $0xFFFFC000  }
0x263: {  	[spmem:s2] =	stream.indirect.scatter.add.f32 [tilespmem:s19], [sflag:$0x5], $0x80, s1, s22, $0xb8;
	[tilespmem:$0x1F800] =	vst v63  }
0x264: {  	_ =	swait.ge [sflag:s20], $0x4000  }
0x265: {  	[sflag:s20] =	ssyncset.done $0x0  }
0x266: {  	s21 =	simm.s32 $0x2100;
	[sflag:s20] =	ssyncadd.s32 $0xFFFFC000  }
0x267: {  	[tilespmem:s19], [sflag:$0x1] =	stream.indirect.gather [hbm4b:s4+s22], $0x80, s21, s22, $0xb8;
	[tilespmem:$0x1F800] =	vst v63  }
0x268: {  	_ =	swait.ge [sflag:s29], $0x4000  }
0x269: {  	[sflag:s29] =	ssyncset.done $0x0  }
0x26a: {  	s30 =	simm.s32 $0x2880;
	[sflag:s29] =	ssyncadd.s32 $0xFFFFC000  }
0x26b: {  	[spmem:s2] =	stream.indirect.scatter.add.f32 [tilespmem:s25], [sflag:$0x5], $0x80, s30, s22, $0xb8;
	[tilespmem:$0x1F800] =	vst v63  }
0x26c: {  	_ =	swait.ge [sflag:s20], $0x4000  }
0x26d: {  	[sflag:s20] =	ssyncset.done $0x0  }
0x26e: {  	s16 =	simm.s32 $0x2180;
	[sflag:s20] =	ssyncadd.s32 $0xFFFFC000  }
0x26f: {  	[tilespmem:s25], [sflag:$0x2] =	stream.indirect.gather [hbm4b:s4+s22], $0x80, s16, s22, $0xb8;
	[tilespmem:$0x1F800] =	vst v63  }
0x270: {  	_ =	swait.ge [sflag:s26], $0x4000  }
0x271: {  	[sflag:s26] =	ssyncset.done $0x0  }
0x272: {  	[sflag:s26] =	ssyncadd.s32 $0xFFFFC000  }
0x273: {  	[spmem:s2] =	stream.indirect.scatter.add.f32 [tilespmem:s19], [sflag:$0x5], $0x80, s31, s22, $0xb8;
	[tilespmem:$0x1F800] =	vst v63  }
0x274: {  	_ =	swait.ge [sflag:s20], $0x4000  }
0x275: {  	[sflag:s20] =	ssyncset.done $0x0  }
0x276: {  	s21 =	simm.s32 $0x2200;
	[sflag:s20] =	ssyncadd.s32 $0xFFFFC000  }
0x277: {  	[tilespmem:s19], [sflag:$0x1] =	stream.indirect.gather [hbm4b:s4+s22], $0x80, s21, s22, $0xb8;
	[tilespmem:$0x1F800] =	vst v63  }
0x278: {  	_ =	swait.ge [sflag:s29], $0x4000  }
0x279: {  	[sflag:s29] =	ssyncset.done $0x0  }
0x27a: {  	s30 =	simm.s32 $0x2980;
	[sflag:s29] =	ssyncadd.s32 $0xFFFFC000  }
0x27b: {  	[spmem:s2] =	stream.indirect.scatter.add.f32 [tilespmem:s25], [sflag:$0x5], $0x80, s30, s22, $0xb8;
	[tilespmem:$0x1F800] =	vst v63  }
0x27c: {  	_ =	swait.ge [sflag:s20], $0x4000  }
0x27d: {  	[sflag:s20] =	ssyncset.done $0x0  }
0x27e: {  	s16 =	simm.s32 $0x2280;
	[sflag:s20] =	ssyncadd.s32 $0xFFFFC000  }
0x27f: {  	[tilespmem:s25], [sflag:$0x2] =	stream.indirect.gather [hbm4b:s4+s22], $0x80, s16, s22, $0xb8;
	[tilespmem:$0x1F800] =	vst v63  }
0x280: {  	_ =	swait.ge [sflag:s26], $0x4000  }
0x281: {  	[sflag:s26] =	ssyncset.done $0x0  }
0x282: {  	s21 =	simm.s32 $0x2A00;
	[sflag:s26] =	ssyncadd.s32 $0xFFFFC000  }
0x283: {  	[spmem:s2] =	stream.indirect.scatter.add.f32 [tilespmem:s19], [sflag:$0x5], $0x80, s21, s22, $0xb8;
	[tilespmem:$0x1F800] =	vst v63  }
0x284: {  	_ =	swait.ge [sflag:s20], $0x4000  }
0x285: {  	[sflag:s20] =	ssyncset.done $0x0  }
0x286: {  	s30 =	simm.s32 $0x2300;
	[sflag:s20] =	ssyncadd.s32 $0xFFFFC000  }
0x287: {  	[tilespmem:s19], [sflag:$0x1] =	stream.indirect.gather [hbm4b:s4+s22], $0x80, s30, s22, $0xb8;
	[tilespmem:$0x1F800] =	vst v63  }
0x288: {  	_ =	swait.ge [sflag:s29], $0x4000  }
0x289: {  	[sflag:s29] =	ssyncset.done $0x0  }
0x28a: {  	s16 =	simm.s32 $0x2A80;
	[sflag:s29] =	ssyncadd.s32 $0xFFFFC000  }
0x28b: {  	[spmem:s2] =	stream.indirect.scatter.add.f32 [tilespmem:s25], [sflag:$0x5], $0x80, s16, s22, $0xb8;
	[tilespmem:$0x1F800] =	vst v63  }
0x28c: {  	_ =	swait.ge [sflag:s20], $0x4000  }
0x28d: {  	[sflag:s20] =	ssyncset.done $0x0  }
0x28e: {  	s21 =	simm.s32 $0x2380;
	[sflag:s20] =	ssyncadd.s32 $0xFFFFC000  }
0x28f: {  	[tilespmem:s25], [sflag:$0x2] =	stream.indirect.gather [hbm4b:s4+s22], $0x80, s21, s22, $0xb8;
	[tilespmem:$0x1F800] =	vst v63  }
0x290: {  	_ =	swait.ge [sflag:s26], $0x4000  }
0x291: {  	[sflag:s26] =	ssyncset.done $0x0  }
0x292: {  	s30 =	simm.s32 $0x2B00;
	[sflag:s26] =	ssyncadd.s32 $0xFFFFC000  }
0x293: {  	[spmem:s2] =	stream.indirect.scatter.add.f32 [tilespmem:s19], [sflag:$0x5], $0x80, s30, s22, $0xb8;
	[tilespmem:$0x1F800] =	vst v63  }
0x294: {  	_ =	swait.ge [sflag:s20], $0x4000  }
0x295: {  	[sflag:s20] =	ssyncset.done $0x0  }
0x296: {  	s16 =	simm.s32 $0x2400;
	[sflag:s20] =	ssyncadd.s32 $0xFFFFC000  }
0x297: {  	[tilespmem:s19], [sflag:$0x1] =	stream.indirect.gather [hbm4b:s4+s22], $0x80, s16, s22, $0xb8;
	[tilespmem:$0x1F800] =	vst v63  }
0x298: {  	_ =	swait.ge [sflag:s29], $0x4000  }
0x299: {  	[sflag:s29] =	ssyncset.done $0x0  }
0x29a: {  	s21 =	simm.s32 $0x2B80;
	[sflag:s29] =	ssyncadd.s32 $0xFFFFC000  }
0x29b: {  	[spmem:s2] =	stream.indirect.scatter.add.f32 [tilespmem:s25], [sflag:$0x5], $0x80, s21, s22, $0xb8;
	[tilespmem:$0x1F800] =	vst v63  }
0x29c: {  	_ =	swait.ge [sflag:s20], $0x4000  }
0x29d: {  	[sflag:s20] =	ssyncset.done $0x0  }
0x29e: {  	s30 =	simm.s32 $0x2480;
	[sflag:s20] =	ssyncadd.s32 $0xFFFFC000  }
0x29f: {  	[tilespmem:s25], [sflag:$0x2] =	stream.indirect.gather [hbm4b:s4+s22], $0x80, s30, s22, $0xb8;
	[tilespmem:$0x1F800] =	vst v63  }
0x2a0: {  	_ =	swait.ge [sflag:s26], $0x4000  }
0x2a1: {  	[sflag:s26] =	ssyncset.done $0x0  }
0x2a2: {  	s16 =	simm.s32 $0x2C00;
	[sflag:s26] =	ssyncadd.s32 $0xFFFFC000  }
0x2a3: {  	[spmem:s2] =	stream.indirect.scatter.add.f32 [tilespmem:s19], [sflag:$0x5], $0x80, s16, s22, $0xb8;
	[tilespmem:$0x1F800] =	vst v63  }
0x2a4: {  	_ =	swait.ge [sflag:s20], $0x4000  }
0x2a5: {  	[sflag:s20] =	ssyncset.done $0x0  }
0x2a6: {  	s21 =	simm.s32 $0x2500;
	[sflag:s20] =	ssyncadd.s32 $0xFFFFC000  }
0x2a7: {  	[tilespmem:s19], [sflag:$0x1] =	stream.indirect.gather [hbm4b:s4+s22], $0x80, s21, s22, $0xb8;
	[tilespmem:$0x1F800] =	vst v63  }
0x2a8: {  	_ =	swait.ge [sflag:s29], $0x4000  }
0x2a9: {  	[sflag:s29] =	ssyncset.done $0x0  }
0x2aa: {  	s30 =	simm.s32 $0x2C80;
	[sflag:s29] =	ssyncadd.s32 $0xFFFFC000  }
0x2ab: {  	[spmem:s2] =	stream.indirect.scatter.add.f32 [tilespmem:s25], [sflag:$0x5], $0x80, s30, s22, $0xb8;
	[tilespmem:$0x1F800] =	vst v63  }
0x2ac: {  	_ =	swait.ge [sflag:s20], $0x4000  }
0x2ad: {  	[sflag:s20] =	ssyncset.done $0x0  }
0x2ae: {  	s16 =	simm.s32 $0x2580;
	[sflag:s20] =	ssyncadd.s32 $0xFFFFC000  }
0x2af: {  	[tilespmem:s25], [sflag:$0x2] =	stream.indirect.gather [hbm4b:s4+s22], $0x80, s16, s22, $0xb8;
	[tilespmem:$0x1F800] =	vst v63  }
0x2b0: {  	_ =	swait.ge [sflag:s26], $0x4000  }
0x2b1: {  	[sflag:s26] =	ssyncset.done $0x0  }
0x2b2: {  	s21 =	simm.s32 $0x2D00;
	[sflag:s26] =	ssyncadd.s32 $0xFFFFC000  }
0x2b3: {  	[spmem:s2] =	stream.indirect.scatter.add.f32 [tilespmem:s19], [sflag:$0x5], $0x80, s21, s22, $0xb8;
	[tilespmem:$0x1F800] =	vst v63  }
0x2b4: {  	_ =	swait.ge [sflag:s20], $0x4000  }
0x2b5: {  	[sflag:s20] =	ssyncset.done $0x0  }
0x2b6: {  	s30 =	simm.s32 $0x2600;
	[sflag:s20] =	ssyncadd.s32 $0xFFFFC000  }
0x2b7: {  	[tilespmem:s19], [sflag:$0x1] =	stream.indirect.gather [hbm4b:s4+s22], $0x80, s30, s22, $0xb8;
	[tilespmem:$0x1F800] =	vst v63  }
0x2b8: {  	_ =	swait.ge [sflag:s29], $0x4000  }
0x2b9: {  	[sflag:s29] =	ssyncset.done $0x0  }
0x2ba: {  	s16 =	simm.s32 $0x2D80;
	[sflag:s29] =	ssyncadd.s32 $0xFFFFC000  }
0x2bb: {  	[spmem:s2] =	stream.indirect.scatter.add.f32 [tilespmem:s25], [sflag:$0x5], $0x80, s16, s22, $0xb8;
	[tilespmem:$0x1F800] =	vst v63  }
0x2bc: {  	_ =	swait.ge [sflag:s20], $0x4000  }
0x2bd: {  	[sflag:s20] =	ssyncset.done $0x0  }
0x2be: {  	s21 =	simm.s32 $0x2680;
	[sflag:s20] =	ssyncadd.s32 $0xFFFFC000  }
0x2bf: {  	[tilespmem:s25], [sflag:$0x2] =	stream.indirect.gather [hbm4b:s4+s22], $0x80, s21, s22, $0xb8;
	[tilespmem:$0x1F800] =	vst v63  }
0x2c0: {  	_ =	swait.ge [sflag:s26], $0x4000  }
0x2c1: {  	[sflag:s26] =	ssyncset.done $0x0  }
0x2c2: {  	s30 =	simm.s32 $0x2E00;
	[sflag:s26] =	ssyncadd.s32 $0xFFFFC000  }
0x2c3: {  	[spmem:s2] =	stream.indirect.scatter.add.f32 [tilespmem:s19], [sflag:$0x5], $0x80, s30, s22, $0xb8;
	[tilespmem:$0x1F800] =	vst v63  }
0x2c4: {  	_ =	swait.ge [sflag:s20], $0x4000  }
0x2c5: {  	[sflag:s20] =	ssyncset.done $0x0  }
0x2c6: {  	s16 =	simm.s32 $0x2700;
	[sflag:s20] =	ssyncadd.s32 $0xFFFFC000  }
0x2c7: {  	[tilespmem:s19], [sflag:$0x1] =	stream.indirect.gather [hbm4b:s4+s22], $0x80, s16, s22, $0xb8;
	[tilespmem:$0x1F800] =	vst v63  }
0x2c8: {  	_ =	swait.ge [sflag:s29], $0x4000  }
0x2c9: {  	[sflag:s29] =	ssyncset.done $0x0  }
0x2ca: {  	s21 =	simm.s32 $0x2E80;
	[sflag:s29] =	ssyncadd.s32 $0xFFFFC000  }
0x2cb: {  	[spmem:s2] =	stream.indirect.scatter.add.f32 [tilespmem:s25], [sflag:$0x5], $0x80, s21, s22, $0xb8;
	[tilespmem:$0x1F800] =	vst v63  }
0x2cc: {  	_ =	swait.ge [sflag:s20], $0x4000  }
0x2cd: {  	[sflag:s20] =	ssyncset.done $0x0  }
0x2ce: {  	s30 =	simm.s32 $0x2780;
	[sflag:s20] =	ssyncadd.s32 $0xFFFFC000  }
0x2cf: {  	[tilespmem:s25], [sflag:$0x2] =	stream.indirect.gather [hbm4b:s4+s22], $0x80, s30, s22, $0xb8;
	[tilespmem:$0x1F800] =	vst v63  }
0x2d0: {  	_ =	swait.ge [sflag:s26], $0x4000  }
0x2d1: {  	[sflag:s26] =	ssyncset.done $0x0  }
0x2d2: {  	s16 =	simm.s32 $0x2F00;
	[sflag:s26] =	ssyncadd.s32 $0xFFFFC000  }
0x2d3: {  	[spmem:s2] =	stream.indirect.scatter.add.f32 [tilespmem:s19], [sflag:$0x5], $0x80, s16, s22, $0xb8;
	[tilespmem:$0x1F800] =	vst v63  }
0x2d4: {  	_ =	swait.ge [sflag:s20], $0x4000  }
0x2d5: {  	[sflag:s20] =	ssyncset.done $0x0  }
0x2d6: {  	[sflag:s20] =	ssyncadd.s32 $0xFFFFC000  }
0x2d7: {  	[tilespmem:s19], [sflag:$0x1] =	stream.indirect.gather [hbm4b:s4+s22], $0x80, s24, s22, $0xb8;
	[tilespmem:$0x1F800] =	vst v63  }
0x2d8: {  	_ =	swait.ge [sflag:s29], $0x4000  }
0x2d9: {  	[sflag:s29] =	ssyncset.done $0x0  }
0x2da: {  	s21 =	simm.s32 $0x2F80;
	[sflag:s29] =	ssyncadd.s32 $0xFFFFC000  }
0x2db: {  	[spmem:s2] =	stream.indirect.scatter.add.f32 [tilespmem:s25], [sflag:$0x5], $0x80, s21, s22, $0xb8;
	[tilespmem:$0x1F800] =	vst v63  }
0x2dc: {  	_ =	swait.ge [sflag:s20], $0x4000  }
0x2dd: {  	[sflag:s20] =	ssyncset.done $0x0  }
0x2de: {  	[sflag:s20] =	ssyncadd.s32 $0xFFFFC000  }
0x2df: {  	_ =	swait.ge [sflag:s26], $0x4000  }
0x2e0: {  	[sflag:s26] =	ssyncset.done $0x0  }
0x2e1: {  	s30 =	stileid.u32;
	[sflag:s26] =	ssyncadd.s32 $0xFFFFC000  }
0x2e2: {  	s16 =	sshll.u32 s30, $0x6;
	[bflag:$0x0] =	sbarrier.arrive $0xFFFF  }
0x2e3: {  	s0 =	sshrl.u32 s28, $0x3;
	s16 =	sor.u32 $0x1C05, s16;
	s28 =	rddreg [dreg:$0x9]  }
0x2e4: {  	[hbm:s28], [sflag:s16] =	dma.local [spmem:s0], $0x2800  }
0x2e5: {  	_ =	swait.ge [sflag:s20], $0x2800  }
0x2e6: {  	s17 =	sadd.s32 $0x1, s17;
	s30 =	rddreg [dreg:$0xa]  }
0x2e7: {  	p0 =	sne.s32 s17, s30  }
.Ltmp1:
0x2e8: {  	_ = 	snop;
	(pc) =	sbr.rel @p0 .LBB2_1-.Ltmp1, $3  }
0x2e9: {  	_ =	sdelay $0x1  }
0x2ea: {  	[sflag:s20] =	ssyncset.done $0x0  }
0x2eb: {  	[sflag:s20] =	ssyncadd.s32 $0xFFFFD800  }
0x2ec: {  	_ =	sfence.sel $0x180000  }
0x2ed: {  	[bflag:$0x0] =	sbarrier.arrive $0xFFFF  }
0x2ee: {  	_ =	strace $0x9000004A  }
0x2ef: {  	s0 =	stileid.u32;
	[bflag:$0x2] =	sbarrier.arrive $0xFFFF  }
0x2f0: {  	p0 =	sne.s32 s0, $0x0;
	s0 =	rddreg [dreg:$0x2]  }
0x2f1: {  	s0 =	sadd.s32 @!p0 $0x100000, s0  }
0x2f2: {  	[sflag:s0] =	ssyncadd.tile.s32 @!p0 $0x1;
	_ =	shalt  }
.Lfunc_end2:
_tile_overlayer_lowered:
.L_overlay_start_2:
0x2f3: {  	(tag) =	ssettag $0x2  }
0x2f4: {  	s0 =	rddreg [dreg:$0x0];
	s2 =	stileid.u32  }
0x2f5: {  	s1 =	rddreg [dreg:$0x1];
	p0 =	sne.s32 s2, $0x0  }
0x2f6: {  	s3 =	rddreg [dreg:$0x2];
	[bflag:$0x3] =	sbarrier.arrive $0xFFFF;
	s2 =	simm.s32 @!p0 $0x1C05  }
0x2f7: {  	[timem:s3], [sflag:s2] =	dma.local @!p0 [hbm:s0], s1  }
0x2f8: {  	s0 =	simm.s32 @!p0 $0x5  }
0x2f9: {  	_ =	swait.ge @!p0 [sflag:s0], s1  }
0x2fa: {  	s1 =	ssub.s32 @!p0 $0x0, s1;
	[sflag:s0] =	ssyncset.done @!p0 $0x0  }
0x2fb: {  	[sflag:s0] =	ssyncadd.s32 @!p0 s1  }
0x2fc: {  	[bflag:$0x3] =	sbarrier.arrive $0xFFFF  }
0x2fd: {  	_ =	shalt  }

</sc_bundles>
